<compile_context>
chip_gen: v7x
topology: tpu7x:2x2x1
jax: 0.10.2.dev20260603
libtpu: 0.0.44.dev20260713+nightly
codegen_flags: <defaults>
</compile_context>

<pallas_src>
import functools

import jax
import jax.numpy as jnp
from jax import lax
from jax.experimental import pallas as pl
from jax.experimental.pallas import tpu as pltpu
from jax.experimental.pallas import tpu_sc as plsc

_L = 16
_W = 128
_G = 32


@functools.lru_cache(maxsize=None)
def _make_gather(V, D, B):
    info = plsc.get_sparse_core_info()
    nw = info.num_cores * info.num_subcores
    assert B % nw == 0 and D == _L
    b_per_w = B // nw
    assert b_per_w % _G == 0
    n_groups = b_per_w // _G
    mesh = plsc.VectorSubcoreMesh(core_axis_name="c", subcore_axis_name="s")

    @functools.partial(
        pl.kernel,
        mesh=mesh,
        out_type=jax.ShapeDtypeStruct((D, B), jnp.float32),
        scratch_types=[
            pltpu.VMEM((b_per_w,), jnp.int32),
            pltpu.VMEM((_G, D, _W), jnp.float32),
            pltpu.VMEM((D, b_per_w), jnp.float32),
            pltpu.SemaphoreType.DMA,
        ],
        compiler_params=pltpu.CompilerParams(needs_layout_passes=False),
    )
    def gather_kernel(tableT_hbm, idx_hbm, outT_hbm, idx_v, ring_v, rows_v, sem):
        wid = lax.axis_index("s") * info.num_cores + lax.axis_index("c")
        base = wid * b_per_w
        pltpu.sync_copy(idx_hbm.at[wid], idx_v)
        lane = lax.iota(jnp.int32, _L)

        def body(g, carry):
            xs = [idx_v[pl.ds(g * _G + t * _L, _L)] for t in range(_G // _L)]
            rs, copies = [], []
            for s in range(_G):
                t, l = divmod(s, _L)
                r = jnp.sum(jnp.where(lane == l, xs[t], 0))
                rs.append(r)
                r0 = pl.multiple_of(lax.bitwise_and(r, -_W), _W)
                copies.append(
                    pltpu.async_copy(
                        tableT_hbm.at[:, pl.ds(r0, _W)],
                        ring_v.at[s],
                        sem,
                    )
                )
            for c in copies:
                c.wait()
            for s in range(_G):
                j = lax.bitwise_and(rs[s], _W - 1)
                vals = plsc.load_gather(
                    ring_v,
                    [
                        jnp.full((_L,), s, jnp.int32),
                        lane,
                        jnp.full((_L,), j, jnp.int32),
                    ],
                )
                plsc.store_scatter(
                    rows_v,
                    [lane, jnp.full((_L,), g * _G + s, jnp.int32)],
                    vals,
                )
            return carry

        lax.fori_loop(0, n_groups, body, 0)
        pltpu.sync_copy(rows_v, outT_hbm.at[:, pl.ds(base, b_per_w)])

    return gather_kernel, nw, b_per_w


def kernel(x, table):
    B = x.shape[0]
    V, D = table.shape
    gather, nw, b_per_w = _make_gather(V, D, B)
    idx = jnp.asarray(x, jnp.int32).reshape(nw, b_per_w)
    return gather(table.T, idx).T

# --- scband reference (transcript-rebuilt; emitter-appended) ---
"""Pipeline reference for scband-model-26620207301097 (READ-ONLY COPY).

The authoritative reference and input builder live on the scoring server;
editing this copy changes nothing except your own understanding.
"""

import jax, jax.numpy as jnp
import numpy as np

VOCAB = 1000000
EMBED_DIM = 16
BATCH = 16384

def setup_inputs(seed: int = 0) -> dict:
    key = jax.random.key(seed)
    k1, k2 = jax.random.split(key)
    x = jax.random.randint(k1, (BATCH,), 0, VOCAB, dtype=jnp.int64)
    # Learned parameter: the dynamic embedding table materialized as a dense table.
    table = jax.random.normal(k2, (VOCAB, EMBED_DIM), dtype=jnp.float32)
    return {"x": x, "table": table}

def reference(x, table):
    # torch.ops.dynamicemb.ir_emb_lookup(x, x.shape[0], [16]) is a dynamic-embedding
    # row lookup producing float32[batch, 16]. Faithful JAX translation is a gather
    # of rows from the embedding table by index.
    out = jnp.take(table, x, axis=0)
    return out

if __name__ == "__main__":
    import jax
    _d = setup_inputs()
    print(jax.jit(kernel)(*tuple(_d.values())))

</pallas_src>

<mosaic_0001>
#map = affine_map<(d0, d1) -> (0, 0)>
module attributes {stable_mosaic.version = 14 : i64} {
  func.func @gather_kernel(%arg0: i32, %arg1: i32, %arg2: memref<16x1000000xf32, #tpu.memory_space<hbm>>, %arg3: memref<32x512xi32, #tpu.memory_space<hbm>>, %arg4: memref<16x16384xf32, #tpu.memory_space<hbm>>, %arg5: memref<512xi32, #tpu.memory_space<vmem>>, %arg6: memref<32x16x128xf32, #tpu.memory_space<vmem>>, %arg7: memref<16x512xf32, #tpu.memory_space<vmem>>, %arg8: memref<!tpu.dma_semaphore, #tpu.memory_space<semaphore_mem>>) attributes {dimension_semantics = [#tpu.dimension_semantics<core_parallel>, #tpu.dimension_semantics<subcore_parallel>], iteration_bounds = array<i64: 2, 16>, scalar_prefetch = 0 : i64, scratch_operands = 4 : i64, tpu.core_type = #tpu.core_type<sc_vector_subcore>, window_params = [{transform_indices = #map}, {transform_indices = #map}, {transform_indices = #map}]} {
    %mul3A = arith.constant 2 : i32
    %mul3A_0 = arith.muli %arg1, %mul3A : i32
    %add3A = arith.addi %mul3A_0, %arg0 : i32
    %mul3A_1 = arith.constant 512 : i32
    %mul3A_2 = arith.muli %add3A, %mul3A_1 : i32
    "tpu.region"() ({
      %run_scoped3A = tpu.sem_alloc : memref<!tpu.dma_semaphore, #tpu.memory_space<semaphore_mem>>
      %dma_start3A = arith.constant 0 : i32
      %dma_start3A_8 = tpu.memref_slice %arg3[%add3A, %dma_start3A] : memref<32x512xi32, #tpu.memory_space<hbm>> -> memref<1x512xi32, #tpu.memory_space<hbm>>
      %dma_start3A_9 = tpu.memref_squeeze %dma_start3A_8 : memref<1x512xi32, #tpu.memory_space<hbm>> -> memref<512xi32, #tpu.memory_space<hbm>>
      %dma_start3A_10 = arith.constant 0 : i32
      %dma_start3A_11 = tpu.memref_slice %arg3[%add3A, %dma_start3A_10] : memref<32x512xi32, #tpu.memory_space<hbm>> -> memref<1x512xi32, #tpu.memory_space<hbm>>
      %dma_start3A_12 = tpu.memref_squeeze %dma_start3A_11 : memref<1x512xi32, #tpu.memory_space<hbm>> -> memref<512xi32, #tpu.memory_space<hbm>>
      tpu.enqueue_dma source(%dma_start3A_12 : memref<512xi32, #tpu.memory_space<hbm>>) target(%arg5 : memref<512xi32, #tpu.memory_space<vmem>>) target_semaphore(%run_scoped3A : memref<!tpu.dma_semaphore, #tpu.memory_space<semaphore_mem>>)
      %dma_wait3A = arith.constant 0 : i32
      %dma_wait3A_13 = tpu.memref_slice %arg3[%add3A, %dma_wait3A] : memref<32x512xi32, #tpu.memory_space<hbm>> -> memref<1x512xi32, #tpu.memory_space<hbm>>
      %dma_wait3A_14 = tpu.memref_squeeze %dma_wait3A_13 : memref<1x512xi32, #tpu.memory_space<hbm>> -> memref<512xi32, #tpu.memory_space<hbm>>
      %dma_wait3A_15 = arith.constant 0 : i32
      %dma_wait3A_16 = tpu.memref_slice %arg3[%add3A, %dma_wait3A_15] : memref<32x512xi32, #tpu.memory_space<hbm>> -> memref<1x512xi32, #tpu.memory_space<hbm>>
      %dma_wait3A_17 = tpu.memref_squeeze %dma_wait3A_16 : memref<1x512xi32, #tpu.memory_space<hbm>> -> memref<512xi32, #tpu.memory_space<hbm>>
      tpu.wait_dma2 semaphore(%run_scoped3A : memref<!tpu.dma_semaphore, #tpu.memory_space<semaphore_mem>>) src(%dma_wait3A_17 : memref<512xi32, #tpu.memory_space<hbm>>) dst(%arg5 : memref<512xi32, #tpu.memory_space<vmem>>)
      tpu.yield
    }) : () -> ()
    %iota3A = tpu.iota {dimensions = array<i32: 0>} : vector<16xi32>
    %scan3A = arith.constant 0 : i32
    %scan3A_3 = arith.constant 0 : i32
    %scan3A_4 = arith.constant 16 : i32
    %scan3A_5 = arith.addi %scan3A_3, %scan3A_4 : i32
    %scan3A_6 = arith.constant 1 : i32
    scf.for %scan3A_8 = %scan3A_3 to %scan3A_5 step %scan3A_6  : i32 {
      %mul3A_9 = arith.constant 32 : i32
      %mul3A_10 = arith.muli %scan3A_8, %mul3A_9 : i32
      %add3A_11 = arith.constant 0 : i32
      %add3A_12 = arith.addi %mul3A_10, %add3A_11 : i32
      %get3A = arith.index_cast %add3A_12 : i32 to index
      %get3A_13 = tpu.vector_load %arg5[%get3A] {strides = array<i32>} : memref<512xi32, #tpu.memory_space<vmem>>, vector<16xi32>,
      %mul3A_14 = arith.constant 32 : i32
      %mul3A_15 = arith.muli %scan3A_8, %mul3A_14 : i32
      %add3A_16 = arith.constant 16 : i32
      %add3A_17 = arith.addi %mul3A_15, %add3A_16 : i32
      %get3A_18 = arith.index_cast %add3A_17 : i32 to index
      %get3A_19 = tpu.vector_load %arg5[%get3A_18] {strides = array<i32>} : memref<512xi32, #tpu.memory_space<vmem>>, vector<16xi32>,
      %eq3A = arith.constant 0 : i32
      %eq3A_20 = vector.broadcast %eq3A : i32 to vector<16xi32>
      %eq3A_21 = arith.cmpi eq, %iota3A, %eq3A_20 : vector<16xi32>
      %jit3A = arith.constant 0 : i32
      %broadcast_in_dim3A = vector.broadcast %jit3A : i32 to vector<16xi32>
      %select_n3A = arith.select %eq3A_21, %get3A_13, %broadcast_in_dim3A : vector<16xi1>, vector<16xi32>
      %reduce_sum3A = arith.constant true
      %reduce_sum3A_22 = vector.broadcast %reduce_sum3A : i1 to vector<16xi1>
      %reduce_sum3A_23 = tpu.scan <sum>, %select_n3A masked %reduce_sum3A_22 : vector<16xi32>, vector<16xi1> -> vector<16xi32>
      %reduce_sum3A_24 = vector.extract %reduce_sum3A_23[15] : i32 from vector<16xi32>
      %and3A = arith.constant -128 : i32
      %and3A_25 = arith.andi %reduce_sum3A_24, %and3A : i32
      %multiple_of3A = tpu.assume_multiple %and3A_25, 128 : i32
      %dma_start3A = arith.constant 0 : i32
      %dma_start3A_26 = arith.constant 0 : i32
      %dma_start3A_27 = arith.constant 0 : i32
      %dma_start3A_28 = tpu.memref_slice %arg6[%dma_start3A, %dma_start3A_26, %dma_start3A_27] : memref<32x16x128xf32, #tpu.memory_space<vmem>> -> memref<1x16x128xf32, #tpu.memory_space<vmem>>
      %dma_start3A_29 = tpu.memref_squeeze %dma_start3A_28 : memref<1x16x128xf32, #tpu.memory_space<vmem>> -> memref<16x128xf32, #tpu.memory_space<vmem>>
      %dma_start3A_30 = arith.constant 0 : i32
      %dma_start3A_31 = tpu.memref_slice %arg2[%dma_start3A_30, %multiple_of3A] : memref<16x1000000xf32, #tpu.memory_space<hbm>> -> memref<16x128xf32, #tpu.memory_space<hbm>>
      %dma_start3A_32 = arith.constant 0 : i32
      %dma_start3A_33 = arith.constant 0 : i32
      %dma_start3A_34 = tpu.memref_slice %arg6[%dma_start3A, %dma_start3A_32, %dma_start3A_33] : memref<32x16x128xf32, #tpu.memory_space<vmem>> -> memref<1x16x128xf32, #tpu.memory_space<vmem>>
      %dma_start3A_35 = tpu.memref_squeeze %dma_start3A_34 : memref<1x16x128xf32, #tpu.memory_space<vmem>> -> memref<16x128xf32, #tpu.memory_space<vmem>>
      %dma_start3A_36 = arith.constant 0 : i32
      %dma_start3A_37 = tpu.memref_slice %arg2[%dma_start3A_36, %multiple_of3A] : memref<16x1000000xf32, #tpu.memory_space<hbm>> -> memref<16x128xf32, #tpu.memory_space<hbm>>
      tpu.enqueue_dma source(%dma_start3A_37 : memref<16x128xf32, #tpu.memory_space<hbm>>) target(%dma_start3A_35 : memref<16x128xf32, #tpu.memory_space<vmem>>) target_semaphore(%arg8 : memref<!tpu.dma_semaphore, #tpu.memory_space<semaphore_mem>>)
      %eq3A_38 = arith.constant 1 : i32
      %eq3A_39 = vector.broadcast %eq3A_38 : i32 to vector<16xi32>
      %eq3A_40 = arith.cmpi eq, %iota3A, %eq3A_39 : vector<16xi32>
      %jit3A_41 = arith.constant 0 : i32
      %broadcast_in_dim3A_42 = vector.broadcast %jit3A_41 : i32 to vector<16xi32>
      %select_n3A_43 = arith.select %eq3A_40, %get3A_13, %broadcast_in_dim3A_42 : vector<16xi1>, vector<16xi32>
      %reduce_sum3A_44 = arith.constant true
      %reduce_sum3A_45 = vector.broadcast %reduce_sum3A_44 : i1 to vector<16xi1>
      %reduce_sum3A_46 = tpu.scan <sum>, %select_n3A_43 masked %reduce_sum3A_45 : vector<16xi32>, vector<16xi1> -> vector<16xi32>
      %reduce_sum3A_47 = vector.extract %reduce_sum3A_46[15] : i32 from vector<16xi32>
      %and3A_48 = arith.constant -128 : i32
      %and3A_49 = arith.andi %reduce_sum3A_47, %and3A_48 : i32
      %multiple_of3A_50 = tpu.assume_multiple %and3A_49, 128 : i32
      %dma_start3A_51 = arith.constant 1 : i32
      %dma_start3A_52 = arith.constant 0 : i32
      %dma_start3A_53 = arith.constant 0 : i32
      %dma_start3A_54 = tpu.memref_slice %arg6[%dma_start3A_51, %dma_start3A_52, %dma_start3A_53] : memref<32x16x128xf32, #tpu.memory_space<vmem>> -> memref<1x16x128xf32, #tpu.memory_space<vmem>>
      %dma_start3A_55 = tpu.memref_squeeze %dma_start3A_54 : memref<1x16x128xf32, #tpu.memory_space<vmem>> -> memref<16x128xf32, #tpu.memory_space<vmem>>
      %dma_start3A_56 = arith.constant 0 : i32
      %dma_start3A_57 = tpu.memref_slice %arg2[%dma_start3A_56, %multiple_of3A_50] : memref<16x1000000xf32, #tpu.memory_space<hbm>> -> memref<16x128xf32, #tpu.memory_space<hbm>>
      %dma_start3A_58 = arith.constant 0 : i32
      %dma_start3A_59 = arith.constant 0 : i32
      %dma_start3A_60 = tpu.memref_slice %arg6[%dma_start3A_51, %dma_start3A_58, %dma_start3A_59] : memref<32x16x128xf32, #tpu.memory_space<vmem>> -> memref<1x16x128xf32, #tpu.memory_space<vmem>>
      %dma_start3A_61 = tpu.memref_squeeze %dma_start3A_60 : memref<1x16x128xf32, #tpu.memory_space<vmem>> -> memref<16x128xf32, #tpu.memory_space<vmem>>
      %dma_start3A_62 = arith.constant 0 : i32
      %dma_start3A_63 = tpu.memref_slice %arg2[%dma_start3A_62, %multiple_of3A_50] : memref<16x1000000xf32, #tpu.memory_space<hbm>> -> memref<16x128xf32, #tpu.memory_space<hbm>>
      tpu.enqueue_dma source(%dma_start3A_63 : memref<16x128xf32, #tpu.memory_space<hbm>>) target(%dma_start3A_61 : memref<16x128xf32, #tpu.memory_space<vmem>>) target_semaphore(%arg8 : memref<!tpu.dma_semaphore, #tpu.memory_space<semaphore_mem>>)
      %eq3A_64 = arith.constant 2 : i32
      %eq3A_65 = vector.broadcast %eq3A_64 : i32 to vector<16xi32>
      %eq3A_66 = arith.cmpi eq, %iota3A, %eq3A_65 : vector<16xi32>
      %jit3A_67 = arith.constant 0 : i32
      %broadcast_in_dim3A_68 = vector.broadcast %jit3A_67 : i32 to vector<16xi32>
      %select_n3A_69 = arith.select %eq3A_66, %get3A_13, %broadcast_in_dim3A_68 : vector<16xi1>, vector<16xi32>
      %reduce_sum3A_70 = arith.constant true
      %reduce_sum3A_71 = vector.broadcast %reduce_sum3A_70 : i1 to vector<16xi1>
      %reduce_sum3A_72 = tpu.scan <sum>, %select_n3A_69 masked %reduce_sum3A_71 : vector<16xi32>, vector<16xi1> -> vector<16xi32>
      %reduce_sum3A_73 = vector.extract %reduce_sum3A_72[15] : i32 from vector<16xi32>
      %and3A_74 = arith.constant -128 : i32
      %and3A_75 = arith.andi %reduce_sum3A_73, %and3A_74 : i32
      %multiple_of3A_76 = tpu.assume_multiple %and3A_75, 128 : i32
      %dma_start3A_77 = arith.constant 2 : i32
      %dma_start3A_78 = arith.constant 0 : i32
      %dma_start3A_79 = arith.constant 0 : i32
      %dma_start3A_80 = tpu.memref_slice %arg6[%dma_start3A_77, %dma_start3A_78, %dma_start3A_79] : memref<32x16x128xf32, #tpu.memory_space<vmem>> -> memref<1x16x128xf32, #tpu.memory_space<vmem>>
      %dma_start3A_81 = tpu.memref_squeeze %dma_start3A_80 : memref<1x16x128xf32, #tpu.memory_space<vmem>> -> memref<16x128xf32, #tpu.memory_space<vmem>>
      %dma_start3A_82 = arith.constant 0 : i32
      %dma_start3A_83 = tpu.memref_slice %arg2[%dma_start3A_82, %multiple_of3A_76] : memref<16x1000000xf32, #tpu.memory_space<hbm>> -> memref<16x128xf32, #tpu.memory_space<hbm>>
      %dma_start3A_84 = arith.constant 0 : i32
      %dma_start3A_85 = arith.constant 0 : i32
      %dma_start3A_86 = tpu.memref_slice %arg6[%dma_start3A_77, %dma_start3A_84, %dma_start3A_85] : memref<32x16x128xf32, #tpu.memory_space<vmem>> -> memref<1x16x128xf32, #tpu.memory_space<vmem>>
      %dma_start3A_87 = tpu.memref_squeeze %dma_start3A_86 : memref<1x16x128xf32, #tpu.memory_space<vmem>> -> memref<16x128xf32, #tpu.memory_space<vmem>>
      %dma_start3A_88 = arith.constant 0 : i32
      %dma_start3A_89 = tpu.memref_slice %arg2[%dma_start3A_88, %multiple_of3A_76] : memref<16x1000000xf32, #tpu.memory_space<hbm>> -> memref<16x128xf32, #tpu.memory_space<hbm>>
      tpu.enqueue_dma source(%dma_start3A_89 : memref<16x128xf32, #tpu.memory_space<hbm>>) target(%dma_start3A_87 : memref<16x128xf32, #tpu.memory_space<vmem>>) target_semaphore(%arg8 : memref<!tpu.dma_semaphore, #tpu.memory_space<semaphore_mem>>)
      %eq3A_90 = arith.constant 3 : i32
      %eq3A_91 = vector.broadcast %eq3A_90 : i32 to vector<16xi32>
      %eq3A_92 = arith.cmpi eq, %iota3A, %eq3A_91 : vector<16xi32>
      %jit3A_93 = arith.constant 0 : i32
      %broadcast_in_dim3A_94 = vector.broadcast %jit3A_93 : i32 to vector<16xi32>
      %select_n3A_95 = arith.select %eq3A_92, %get3A_13, %broadcast_in_dim3A_94 : vector<16xi1>, vector<16xi32>
      %reduce_sum3A_96 = arith.constant true
      %reduce_sum3A_97 = vector.broadcast %reduce_sum3A_96 : i1 to vector<16xi1>
      %reduce_sum3A_98 = tpu.scan <sum>, %select_n3A_95 masked %reduce_sum3A_97 : vector<16xi32>, vector<16xi1> -> vector<16xi32>
      %reduce_sum3A_99 = vector.extract %reduce_sum3A_98[15] : i32 from vector<16xi32>
      %and3A_100 = arith.constant -128 : i32
      %and3A_101 = arith.andi %reduce_sum3A_99, %and3A_100 : i32
      %multiple_of3A_102 = tpu.assume_multiple %and3A_101, 128 : i32
      %dma_start3A_103 = arith.constant 3 : i32
      %dma_start3A_104 = arith.constant 0 : i32
      %dma_start3A_105 = arith.constant 0 : i32
      %dma_start3A_106 = tpu.memref_slice %arg6[%dma_start3A_103, %dma_start3A_104, %dma_start3A_105] : memref<32x16x128xf32, #tpu.memory_space<vmem>> -> memref<1x16x128xf32, #tpu.memory_space<vmem>>
      %dma_start3A_107 = tpu.memref_squeeze %dma_start3A_106 : memref<1x16x128xf32, #tpu.memory_space<vmem>> -> memref<16x128xf32, #tpu.memory_space<vmem>>
      %dma_start3A_108 = arith.constant 0 : i32
      %dma_start3A_109 = tpu.memref_slice %arg2[%dma_start3A_108, %multiple_of3A_102] : memref<16x1000000xf32, #tpu.memory_space<hbm>> -> memref<16x128xf32, #tpu.memory_space<hbm>>
      %dma_start3A_110 = arith.constant 0 : i32
      %dma_start3A_111 = arith.constant 0 : i32
      %dma_start3A_112 = tpu.memref_slice %arg6[%dma_start3A_103, %dma_start3A_110, %dma_start3A_111] : memref<32x16x128xf32, #tpu.memory_space<vmem>> -> memref<1x16x128xf32, #tpu.memory_space<vmem>>
      %dma_start3A_113 = tpu.memref_squeeze %dma_start3A_112 : memref<1x16x128xf32, #tpu.memory_space<vmem>> -> memref<16x128xf32, #tpu.memory_space<vmem>>
      %dma_start3A_114 = arith.constant 0 : i32
      %dma_start3A_115 = tpu.memref_slice %arg2[%dma_start3A_114, %multiple_of3A_102] : memref<16x1000000xf32, #tpu.memory_space<hbm>> -> memref<16x128xf32, #tpu.memory_space<hbm>>
      tpu.enqueue_dma source(%dma_start3A_115 : memref<16x128xf32, #tpu.memory_space<hbm>>) target(%dma_start3A_113 : memref<16x128xf32, #tpu.memory_space<vmem>>) target_semaphore(%arg8 : memref<!tpu.dma_semaphore, #tpu.memory_space<semaphore_mem>>)
      %eq3A_116 = arith.constant 4 : i32
      %eq3A_117 = vector.broadcast %eq3A_116 : i32 to vector<16xi32>
      %eq3A_118 = arith.cmpi eq, %iota3A, %eq3A_117 : vector<16xi32>
      %jit3A_119 = arith.constant 0 : i32
      %broadcast_in_dim3A_120 = vector.broadcast %jit3A_119 : i32 to vector<16xi32>
      %select_n3A_121 = arith.select %eq3A_118, %get3A_13, %broadcast_in_dim3A_120 : vector<16xi1>, vector<16xi32>
      %reduce_sum3A_122 = arith.constant true
      %reduce_sum3A_123 = vector.broadcast %reduce_sum3A_122 : i1 to vector<16xi1>
      %reduce_sum3A_124 = tpu.scan <sum>, %select_n3A_121 masked %reduce_sum3A_123 : vector<16xi32>, vector<16xi1> -> vector<16xi32>
      %reduce_sum3A_125 = vector.extract %reduce_sum3A_124[15] : i32 from vector<16xi32>
      %and3A_126 = arith.constant -128 : i32
      %and3A_127 = arith.andi %reduce_sum3A_125, %and3A_126 : i32
      %multiple_of3A_128 = tpu.assume_multiple %and3A_127, 128 : i32
      %dma_start3A_129 = arith.constant 4 : i32
      %dma_start3A_130 = arith.constant 0 : i32
      %dma_start3A_131 = arith.constant 0 : i32
      %dma_start3A_132 = tpu.memref_slice %arg6[%dma_start3A_129, %dma_start3A_130, %dma_start3A_131] : memref<32x16x128xf32, #tpu.memory_space<vmem>> -> memref<1x16x128xf32, #tpu.memory_space<vmem>>
      %dma_start3A_133 = tpu.memref_squeeze %dma_start3A_132 : memref<1x16x128xf32, #tpu.memory_space<vmem>> -> memref<16x128xf32, #tpu.memory_space<vmem>>
      %dma_start3A_134 = arith.constant 0 : i32
      %dma_start3A_135 = tpu.memref_slice %arg2[%dma_start3A_134, %multiple_of3A_128] : memref<16x1000000xf32, #tpu.memory_space<hbm>> -> memref<16x128xf32, #tpu.memory_space<hbm>>
      %dma_start3A_136 = arith.constant 0 : i32
      %dma_start3A_137 = arith.constant 0 : i32
      %dma_start3A_138 = tpu.memref_slice %arg6[%dma_start3A_129, %dma_start3A_136, %dma_start3A_137] : memref<32x16x128xf32, #tpu.memory_space<vmem>> -> memref<1x16x128xf32, #tpu.memory_space<vmem>>
      %dma_start3A_139 = tpu.memref_squeeze %dma_start3A_138 : memref<1x16x128xf32, #tpu.memory_space<vmem>> -> memref<16x128xf32, #tpu.memory_space<vmem>>
      %dma_start3A_140 = arith.constant 0 : i32
      %dma_start3A_141 = tpu.memref_slice %arg2[%dma_start3A_140, %multiple_of3A_128] : memref<16x1000000xf32, #tpu.memory_space<hbm>> -> memref<16x128xf32, #tpu.memory_space<hbm>>
      tpu.enqueue_dma source(%dma_start3A_141 : memref<16x128xf32, #tpu.memory_space<hbm>>) target(%dma_start3A_139 : memref<16x128xf32, #tpu.memory_space<vmem>>) target_semaphore(%arg8 : memref<!tpu.dma_semaphore, #tpu.memory_space<semaphore_mem>>)
      %eq3A_142 = arith.constant 5 : i32
      %eq3A_143 = vector.broadcast %eq3A_142 : i32 to vector<16xi32>
      %eq3A_144 = arith.cmpi eq, %iota3A, %eq3A_143 : vector<16xi32>
      %jit3A_145 = arith.constant 0 : i32
      %broadcast_in_dim3A_146 = vector.broadcast %jit3A_145 : i32 to vector<16xi32>
      %select_n3A_147 = arith.select %eq3A_144, %get3A_13, %broadcast_in_dim3A_146 : vector<16xi1>, vector<16xi32>
      %reduce_sum3A_148 = arith.constant true
      %reduce_sum3A_149 = vector.broadcast %reduce_sum3A_148 : i1 to vector<16xi1>
      %reduce_sum3A_150 = tpu.scan <sum>, %select_n3A_147 masked %reduce_sum3A_149 : vector<16xi32>, vector<16xi1> -> vector<16xi32>
      %reduce_sum3A_151 = vector.extract %reduce_sum3A_150[15] : i32 from vector<16xi32>
      %and3A_152 = arith.constant -128 : i32
      %and3A_153 = arith.andi %reduce_sum3A_151, %and3A_152 : i32
      %multiple_of3A_154 = tpu.assume_multiple %and3A_153, 128 : i32
      %dma_start3A_155 = arith.constant 5 : i32
      %dma_start3A_156 = arith.constant 0 : i32
      %dma_start3A_157 = arith.constant 0 : i32
      %dma_start3A_158 = tpu.memref_slice %arg6[%dma_start3A_155, %dma_start3A_156, %dma_start3A_157] : memref<32x16x128xf32, #tpu.memory_space<vmem>> -> memref<1x16x128xf32, #tpu.memory_space<vmem>>
      %dma_start3A_159 = tpu.memref_squeeze %dma_start3A_158 : memref<1x16x128xf32, #tpu.memory_space<vmem>> -> memref<16x128xf32, #tpu.memory_space<vmem>>
      %dma_start3A_160 = arith.constant 0 : i32
      %dma_start3A_161 = tpu.memref_slice %arg2[%dma_start3A_160, %multiple_of3A_154] : memref<16x1000000xf32, #tpu.memory_space<hbm>> -> memref<16x128xf32, #tpu.memory_space<hbm>>
      %dma_start3A_162 = arith.constant 0 : i32
      %dma_start3A_163 = arith.constant 0 : i32
      %dma_start3A_164 = tpu.memref_slice %arg6[%dma_start3A_155, %dma_start3A_162, %dma_start3A_163] : memref<32x16x128xf32, #tpu.memory_space<vmem>> -> memref<1x16x128xf32, #tpu.memory_space<vmem>>
      %dma_start3A_165 = tpu.memref_squeeze %dma_start3A_164 : memref<1x16x128xf32, #tpu.memory_space<vmem>> -> memref<16x128xf32, #tpu.memory_space<vmem>>
      %dma_start3A_166 = arith.constant 0 : i32
      %dma_start3A_167 = tpu.memref_slice %arg2[%dma_start3A_166, %multiple_of3A_154] : memref<16x1000000xf32, #tpu.memory_space<hbm>> -> memref<16x128xf32, #tpu.memory_space<hbm>>
      tpu.enqueue_dma source(%dma_start3A_167 : memref<16x128xf32, #tpu.memory_space<hbm>>) target(%dma_start3A_165 : memref<16x128xf32, #tpu.memory_space<vmem>>) target_semaphore(%arg8 : memref<!tpu.dma_semaphore, #tpu.memory_space<semaphore_mem>>)
      %eq3A_168 = arith.constant 6 : i32
      %eq3A_169 = vector.broadcast %eq3A_168 : i32 to vector<16xi32>
      %eq3A_170 = arith.cmpi eq, %iota3A, %eq3A_169 : vector<16xi32>
      %jit3A_171 = arith.constant 0 : i32
      %broadcast_in_dim3A_172 = vector.broadcast %jit3A_171 : i32 to vector<16xi32>
      %select_n3A_173 = arith.select %eq3A_170, %get3A_13, %broadcast_in_dim3A_172 : vector<16xi1>, vector<16xi32>
      %reduce_sum3A_174 = arith.constant true
      %reduce_sum3A_175 = vector.broadcast %reduce_sum3A_174 : i1 to vector<16xi1>
      %reduce_sum3A_176 = tpu.scan <sum>, %select_n3A_173 masked %reduce_sum3A_175 : vector<16xi32>, vector<16xi1> -> vector<16xi32>
      %reduce_sum3A_177 = vector.extract %reduce_sum3A_176[15] : i32 from vector<16xi32>
      %and3A_178 = arith.constant -128 : i32
      %and3A_179 = arith.andi %reduce_sum3A_177, %and3A_178 : i32
      %multiple_of3A_180 = tpu.assume_multiple %and3A_179, 128 : i32
      %dma_start3A_181 = arith.constant 6 : i32
      %dma_start3A_182 = arith.constant 0 : i32
      %dma_start3A_183 = arith.constant 0 : i32
      %dma_start3A_184 = tpu.memref_slice %arg6[%dma_start3A_181, %dma_start3A_182, %dma_start3A_183] : memref<32x16x128xf32, #tpu.memory_space<vmem>> -> memref<1x16x128xf32, #tpu.memory_space<vmem>>
      %dma_start3A_185 = tpu.memref_squeeze %dma_start3A_184 : memref<1x16x128xf32, #tpu.memory_space<vmem>> -> memref<16x128xf32, #tpu.memory_space<vmem>>
      %dma_start3A_186 = arith.constant 0 : i32
      %dma_start3A_187 = tpu.memref_slice %arg2[%dma_start3A_186, %multiple_of3A_180] : memref<16x1000000xf32, #tpu.memory_space<hbm>> -> memref<16x128xf32, #tpu.memory_space<hbm>>
      %dma_start3A_188 = arith.constant 0 : i32
      %dma_start3A_189 = arith.constant 0 : i32
      %dma_start3A_190 = tpu.memref_slice %arg6[%dma_start3A_181, %dma_start3A_188, %dma_start3A_189] : memref<32x16x128xf32, #tpu.memory_space<vmem>> -> memref<1x16x128xf32, #tpu.memory_space<vmem>>
      %dma_start3A_191 = tpu.memref_squeeze %dma_start3A_190 : memref<1x16x128xf32, #tpu.memory_space<vmem>> -> memref<16x128xf32, #tpu.memory_space<vmem>>
      %dma_start3A_192 = arith.constant 0 : i32
      %dma_start3A_193 = tpu.memref_slice %arg2[%dma_start3A_192, %multiple_of3A_180] : memref<16x1000000xf32, #tpu.memory_space<hbm>> -> memref<16x128xf32, #tpu.memory_space<hbm>>
      tpu.enqueue_dma source(%dma_start3A_193 : memref<16x128xf32, #tpu.memory_space<hbm>>) target(%dma_start3A_191 : memref<16x128xf32, #tpu.memory_space<vmem>>) target_semaphore(%arg8 : memref<!tpu.dma_semaphore, #tpu.memory_space<semaphore_mem>>)
      %eq3A_194 = arith.constant 7 : i32
      %eq3A_195 = vector.broadcast %eq3A_194 : i32 to vector<16xi32>
      %eq3A_196 = arith.cmpi eq, %iota3A, %eq3A_195 : vector<16xi32>
      %jit3A_197 = arith.constant 0 : i32
      %broadcast_in_dim3A_198 = vector.broadcast %jit3A_197 : i32 to vector<16xi32>
      %select_n3A_199 = arith.select %eq3A_196, %get3A_13, %broadcast_in_dim3A_198 : vector<16xi1>, vector<16xi32>
      %reduce_sum3A_200 = arith.constant true
      %reduce_sum3A_201 = vector.broadcast %reduce_sum3A_200 : i1 to vector<16xi1>
      %reduce_sum3A_202 = tpu.scan <sum>, %select_n3A_199 masked %reduce_sum3A_201 : vector<16xi32>, vector<16xi1> -> vector<16xi32>
      %reduce_sum3A_203 = vector.extract %reduce_sum3A_202[15] : i32 from vector<16xi32>
      %and3A_204 = arith.constant -128 : i32
      %and3A_205 = arith.andi %reduce_sum3A_203, %and3A_204 : i32
      %multiple_of3A_206 = tpu.assume_multiple %and3A_205, 128 : i32
      %dma_start3A_207 = arith.constant 7 : i32
      %dma_start3A_208 = arith.constant 0 : i32
      %dma_start3A_209 = arith.constant 0 : i32
      %dma_start3A_210 = tpu.memref_slice %arg6[%dma_start3A_207, %dma_start3A_208, %dma_start3A_209] : memref<32x16x128xf32, #tpu.memory_space<vmem>> -> memref<1x16x128xf32, #tpu.memory_space<vmem>>
      %dma_start3A_211 = tpu.memref_squeeze %dma_start3A_210 : memref<1x16x128xf32, #tpu.memory_space<vmem>> -> memref<16x128xf32, #tpu.memory_space<vmem>>
      %dma_start3A_212 = arith.constant 0 : i32
      %dma_start3A_213 = tpu.memref_slice %arg2[%dma_start3A_212, %multiple_of3A_206] : memref<16x1000000xf32, #tpu.memory_space<hbm>> -> memref<16x128xf32, #tpu.memory_space<hbm>>
      %dma_start3A_214 = arith.constant 0 : i32
      %dma_start3A_215 = arith.constant 0 : i32
      %dma_start3A_216 = tpu.memref_slice %arg6[%dma_start3A_207, %dma_start3A_214, %dma_start3A_215] : memref<32x16x128xf32, #tpu.memory_space<vmem>> -> memref<1x16x128xf32, #tpu.memory_space<vmem>>
      %dma_start3A_217 = tpu.memref_squeeze %dma_start3A_216 : memref<1x16x128xf32, #tpu.memory_space<vmem>> -> memref<16x128xf32, #tpu.memory_space<vmem>>
      %dma_start3A_218 = arith.constant 0 : i32
      %dma_start3A_219 = tpu.memref_slice %arg2[%dma_start3A_218, %multiple_of3A_206] : memref<16x1000000xf32, #tpu.memory_space<hbm>> -> memref<16x128xf32, #tpu.memory_space<hbm>>
      tpu.enqueue_dma source(%dma_start3A_219 : memref<16x128xf32, #tpu.memory_space<hbm>>) target(%dma_start3A_217 : memref<16x128xf32, #tpu.memory_space<vmem>>) target_semaphore(%arg8 : memref<!tpu.dma_semaphore, #tpu.memory_space<semaphore_mem>>)
      %eq3A_220 = arith.constant 8 : i32
      %eq3A_221 = vector.broadcast %eq3A_220 : i32 to vector<16xi32>
      %eq3A_222 = arith.cmpi eq, %iota3A, %eq3A_221 : vector<16xi32>
      %jit3A_223 = arith.constant 0 : i32
      %broadcast_in_dim3A_224 = vector.broadcast %jit3A_223 : i32 to vector<16xi32>
      %select_n3A_225 = arith.select %eq3A_222, %get3A_13, %broadcast_in_dim3A_224 : vector<16xi1>, vector<16xi32>
      %reduce_sum3A_226 = arith.constant true
      %reduce_sum3A_227 = vector.broadcast %reduce_sum3A_226 : i1 to vector<16xi1>
      %reduce_sum3A_228 = tpu.scan <sum>, %select_n3A_225 masked %reduce_sum3A_227 : vector<16xi32>, vector<16xi1> -> vector<16xi32>
      %reduce_sum3A_229 = vector.extract %reduce_sum3A_228[15] : i32 from vector<16xi32>
      %and3A_230 = arith.constant -128 : i32
      %and3A_231 = arith.andi %reduce_sum3A_229, %and3A_230 : i32
      %multiple_of3A_232 = tpu.assume_multiple %and3A_231, 128 : i32
      %dma_start3A_233 = arith.constant 8 : i32
      %dma_start3A_234 = arith.constant 0 : i32
      %dma_start3A_235 = arith.constant 0 : i32
      %dma_start3A_236 = tpu.memref_slice %arg6[%dma_start3A_233, %dma_start3A_234, %dma_start3A_235] : memref<32x16x128xf32, #tpu.memory_space<vmem>> -> memref<1x16x128xf32, #tpu.memory_space<vmem>>
      %dma_start3A_237 = tpu.memref_squeeze %dma_start3A_236 : memref<1x16x128xf32, #tpu.memory_space<vmem>> -> memref<16x128xf32, #tpu.memory_space<vmem>>
      %dma_start3A_238 = arith.constant 0 : i32
      %dma_start3A_239 = tpu.memref_slice %arg2[%dma_start3A_238, %multiple_of3A_232] : memref<16x1000000xf32, #tpu.memory_space<hbm>> -> memref<16x128xf32, #tpu.memory_space<hbm>>
      %dma_start3A_240 = arith.constant 0 : i32
      %dma_start3A_241 = arith.constant 0 : i32
      %dma_start3A_242 = tpu.memref_slice %arg6[%dma_start3A_233, %dma_start3A_240, %dma_start3A_241] : memref<32x16x128xf32, #tpu.memory_space<vmem>> -> memref<1x16x128xf32, #tpu.memory_space<vmem>>
      %dma_start3A_243 = tpu.memref_squeeze %dma_start3A_242 : memref<1x16x128xf32, #tpu.memory_space<vmem>> -> memref<16x128xf32, #tpu.memory_space<vmem>>
      %dma_start3A_244 = arith.constant 0 : i32
      %dma_start3A_245 = tpu.memref_slice %arg2[%dma_start3A_244, %multiple_of3A_232] : memref<16x1000000xf32, #tpu.memory_space<hbm>> -> memref<16x128xf32, #tpu.memory_space<hbm>>
      tpu.enqueue_dma source(%dma_start3A_245 : memref<16x128xf32, #tpu.memory_space<hbm>>) target(%dma_start3A_243 : memref<16x128xf32, #tpu.memory_space<vmem>>) target_semaphore(%arg8 : memref<!tpu.dma_semaphore, #tpu.memory_space<semaphore_mem>>)
      %eq3A_246 = arith.constant 9 : i32
      %eq3A_247 = vector.broadcast %eq3A_246 : i32 to vector<16xi32>
      %eq3A_248 = arith.cmpi eq, %iota3A, %eq3A_247 : vector<16xi32>
      %jit3A_249 = arith.constant 0 : i32
      %broadcast_in_dim3A_250 = vector.broadcast %jit3A_249 : i32 to vector<16xi32>
      %select_n3A_251 = arith.select %eq3A_248, %get3A_13, %broadcast_in_dim3A_250 : vector<16xi1>, vector<16xi32>
      %reduce_sum3A_252 = arith.constant true
      %reduce_sum3A_253 = vector.broadcast %reduce_sum3A_252 : i1 to vector<16xi1>
      %reduce_sum3A_254 = tpu.scan <sum>, %select_n3A_251 masked %reduce_sum3A_253 : vector<16xi32>, vector<16xi1> -> vector<16xi32>
      %reduce_sum3A_255 = vector.extract %reduce_sum3A_254[15] : i32 from vector<16xi32>
      %and3A_256 = arith.constant -128 : i32
      %and3A_257 = arith.andi %reduce_sum3A_255, %and3A_256 : i32
      %multiple_of3A_258 = tpu.assume_multiple %and3A_257, 128 : i32
      %dma_start3A_259 = arith.constant 9 : i32
      %dma_start3A_260 = arith.constant 0 : i32
      %dma_start3A_261 = arith.constant 0 : i32
      %dma_start3A_262 = tpu.memref_slice %arg6[%dma_start3A_259, %dma_start3A_260, %dma_start3A_261] : memref<32x16x128xf32, #tpu.memory_space<vmem>> -> memref<1x16x128xf32, #tpu.memory_space<vmem>>
      %dma_start3A_263 = tpu.memref_squeeze %dma_start3A_262 : memref<1x16x128xf32, #tpu.memory_space<vmem>> -> memref<16x128xf32, #tpu.memory_space<vmem>>
      %dma_start3A_264 = arith.constant 0 : i32
      %dma_start3A_265 = tpu.memref_slice %arg2[%dma_start3A_264, %multiple_of3A_258] : memref<16x1000000xf32, #tpu.memory_space<hbm>> -> memref<16x128xf32, #tpu.memory_space<hbm>>
      %dma_start3A_266 = arith.constant 0 : i32
      %dma_start3A_267 = arith.constant 0 : i32
      %dma_start3A_268 = tpu.memref_slice %arg6[%dma_start3A_259, %dma_start3A_266, %dma_start3A_267] : memref<32x16x128xf32, #tpu.memory_space<vmem>> -> memref<1x16x128xf32, #tpu.memory_space<vmem>>
      %dma_start3A_269 = tpu.memref_squeeze %dma_start3A_268 : memref<1x16x128xf32, #tpu.memory_space<vmem>> -> memref<16x128xf32, #tpu.memory_space<vmem>>
      %dma_start3A_270 = arith.constant 0 : i32
      %dma_start3A_271 = tpu.memref_slice %arg2[%dma_start3A_270, %multiple_of3A_258] : memref<16x1000000xf32, #tpu.memory_space<hbm>> -> memref<16x128xf32, #tpu.memory_space<hbm>>
      tpu.enqueue_dma source(%dma_start3A_271 : memref<16x128xf32, #tpu.memory_space<hbm>>) target(%dma_start3A_269 : memref<16x128xf32, #tpu.memory_space<vmem>>) target_semaphore(%arg8 : memref<!tpu.dma_semaphore, #tpu.memory_space<semaphore_mem>>)
      %eq3A_272 = arith.constant 10 : i32
      %eq3A_273 = vector.broadcast %eq3A_272 : i32 to vector<16xi32>
      %eq3A_274 = arith.cmpi eq, %iota3A, %eq3A_273 : vector<16xi32>
      %jit3A_275 = arith.constant 0 : i32
      %broadcast_in_dim3A_276 = vector.broadcast %jit3A_275 : i32 to vector<16xi32>
      %select_n3A_277 = arith.select %eq3A_274, %get3A_13, %broadcast_in_dim3A_276 : vector<16xi1>, vector<16xi32>
      %reduce_sum3A_278 = arith.constant true
      %reduce_sum3A_279 = vector.broadcast %reduce_sum3A_278 : i1 to vector<16xi1>
      %reduce_sum3A_280 = tpu.scan <sum>, %select_n3A_277 masked %reduce_sum3A_279 : vector<16xi32>, vector<16xi1> -> vector<16xi32>
      %reduce_sum3A_281 = vector.extract %reduce_sum3A_280[15] : i32 from vector<16xi32>
      %and3A_282 = arith.constant -128 : i32
      %and3A_283 = arith.andi %reduce_sum3A_281, %and3A_282 : i32
      %multiple_of3A_284 = tpu.assume_multiple %and3A_283, 128 : i32
      %dma_start3A_285 = arith.constant 10 : i32
      %dma_start3A_286 = arith.constant 0 : i32
      %dma_start3A_287 = arith.constant 0 : i32
      %dma_start3A_288 = tpu.memref_slice %arg6[%dma_start3A_285, %dma_start3A_286, %dma_start3A_287] : memref<32x16x128xf32, #tpu.memory_space<vmem>> -> memref<1x16x128xf32, #tpu.memory_space<vmem>>
      %dma_start3A_289 = tpu.memref_squeeze %dma_start3A_288 : memref<1x16x128xf32, #tpu.memory_space<vmem>> -> memref<16x128xf32, #tpu.memory_space<vmem>>
      %dma_start3A_290 = arith.constant 0 : i32
      %dma_start3A_291 = tpu.memref_slice %arg2[%dma_start3A_290, %multiple_of3A_284] : memref<16x1000000xf32, #tpu.memory_space<hbm>> -> memref<16x128xf32, #tpu.memory_space<hbm>>
      %dma_start3A_292 = arith.constant 0 : i32
      %dma_start3A_293 = arith.constant 0 : i32
      %dma_start3A_294 = tpu.memref_slice %arg6[%dma_start3A_285, %dma_start3A_292, %dma_start3A_293] : memref<32x16x128xf32, #tpu.memory_space<vmem>> -> memref<1x16x128xf32, #tpu.memory_space<vmem>>
      %dma_start3A_295 = tpu.memref_squeeze %dma_start3A_294 : memref<1x16x128xf32, #tpu.memory_space<vmem>> -> memref<16x128xf32, #tpu.memory_space<vmem>>
      %dma_start3A_296 = arith.constant 0 : i32
      %dma_start3A_297 = tpu.memref_slice %arg2[%dma_start3A_296, %multiple_of3A_284] : memref<16x1000000xf32, #tpu.memory_space<hbm>> -> memref<16x128xf32, #tpu.memory_space<hbm>>
      tpu.enqueue_dma source(%dma_start3A_297 : memref<16x128xf32, #tpu.memory_space<hbm>>) target(%dma_start3A_295 : memref<16x128xf32, #tpu.memory_space<vmem>>) target_semaphore(%arg8 : memref<!tpu.dma_semaphore, #tpu.memory_space<semaphore_mem>>)
      %eq3A_298 = arith.constant 11 : i32
      %eq3A_299 = vector.broadcast %eq3A_298 : i32 to vector<16xi32>
      %eq3A_300 = arith.cmpi eq, %iota3A, %eq3A_299 : vector<16xi32>
      %jit3A_301 = arith.constant 0 : i32
      %broadcast_in_dim3A_302 = vector.broadcast %jit3A_301 : i32 to vector<16xi32>
      %select_n3A_303 = arith.select %eq3A_300, %get3A_13, %broadcast_in_dim3A_302 : vector<16xi1>, vector<16xi32>
      %reduce_sum3A_304 = arith.constant true
      %reduce_sum3A_305 = vector.broadcast %reduce_sum3A_304 : i1 to vector<16xi1>
      %reduce_sum3A_306 = tpu.scan <sum>, %select_n3A_303 masked %reduce_sum3A_305 : vector<16xi32>, vector<16xi1> -> vector<16xi32>
      %reduce_sum3A_307 = vector.extract %reduce_sum3A_306[15] : i32 from vector<16xi32>
      %and3A_308 = arith.constant -128 : i32
      %and3A_309 = arith.andi %reduce_sum3A_307, %and3A_308 : i32
      %multiple_of3A_310 = tpu.assume_multiple %and3A_309, 128 : i32
      %dma_start3A_311 = arith.constant 11 : i32
      %dma_start3A_312 = arith.constant 0 : i32
      %dma_start3A_313 = arith.constant 0 : i32
      %dma_start3A_314 = tpu.memref_slice %arg6[%dma_start3A_311, %dma_start3A_312, %dma_start3A_313] : memref<32x16x128xf32, #tpu.memory_space<vmem>> -> memref<1x16x128xf32, #tpu.memory_space<vmem>>
      %dma_start3A_315 = tpu.memref_squeeze %dma_start3A_314 : memref<1x16x128xf32, #tpu.memory_space<vmem>> -> memref<16x128xf32, #tpu.memory_space<vmem>>
      %dma_start3A_316 = arith.constant 0 : i32
      %dma_start3A_317 = tpu.memref_slice %arg2[%dma_start3A_316, %multiple_of3A_310] : memref<16x1000000xf32, #tpu.memory_space<hbm>> -> memref<16x128xf32, #tpu.memory_space<hbm>>
      %dma_start3A_318 = arith.constant 0 : i32
      %dma_start3A_319 = arith.constant 0 : i32
      %dma_start3A_320 = tpu.memref_slice %arg6[%dma_start3A_311, %dma_start3A_318, %dma_start3A_319] : memref<32x16x128xf32, #tpu.memory_space<vmem>> -> memref<1x16x128xf32, #tpu.memory_space<vmem>>
      %dma_start3A_321 = tpu.memref_squeeze %dma_start3A_320 : memref<1x16x128xf32, #tpu.memory_space<vmem>> -> memref<16x128xf32, #tpu.memory_space<vmem>>
      %dma_start3A_322 = arith.constant 0 : i32
      %dma_start3A_323 = tpu.memref_slice %arg2[%dma_start3A_322, %multiple_of3A_310] : memref<16x1000000xf32, #tpu.memory_space<hbm>> -> memref<16x128xf32, #tpu.memory_space<hbm>>
      tpu.enqueue_dma source(%dma_start3A_323 : memref<16x128xf32, #tpu.memory_space<hbm>>) target(%dma_start3A_321 : memref<16x128xf32, #tpu.memory_space<vmem>>) target_semaphore(%arg8 : memref<!tpu.dma_semaphore, #tpu.memory_space<semaphore_mem>>)
      %eq3A_324 = arith.constant 12 : i32
      %eq3A_325 = vector.broadcast %eq3A_324 : i32 to vector<16xi32>
      %eq3A_326 = arith.cmpi eq, %iota3A, %eq3A_325 : vector<16xi32>
      %jit3A_327 = arith.constant 0 : i32
      %broadcast_in_dim3A_328 = vector.broadcast %jit3A_327 : i32 to vector<16xi32>
      %select_n3A_329 = arith.select %eq3A_326, %get3A_13, %broadcast_in_dim3A_328 : vector<16xi1>, vector<16xi32>
      %reduce_sum3A_330 = arith.constant true
      %reduce_sum3A_331 = vector.broadcast %reduce_sum3A_330 : i1 to vector<16xi1>
      %reduce_sum3A_332 = tpu.scan <sum>, %select_n3A_329 masked %reduce_sum3A_331 : vector<16xi32>, vector<16xi1> -> vector<16xi32>
      %reduce_sum3A_333 = vector.extract %reduce_sum3A_332[15] : i32 from vector<16xi32>
      %and3A_334 = arith.constant -128 : i32
      %and3A_335 = arith.andi %reduce_sum3A_333, %and3A_334 : i32
      %multiple_of3A_336 = tpu.assume_multiple %and3A_335, 128 : i32
      %dma_start3A_337 = arith.constant 12 : i32
      %dma_start3A_338 = arith.constant 0 : i32
      %dma_start3A_339 = arith.constant 0 : i32
      %dma_start3A_340 = tpu.memref_slice %arg6[%dma_start3A_337, %dma_start3A_338, %dma_start3A_339] : memref<32x16x128xf32, #tpu.memory_space<vmem>> -> memref<1x16x128xf32, #tpu.memory_space<vmem>>
      %dma_start3A_341 = tpu.memref_squeeze %dma_start3A_340 : memref<1x16x128xf32, #tpu.memory_space<vmem>> -> memref<16x128xf32, #tpu.memory_space<vmem>>
      %dma_start3A_342 = arith.constant 0 : i32
      %dma_start3A_343 = tpu.memref_slice %arg2[%dma_start3A_342, %multiple_of3A_336] : memref<16x1000000xf32, #tpu.memory_space<hbm>> -> memref<16x128xf32, #tpu.memory_space<hbm>>
      %dma_start3A_344 = arith.constant 0 : i32
      %dma_start3A_345 = arith.constant 0 : i32
      %dma_start3A_346 = tpu.memref_slice %arg6[%dma_start3A_337, %dma_start3A_344, %dma_start3A_345] : memref<32x16x128xf32, #tpu.memory_space<vmem>> -> memref<1x16x128xf32, #tpu.memory_space<vmem>>
      %dma_start3A_347 = tpu.memref_squeeze %dma_start3A_346 : memref<1x16x128xf32, #tpu.memory_space<vmem>> -> memref<16x128xf32, #tpu.memory_space<vmem>>
      %dma_start3A_348 = arith.constant 0 : i32
      %dma_start3A_349 = tpu.memref_slice %arg2[%dma_start3A_348, %multiple_of3A_336] : memref<16x1000000xf32, #tpu.memory_space<hbm>> -> memref<16x128xf32, #tpu.memory_space<hbm>>
      tpu.enqueue_dma source(%dma_start3A_349 : memref<16x128xf32, #tpu.memory_space<hbm>>) target(%dma_start3A_347 : memref<16x128xf32, #tpu.memory_space<vmem>>) target_semaphore(%arg8 : memref<!tpu.dma_semaphore, #tpu.memory_space<semaphore_mem>>)
      %eq3A_350 = arith.constant 13 : i32
      %eq3A_351 = vector.broadcast %eq3A_350 : i32 to vector<16xi32>
      %eq3A_352 = arith.cmpi eq, %iota3A, %eq3A_351 : vector<16xi32>
      %jit3A_353 = arith.constant 0 : i32
      %broadcast_in_dim3A_354 = vector.broadcast %jit3A_353 : i32 to vector<16xi32>
      %select_n3A_355 = arith.select %eq3A_352, %get3A_13, %broadcast_in_dim3A_354 : vector<16xi1>, vector<16xi32>
      %reduce_sum3A_356 = arith.constant true
      %reduce_sum3A_357 = vector.broadcast %reduce_sum3A_356 : i1 to vector<16xi1>
      %reduce_sum3A_358 = tpu.scan <sum>, %select_n3A_355 masked %reduce_sum3A_357 : vector<16xi32>, vector<16xi1> -> vector<16xi32>
      %reduce_sum3A_359 = vector.extract %reduce_sum3A_358[15] : i32 from vector<16xi32>
      %and3A_360 = arith.constant -128 : i32
      %and3A_361 = arith.andi %reduce_sum3A_359, %and3A_360 : i32
      %multiple_of3A_362 = tpu.assume_multiple %and3A_361, 128 : i32
      %dma_start3A_363 = arith.constant 13 : i32
      %dma_start3A_364 = arith.constant 0 : i32
      %dma_start3A_365 = arith.constant 0 : i32
      %dma_start3A_366 = tpu.memref_slice %arg6[%dma_start3A_363, %dma_start3A_364, %dma_start3A_365] : memref<32x16x128xf32, #tpu.memory_space<vmem>> -> memref<1x16x128xf32, #tpu.memory_space<vmem>>
      %dma_start3A_367 = tpu.memref_squeeze %dma_start3A_366 : memref<1x16x128xf32, #tpu.memory_space<vmem>> -> memref<16x128xf32, #tpu.memory_space<vmem>>
      %dma_start3A_368 = arith.constant 0 : i32
      %dma_start3A_369 = tpu.memref_slice %arg2[%dma_start3A_368, %multiple_of3A_362] : memref<16x1000000xf32, #tpu.memory_space<hbm>> -> memref<16x128xf32, #tpu.memory_space<hbm>>
      %dma_start3A_370 = arith.constant 0 : i32
      %dma_start3A_371 = arith.constant 0 : i32
      %dma_start3A_372 = tpu.memref_slice %arg6[%dma_start3A_363, %dma_start3A_370, %dma_start3A_371] : memref<32x16x128xf32, #tpu.memory_space<vmem>> -> memref<1x16x128xf32, #tpu.memory_space<vmem>>
      %dma_start3A_373 = tpu.memref_squeeze %dma_start3A_372 : memref<1x16x128xf32, #tpu.memory_space<vmem>> -> memref<16x128xf32, #tpu.memory_space<vmem>>
      %dma_start3A_374 = arith.constant 0 : i32
      %dma_start3A_375 = tpu.memref_slice %arg2[%dma_start3A_374, %multiple_of3A_362] : memref<16x1000000xf32, #tpu.memory_space<hbm>> -> memref<16x128xf32, #tpu.memory_space<hbm>>
      tpu.enqueue_dma source(%dma_start3A_375 : memref<16x128xf32, #tpu.memory_space<hbm>>) target(%dma_start3A_373 : memref<16x128xf32, #tpu.memory_space<vmem>>) target_semaphore(%arg8 : memref<!tpu.dma_semaphore, #tpu.memory_space<semaphore_mem>>)
      %eq3A_376 = arith.constant 14 : i32
      %eq3A_377 = vector.broadcast %eq3A_376 : i32 to vector<16xi32>
      %eq3A_378 = arith.cmpi eq, %iota3A, %eq3A_377 : vector<16xi32>
      %jit3A_379 = arith.constant 0 : i32
      %broadcast_in_dim3A_380 = vector.broadcast %jit3A_379 : i32 to vector<16xi32>
      %select_n3A_381 = arith.select %eq3A_378, %get3A_13, %broadcast_in_dim3A_380 : vector<16xi1>, vector<16xi32>
      %reduce_sum3A_382 = arith.constant true
      %reduce_sum3A_383 = vector.broadcast %reduce_sum3A_382 : i1 to vector<16xi1>
      %reduce_sum3A_384 = tpu.scan <sum>, %select_n3A_381 masked %reduce_sum3A_383 : vector<16xi32>, vector<16xi1> -> vector<16xi32>
      %reduce_sum3A_385 = vector.extract %reduce_sum3A_384[15] : i32 from vector<16xi32>
      %and3A_386 = arith.constant -128 : i32
      %and3A_387 = arith.andi %reduce_sum3A_385, %and3A_386 : i32
      %multiple_of3A_388 = tpu.assume_multiple %and3A_387, 128 : i32
      %dma_start3A_389 = arith.constant 14 : i32
      %dma_start3A_390 = arith.constant 0 : i32
      %dma_start3A_391 = arith.constant 0 : i32
      %dma_start3A_392 = tpu.memref_slice %arg6[%dma_start3A_389, %dma_start3A_390, %dma_start3A_391] : memref<32x16x128xf32, #tpu.memory_space<vmem>> -> memref<1x16x128xf32, #tpu.memory_space<vmem>>
      %dma_start3A_393 = tpu.memref_squeeze %dma_start3A_392 : memref<1x16x128xf32, #tpu.memory_space<vmem>> -> memref<16x128xf32, #tpu.memory_space<vmem>>
      %dma_start3A_394 = arith.constant 0 : i32
      %dma_start3A_395 = tpu.memref_slice %arg2[%dma_start3A_394, %multiple_of3A_388] : memref<16x1000000xf32, #tpu.memory_space<hbm>> -> memref<16x128xf32, #tpu.memory_space<hbm>>
      %dma_start3A_396 = arith.constant 0 : i32
      %dma_start3A_397 = arith.constant 0 : i32
      %dma_start3A_398 = tpu.memref_slice %arg6[%dma_start3A_389, %dma_start3A_396, %dma_start3A_397] : memref<32x16x128xf32, #tpu.memory_space<vmem>> -> memref<1x16x128xf32, #tpu.memory_space<vmem>>
      %dma_start3A_399 = tpu.memref_squeeze %dma_start3A_398 : memref<1x16x128xf32, #tpu.memory_space<vmem>> -> memref<16x128xf32, #tpu.memory_space<vmem>>
      %dma_start3A_400 = arith.constant 0 : i32
      %dma_start3A_401 = tpu.memref_slice %arg2[%dma_start3A_400, %multiple_of3A_388] : memref<16x1000000xf32, #tpu.memory_space<hbm>> -> memref<16x128xf32, #tpu.memory_space<hbm>>
      tpu.enqueue_dma source(%dma_start3A_401 : memref<16x128xf32, #tpu.memory_space<hbm>>) target(%dma_start3A_399 : memref<16x128xf32, #tpu.memory_space<vmem>>) target_semaphore(%arg8 : memref<!tpu.dma_semaphore, #tpu.memory_space<semaphore_mem>>)
      %eq3A_402 = arith.constant 15 : i32
      %eq3A_403 = vector.broadcast %eq3A_402 : i32 to vector<16xi32>
      %eq3A_404 = arith.cmpi eq, %iota3A, %eq3A_403 : vector<16xi32>
      %jit3A_405 = arith.constant 0 : i32
      %broadcast_in_dim3A_406 = vector.broadcast %jit3A_405 : i32 to vector<16xi32>
      %select_n3A_407 = arith.select %eq3A_404, %get3A_13, %broadcast_in_dim3A_406 : vector<16xi1>, vector<16xi32>
      %reduce_sum3A_408 = arith.constant true
      %reduce_sum3A_409 = vector.broadcast %reduce_sum3A_408 : i1 to vector<16xi1>
      %reduce_sum3A_410 = tpu.scan <sum>, %select_n3A_407 masked %reduce_sum3A_409 : vector<16xi32>, vector<16xi1> -> vector<16xi32>
      %reduce_sum3A_411 = vector.extract %reduce_sum3A_410[15] : i32 from vector<16xi32>
      %and3A_412 = arith.constant -128 : i32
      %and3A_413 = arith.andi %reduce_sum3A_411, %and3A_412 : i32
      %multiple_of3A_414 = tpu.assume_multiple %and3A_413, 128 : i32
      %dma_start3A_415 = arith.constant 15 : i32
      %dma_start3A_416 = arith.constant 0 : i32
      %dma_start3A_417 = arith.constant 0 : i32
      %dma_start3A_418 = tpu.memref_slice %arg6[%dma_start3A_415, %dma_start3A_416, %dma_start3A_417] : memref<32x16x128xf32, #tpu.memory_space<vmem>> -> memref<1x16x128xf32, #tpu.memory_space<vmem>>
      %dma_start3A_419 = tpu.memref_squeeze %dma_start3A_418 : memref<1x16x128xf32, #tpu.memory_space<vmem>> -> memref<16x128xf32, #tpu.memory_space<vmem>>
      %dma_start3A_420 = arith.constant 0 : i32
      %dma_start3A_421 = tpu.memref_slice %arg2[%dma_start3A_420, %multiple_of3A_414] : memref<16x1000000xf32, #tpu.memory_space<hbm>> -> memref<16x128xf32, #tpu.memory_space<hbm>>
      %dma_start3A_422 = arith.constant 0 : i32
      %dma_start3A_423 = arith.constant 0 : i32
      %dma_start3A_424 = tpu.memref_slice %arg6[%dma_start3A_415, %dma_start3A_422, %dma_start3A_423] : memref<32x16x128xf32, #tpu.memory_space<vmem>> -> memref<1x16x128xf32, #tpu.memory_space<vmem>>
      %dma_start3A_425 = tpu.memref_squeeze %dma_start3A_424 : memref<1x16x128xf32, #tpu.memory_space<vmem>> -> memref<16x128xf32, #tpu.memory_space<vmem>>
      %dma_start3A_426 = arith.constant 0 : i32
      %dma_start3A_427 = tpu.memref_slice %arg2[%dma_start3A_426, %multiple_of3A_414] : memref<16x1000000xf32, #tpu.memory_space<hbm>> -> memref<16x128xf32, #tpu.memory_space<hbm>>
      tpu.enqueue_dma source(%dma_start3A_427 : memref<16x128xf32, #tpu.memory_space<hbm>>) target(%dma_start3A_425 : memref<16x128xf32, #tpu.memory_space<vmem>>) target_semaphore(%arg8 : memref<!tpu.dma_semaphore, #tpu.memory_space<semaphore_mem>>)
      %eq3A_428 = arith.constant 0 : i32
      %eq3A_429 = vector.broadcast %eq3A_428 : i32 to vector<16xi32>
      %eq3A_430 = arith.cmpi eq, %iota3A, %eq3A_429 : vector<16xi32>
      %jit3A_431 = arith.constant 0 : i32
      %broadcast_in_dim3A_432 = vector.broadcast %jit3A_431 : i32 to vector<16xi32>
      %select_n3A_433 = arith.select %eq3A_430, %get3A_19, %broadcast_in_dim3A_432 : vector<16xi1>, vector<16xi32>
      %reduce_sum3A_434 = arith.constant true
      %reduce_sum3A_435 = vector.broadcast %reduce_sum3A_434 : i1 to vector<16xi1>
      %reduce_sum3A_436 = tpu.scan <sum>, %select_n3A_433 masked %reduce_sum3A_435 : vector<16xi32>, vector<16xi1> -> vector<16xi32>
      %reduce_sum3A_437 = vector.extract %reduce_sum3A_436[15] : i32 from vector<16xi32>
      %and3A_438 = arith.constant -128 : i32
      %and3A_439 = arith.andi %reduce_sum3A_437, %and3A_438 : i32
      %multiple_of3A_440 = tpu.assume_multiple %and3A_439, 128 : i32
      %dma_start3A_441 = arith.constant 16 : i32
      %dma_start3A_442 = arith.constant 0 : i32
      %dma_start3A_443 = arith.constant 0 : i32
      %dma_start3A_444 = tpu.memref_slice %arg6[%dma_start3A_441, %dma_start3A_442, %dma_start3A_443] : memref<32x16x128xf32, #tpu.memory_space<vmem>> -> memref<1x16x128xf32, #tpu.memory_space<vmem>>
      %dma_start3A_445 = tpu.memref_squeeze %dma_start3A_444 : memref<1x16x128xf32, #tpu.memory_space<vmem>> -> memref<16x128xf32, #tpu.memory_space<vmem>>
      %dma_start3A_446 = arith.constant 0 : i32
      %dma_start3A_447 = tpu.memref_slice %arg2[%dma_start3A_446, %multiple_of3A_440] : memref<16x1000000xf32, #tpu.memory_space<hbm>> -> memref<16x128xf32, #tpu.memory_space<hbm>>
      %dma_start3A_448 = arith.constant 0 : i32
      %dma_start3A_449 = arith.constant 0 : i32
      %dma_start3A_450 = tpu.memref_slice %arg6[%dma_start3A_441, %dma_start3A_448, %dma_start3A_449] : memref<32x16x128xf32, #tpu.memory_space<vmem>> -> memref<1x16x128xf32, #tpu.memory_space<vmem>>
      %dma_start3A_451 = tpu.memref_squeeze %dma_start3A_450 : memref<1x16x128xf32, #tpu.memory_space<vmem>> -> memref<16x128xf32, #tpu.memory_space<vmem>>
      %dma_start3A_452 = arith.constant 0 : i32
      %dma_start3A_453 = tpu.memref_slice %arg2[%dma_start3A_452, %multiple_of3A_440] : memref<16x1000000xf32, #tpu.memory_space<hbm>> -> memref<16x128xf32, #tpu.memory_space<hbm>>
      tpu.enqueue_dma source(%dma_start3A_453 : memref<16x128xf32, #tpu.memory_space<hbm>>) target(%dma_start3A_451 : memref<16x128xf32, #tpu.memory_space<vmem>>) target_semaphore(%arg8 : memref<!tpu.dma_semaphore, #tpu.memory_space<semaphore_mem>>)
      %eq3A_454 = arith.constant 1 : i32
      %eq3A_455 = vector.broadcast %eq3A_454 : i32 to vector<16xi32>
      %eq3A_456 = arith.cmpi eq, %iota3A, %eq3A_455 : vector<16xi32>
      %jit3A_457 = arith.constant 0 : i32
      %broadcast_in_dim3A_458 = vector.broadcast %jit3A_457 : i32 to vector<16xi32>
      %select_n3A_459 = arith.select %eq3A_456, %get3A_19, %broadcast_in_dim3A_458 : vector<16xi1>, vector<16xi32>
      %reduce_sum3A_460 = arith.constant true
      %reduce_sum3A_461 = vector.broadcast %reduce_sum3A_460 : i1 to vector<16xi1>
      %reduce_sum3A_462 = tpu.scan <sum>, %select_n3A_459 masked %reduce_sum3A_461 : vector<16xi32>, vector<16xi1> -> vector<16xi32>
      %reduce_sum3A_463 = vector.extract %reduce_sum3A_462[15] : i32 from vector<16xi32>
      %and3A_464 = arith.constant -128 : i32
      %and3A_465 = arith.andi %reduce_sum3A_463, %and3A_464 : i32
      %multiple_of3A_466 = tpu.assume_multiple %and3A_465, 128 : i32
      %dma_start3A_467 = arith.constant 17 : i32
      %dma_start3A_468 = arith.constant 0 : i32
      %dma_start3A_469 = arith.constant 0 : i32
      %dma_start3A_470 = tpu.memref_slice %arg6[%dma_start3A_467, %dma_start3A_468, %dma_start3A_469] : memref<32x16x128xf32, #tpu.memory_space<vmem>> -> memref<1x16x128xf32, #tpu.memory_space<vmem>>
      %dma_start3A_471 = tpu.memref_squeeze %dma_start3A_470 : memref<1x16x128xf32, #tpu.memory_space<vmem>> -> memref<16x128xf32, #tpu.memory_space<vmem>>
      %dma_start3A_472 = arith.constant 0 : i32
      %dma_start3A_473 = tpu.memref_slice %arg2[%dma_start3A_472, %multiple_of3A_466] : memref<16x1000000xf32, #tpu.memory_space<hbm>> -> memref<16x128xf32, #tpu.memory_space<hbm>>
      %dma_start3A_474 = arith.constant 0 : i32
      %dma_start3A_475 = arith.constant 0 : i32
      %dma_start3A_476 = tpu.memref_slice %arg6[%dma_start3A_467, %dma_start3A_474, %dma_start3A_475] : memref<32x16x128xf32, #tpu.memory_space<vmem>> -> memref<1x16x128xf32, #tpu.memory_space<vmem>>
      %dma_start3A_477 = tpu.memref_squeeze %dma_start3A_476 : memref<1x16x128xf32, #tpu.memory_space<vmem>> -> memref<16x128xf32, #tpu.memory_space<vmem>>
      %dma_start3A_478 = arith.constant 0 : i32
      %dma_start3A_479 = tpu.memref_slice %arg2[%dma_start3A_478, %multiple_of3A_466] : memref<16x1000000xf32, #tpu.memory_space<hbm>> -> memref<16x128xf32, #tpu.memory_space<hbm>>
      tpu.enqueue_dma source(%dma_start3A_479 : memref<16x128xf32, #tpu.memory_space<hbm>>) target(%dma_start3A_477 : memref<16x128xf32, #tpu.memory_space<vmem>>) target_semaphore(%arg8 : memref<!tpu.dma_semaphore, #tpu.memory_space<semaphore_mem>>)
      %eq3A_480 = arith.constant 2 : i32
      %eq3A_481 = vector.broadcast %eq3A_480 : i32 to vector<16xi32>
      %eq3A_482 = arith.cmpi eq, %iota3A, %eq3A_481 : vector<16xi32>
      %jit3A_483 = arith.constant 0 : i32
      %broadcast_in_dim3A_484 = vector.broadcast %jit3A_483 : i32 to vector<16xi32>
      %select_n3A_485 = arith.select %eq3A_482, %get3A_19, %broadcast_in_dim3A_484 : vector<16xi1>, vector<16xi32>
      %reduce_sum3A_486 = arith.constant true
      %reduce_sum3A_487 = vector.broadcast %reduce_sum3A_486 : i1 to vector<16xi1>
      %reduce_sum3A_488 = tpu.scan <sum>, %select_n3A_485 masked %reduce_sum3A_487 : vector<16xi32>, vector<16xi1> -> vector<16xi32>
      %reduce_sum3A_489 = vector.extract %reduce_sum3A_488[15] : i32 from vector<16xi32>
      %and3A_490 = arith.constant -128 : i32
      %and3A_491 = arith.andi %reduce_sum3A_489, %and3A_490 : i32
      %multiple_of3A_492 = tpu.assume_multiple %and3A_491, 128 : i32
      %dma_start3A_493 = arith.constant 18 : i32
      %dma_start3A_494 = arith.constant 0 : i32
      %dma_start3A_495 = arith.constant 0 : i32
      %dma_start3A_496 = tpu.memref_slice %arg6[%dma_start3A_493, %dma_start3A_494, %dma_start3A_495] : memref<32x16x128xf32, #tpu.memory_space<vmem>> -> memref<1x16x128xf32, #tpu.memory_space<vmem>>
      %dma_start3A_497 = tpu.memref_squeeze %dma_start3A_496 : memref<1x16x128xf32, #tpu.memory_space<vmem>> -> memref<16x128xf32, #tpu.memory_space<vmem>>
      %dma_start3A_498 = arith.constant 0 : i32
      %dma_start3A_499 = tpu.memref_slice %arg2[%dma_start3A_498, %multiple_of3A_492] : memref<16x1000000xf32, #tpu.memory_space<hbm>> -> memref<16x128xf32, #tpu.memory_space<hbm>>
      %dma_start3A_500 = arith.constant 0 : i32
      %dma_start3A_501 = arith.constant 0 : i32
      %dma_start3A_502 = tpu.memref_slice %arg6[%dma_start3A_493, %dma_start3A_500, %dma_start3A_501] : memref<32x16x128xf32, #tpu.memory_space<vmem>> -> memref<1x16x128xf32, #tpu.memory_space<vmem>>
      %dma_start3A_503 = tpu.memref_squeeze %dma_start3A_502 : memref<1x16x128xf32, #tpu.memory_space<vmem>> -> memref<16x128xf32, #tpu.memory_space<vmem>>
      %dma_start3A_504 = arith.constant 0 : i32
      %dma_start3A_505 = tpu.memref_slice %arg2[%dma_start3A_504, %multiple_of3A_492] : memref<16x1000000xf32, #tpu.memory_space<hbm>> -> memref<16x128xf32, #tpu.memory_space<hbm>>
      tpu.enqueue_dma source(%dma_start3A_505 : memref<16x128xf32, #tpu.memory_space<hbm>>) target(%dma_start3A_503 : memref<16x128xf32, #tpu.memory_space<vmem>>) target_semaphore(%arg8 : memref<!tpu.dma_semaphore, #tpu.memory_space<semaphore_mem>>)
      %eq3A_506 = arith.constant 3 : i32
      %eq3A_507 = vector.broadcast %eq3A_506 : i32 to vector<16xi32>
      %eq3A_508 = arith.cmpi eq, %iota3A, %eq3A_507 : vector<16xi32>
      %jit3A_509 = arith.constant 0 : i32
      %broadcast_in_dim3A_510 = vector.broadcast %jit3A_509 : i32 to vector<16xi32>
      %select_n3A_511 = arith.select %eq3A_508, %get3A_19, %broadcast_in_dim3A_510 : vector<16xi1>, vector<16xi32>
      %reduce_sum3A_512 = arith.constant true
      %reduce_sum3A_513 = vector.broadcast %reduce_sum3A_512 : i1 to vector<16xi1>
      %reduce_sum3A_514 = tpu.scan <sum>, %select_n3A_511 masked %reduce_sum3A_513 : vector<16xi32>, vector<16xi1> -> vector<16xi32>
      %reduce_sum3A_515 = vector.extract %reduce_sum3A_514[15] : i32 from vector<16xi32>
      %and3A_516 = arith.constant -128 : i32
      %and3A_517 = arith.andi %reduce_sum3A_515, %and3A_516 : i32
      %multiple_of3A_518 = tpu.assume_multiple %and3A_517, 128 : i32
      %dma_start3A_519 = arith.constant 19 : i32
      %dma_start3A_520 = arith.constant 0 : i32
      %dma_start3A_521 = arith.constant 0 : i32
      %dma_start3A_522 = tpu.memref_slice %arg6[%dma_start3A_519, %dma_start3A_520, %dma_start3A_521] : memref<32x16x128xf32, #tpu.memory_space<vmem>> -> memref<1x16x128xf32, #tpu.memory_space<vmem>>
      %dma_start3A_523 = tpu.memref_squeeze %dma_start3A_522 : memref<1x16x128xf32, #tpu.memory_space<vmem>> -> memref<16x128xf32, #tpu.memory_space<vmem>>
      %dma_start3A_524 = arith.constant 0 : i32
      %dma_start3A_525 = tpu.memref_slice %arg2[%dma_start3A_524, %multiple_of3A_518] : memref<16x1000000xf32, #tpu.memory_space<hbm>> -> memref<16x128xf32, #tpu.memory_space<hbm>>
      %dma_start3A_526 = arith.constant 0 : i32
      %dma_start3A_527 = arith.constant 0 : i32
      %dma_start3A_528 = tpu.memref_slice %arg6[%dma_start3A_519, %dma_start3A_526, %dma_start3A_527] : memref<32x16x128xf32, #tpu.memory_space<vmem>> -> memref<1x16x128xf32, #tpu.memory_space<vmem>>
      %dma_start3A_529 = tpu.memref_squeeze %dma_start3A_528 : memref<1x16x128xf32, #tpu.memory_space<vmem>> -> memref<16x128xf32, #tpu.memory_space<vmem>>
      %dma_start3A_530 = arith.constant 0 : i32
      %dma_start3A_531 = tpu.memref_slice %arg2[%dma_start3A_530, %multiple_of3A_518] : memref<16x1000000xf32, #tpu.memory_space<hbm>> -> memref<16x128xf32, #tpu.memory_space<hbm>>
      tpu.enqueue_dma source(%dma_start3A_531 : memref<16x128xf32, #tpu.memory_space<hbm>>) target(%dma_start3A_529 : memref<16x128xf32, #tpu.memory_space<vmem>>) target_semaphore(%arg8 : memref<!tpu.dma_semaphore, #tpu.memory_space<semaphore_mem>>)
      %eq3A_532 = arith.constant 4 : i32
      %eq3A_533 = vector.broadcast %eq3A_532 : i32 to vector<16xi32>
      %eq3A_534 = arith.cmpi eq, %iota3A, %eq3A_533 : vector<16xi32>
      %jit3A_535 = arith.constant 0 : i32
      %broadcast_in_dim3A_536 = vector.broadcast %jit3A_535 : i32 to vector<16xi32>
      %select_n3A_537 = arith.select %eq3A_534, %get3A_19, %broadcast_in_dim3A_536 : vector<16xi1>, vector<16xi32>
      %reduce_sum3A_538 = arith.constant true
      %reduce_sum3A_539 = vector.broadcast %reduce_sum3A_538 : i1 to vector<16xi1>
      %reduce_sum3A_540 = tpu.scan <sum>, %select_n3A_537 masked %reduce_sum3A_539 : vector<16xi32>, vector<16xi1> -> vector<16xi32>
      %reduce_sum3A_541 = vector.extract %reduce_sum3A_540[15] : i32 from vector<16xi32>
      %and3A_542 = arith.constant -128 : i32
      %and3A_543 = arith.andi %reduce_sum3A_541, %and3A_542 : i32
      %multiple_of3A_544 = tpu.assume_multiple %and3A_543, 128 : i32
      %dma_start3A_545 = arith.constant 20 : i32
      %dma_start3A_546 = arith.constant 0 : i32
      %dma_start3A_547 = arith.constant 0 : i32
      %dma_start3A_548 = tpu.memref_slice %arg6[%dma_start3A_545, %dma_start3A_546, %dma_start3A_547] : memref<32x16x128xf32, #tpu.memory_space<vmem>> -> memref<1x16x128xf32, #tpu.memory_space<vmem>>
      %dma_start3A_549 = tpu.memref_squeeze %dma_start3A_548 : memref<1x16x128xf32, #tpu.memory_space<vmem>> -> memref<16x128xf32, #tpu.memory_space<vmem>>
      %dma_start3A_550 = arith.constant 0 : i32
      %dma_start3A_551 = tpu.memref_slice %arg2[%dma_start3A_550, %multiple_of3A_544] : memref<16x1000000xf32, #tpu.memory_space<hbm>> -> memref<16x128xf32, #tpu.memory_space<hbm>>
      %dma_start3A_552 = arith.constant 0 : i32
      %dma_start3A_553 = arith.constant 0 : i32
      %dma_start3A_554 = tpu.memref_slice %arg6[%dma_start3A_545, %dma_start3A_552, %dma_start3A_553] : memref<32x16x128xf32, #tpu.memory_space<vmem>> -> memref<1x16x128xf32, #tpu.memory_space<vmem>>
      %dma_start3A_555 = tpu.memref_squeeze %dma_start3A_554 : memref<1x16x128xf32, #tpu.memory_space<vmem>> -> memref<16x128xf32, #tpu.memory_space<vmem>>
      %dma_start3A_556 = arith.constant 0 : i32
      %dma_start3A_557 = tpu.memref_slice %arg2[%dma_start3A_556, %multiple_of3A_544] : memref<16x1000000xf32, #tpu.memory_space<hbm>> -> memref<16x128xf32, #tpu.memory_space<hbm>>
      tpu.enqueue_dma source(%dma_start3A_557 : memref<16x128xf32, #tpu.memory_space<hbm>>) target(%dma_start3A_555 : memref<16x128xf32, #tpu.memory_space<vmem>>) target_semaphore(%arg8 : memref<!tpu.dma_semaphore, #tpu.memory_space<semaphore_mem>>)
      %eq3A_558 = arith.constant 5 : i32
      %eq3A_559 = vector.broadcast %eq3A_558 : i32 to vector<16xi32>
      %eq3A_560 = arith.cmpi eq, %iota3A, %eq3A_559 : vector<16xi32>
      %jit3A_561 = arith.constant 0 : i32
      %broadcast_in_dim3A_562 = vector.broadcast %jit3A_561 : i32 to vector<16xi32>
      %select_n3A_563 = arith.select %eq3A_560, %get3A_19, %broadcast_in_dim3A_562 : vector<16xi1>, vector<16xi32>
      %reduce_sum3A_564 = arith.constant true
      %reduce_sum3A_565 = vector.broadcast %reduce_sum3A_564 : i1 to vector<16xi1>
      %reduce_sum3A_566 = tpu.scan <sum>, %select_n3A_563 masked %reduce_sum3A_565 : vector<16xi32>, vector<16xi1> -> vector<16xi32>
      %reduce_sum3A_567 = vector.extract %reduce_sum3A_566[15] : i32 from vector<16xi32>
      %and3A_568 = arith.constant -128 : i32
      %and3A_569 = arith.andi %reduce_sum3A_567, %and3A_568 : i32
      %multiple_of3A_570 = tpu.assume_multiple %and3A_569, 128 : i32
      %dma_start3A_571 = arith.constant 21 : i32
      %dma_start3A_572 = arith.constant 0 : i32
      %dma_start3A_573 = arith.constant 0 : i32
      %dma_start3A_574 = tpu.memref_slice %arg6[%dma_start3A_571, %dma_start3A_572, %dma_start3A_573] : memref<32x16x128xf32, #tpu.memory_space<vmem>> -> memref<1x16x128xf32, #tpu.memory_space<vmem>>
      %dma_start3A_575 = tpu.memref_squeeze %dma_start3A_574 : memref<1x16x128xf32, #tpu.memory_space<vmem>> -> memref<16x128xf32, #tpu.memory_space<vmem>>
      %dma_start3A_576 = arith.constant 0 : i32
      %dma_start3A_577 = tpu.memref_slice %arg2[%dma_start3A_576, %multiple_of3A_570] : memref<16x1000000xf32, #tpu.memory_space<hbm>> -> memref<16x128xf32, #tpu.memory_space<hbm>>
      %dma_start3A_578 = arith.constant 0 : i32
      %dma_start3A_579 = arith.constant 0 : i32
      %dma_start3A_580 = tpu.memref_slice %arg6[%dma_start3A_571, %dma_start3A_578, %dma_start3A_579] : memref<32x16x128xf32, #tpu.memory_space<vmem>> -> memref<1x16x128xf32, #tpu.memory_space<vmem>>
      %dma_start3A_581 = tpu.memref_squeeze %dma_start3A_580 : memref<1x16x128xf32, #tpu.memory_space<vmem>> -> memref<16x128xf32, #tpu.memory_space<vmem>>
      %dma_start3A_582 = arith.constant 0 : i32
      %dma_start3A_583 = tpu.memref_slice %arg2[%dma_start3A_582, %multiple_of3A_570] : memref<16x1000000xf32, #tpu.memory_space<hbm>> -> memref<16x128xf32, #tpu.memory_space<hbm>>
      tpu.enqueue_dma source(%dma_start3A_583 : memref<16x128xf32, #tpu.memory_space<hbm>>) target(%dma_start3A_581 : memref<16x128xf32, #tpu.memory_space<vmem>>) target_semaphore(%arg8 : memref<!tpu.dma_semaphore, #tpu.memory_space<semaphore_mem>>)
      %eq3A_584 = arith.constant 6 : i32
      %eq3A_585 = vector.broadcast %eq3A_584 : i32 to vector<16xi32>
      %eq3A_586 = arith.cmpi eq, %iota3A, %eq3A_585 : vector<16xi32>
      %jit3A_587 = arith.constant 0 : i32
      %broadcast_in_dim3A_588 = vector.broadcast %jit3A_587 : i32 to vector<16xi32>
      %select_n3A_589 = arith.select %eq3A_586, %get3A_19, %broadcast_in_dim3A_588 : vector<16xi1>, vector<16xi32>
      %reduce_sum3A_590 = arith.constant true
      %reduce_sum3A_591 = vector.broadcast %reduce_sum3A_590 : i1 to vector<16xi1>
      %reduce_sum3A_592 = tpu.scan <sum>, %select_n3A_589 masked %reduce_sum3A_591 : vector<16xi32>, vector<16xi1> -> vector<16xi32>
      %reduce_sum3A_593 = vector.extract %reduce_sum3A_592[15] : i32 from vector<16xi32>
      %and3A_594 = arith.constant -128 : i32
      %and3A_595 = arith.andi %reduce_sum3A_593, %and3A_594 : i32
      %multiple_of3A_596 = tpu.assume_multiple %and3A_595, 128 : i32
      %dma_start3A_597 = arith.constant 22 : i32
      %dma_start3A_598 = arith.constant 0 : i32
      %dma_start3A_599 = arith.constant 0 : i32
      %dma_start3A_600 = tpu.memref_slice %arg6[%dma_start3A_597, %dma_start3A_598, %dma_start3A_599] : memref<32x16x128xf32, #tpu.memory_space<vmem>> -> memref<1x16x128xf32, #tpu.memory_space<vmem>>
      %dma_start3A_601 = tpu.memref_squeeze %dma_start3A_600 : memref<1x16x128xf32, #tpu.memory_space<vmem>> -> memref<16x128xf32, #tpu.memory_space<vmem>>
      %dma_start3A_602 = arith.constant 0 : i32
      %dma_start3A_603 = tpu.memref_slice %arg2[%dma_start3A_602, %multiple_of3A_596] : memref<16x1000000xf32, #tpu.memory_space<hbm>> -> memref<16x128xf32, #tpu.memory_space<hbm>>
      %dma_start3A_604 = arith.constant 0 : i32
      %dma_start3A_605 = arith.constant 0 : i32
      %dma_start3A_606 = tpu.memref_slice %arg6[%dma_start3A_597, %dma_start3A_604, %dma_start3A_605] : memref<32x16x128xf32, #tpu.memory_space<vmem>> -> memref<1x16x128xf32, #tpu.memory_space<vmem>>
      %dma_start3A_607 = tpu.memref_squeeze %dma_start3A_606 : memref<1x16x128xf32, #tpu.memory_space<vmem>> -> memref<16x128xf32, #tpu.memory_space<vmem>>
      %dma_start3A_608 = arith.constant 0 : i32
      %dma_start3A_609 = tpu.memref_slice %arg2[%dma_start3A_608, %multiple_of3A_596] : memref<16x1000000xf32, #tpu.memory_space<hbm>> -> memref<16x128xf32, #tpu.memory_space<hbm>>
      tpu.enqueue_dma source(%dma_start3A_609 : memref<16x128xf32, #tpu.memory_space<hbm>>) target(%dma_start3A_607 : memref<16x128xf32, #tpu.memory_space<vmem>>) target_semaphore(%arg8 : memref<!tpu.dma_semaphore, #tpu.memory_space<semaphore_mem>>)
      %eq3A_610 = arith.constant 7 : i32
      %eq3A_611 = vector.broadcast %eq3A_610 : i32 to vector<16xi32>
      %eq3A_612 = arith.cmpi eq, %iota3A, %eq3A_611 : vector<16xi32>
      %jit3A_613 = arith.constant 0 : i32
      %broadcast_in_dim3A_614 = vector.broadcast %jit3A_613 : i32 to vector<16xi32>
      %select_n3A_615 = arith.select %eq3A_612, %get3A_19, %broadcast_in_dim3A_614 : vector<16xi1>, vector<16xi32>
      %reduce_sum3A_616 = arith.constant true
      %reduce_sum3A_617 = vector.broadcast %reduce_sum3A_616 : i1 to vector<16xi1>
      %reduce_sum3A_618 = tpu.scan <sum>, %select_n3A_615 masked %reduce_sum3A_617 : vector<16xi32>, vector<16xi1> -> vector<16xi32>
      %reduce_sum3A_619 = vector.extract %reduce_sum3A_618[15] : i32 from vector<16xi32>
      %and3A_620 = arith.constant -128 : i32
      %and3A_621 = arith.andi %reduce_sum3A_619, %and3A_620 : i32
      %multiple_of3A_622 = tpu.assume_multiple %and3A_621, 128 : i32
      %dma_start3A_623 = arith.constant 23 : i32
      %dma_start3A_624 = arith.constant 0 : i32
      %dma_start3A_625 = arith.constant 0 : i32
      %dma_start3A_626 = tpu.memref_slice %arg6[%dma_start3A_623, %dma_start3A_624, %dma_start3A_625] : memref<32x16x128xf32, #tpu.memory_space<vmem>> -> memref<1x16x128xf32, #tpu.memory_space<vmem>>
      %dma_start3A_627 = tpu.memref_squeeze %dma_start3A_626 : memref<1x16x128xf32, #tpu.memory_space<vmem>> -> memref<16x128xf32, #tpu.memory_space<vmem>>
      %dma_start3A_628 = arith.constant 0 : i32
      %dma_start3A_629 = tpu.memref_slice %arg2[%dma_start3A_628, %multiple_of3A_622] : memref<16x1000000xf32, #tpu.memory_space<hbm>> -> memref<16x128xf32, #tpu.memory_space<hbm>>
      %dma_start3A_630 = arith.constant 0 : i32
      %dma_start3A_631 = arith.constant 0 : i32
      %dma_start3A_632 = tpu.memref_slice %arg6[%dma_start3A_623, %dma_start3A_630, %dma_start3A_631] : memref<32x16x128xf32, #tpu.memory_space<vmem>> -> memref<1x16x128xf32, #tpu.memory_space<vmem>>
      %dma_start3A_633 = tpu.memref_squeeze %dma_start3A_632 : memref<1x16x128xf32, #tpu.memory_space<vmem>> -> memref<16x128xf32, #tpu.memory_space<vmem>>
      %dma_start3A_634 = arith.constant 0 : i32
      %dma_start3A_635 = tpu.memref_slice %arg2[%dma_start3A_634, %multiple_of3A_622] : memref<16x1000000xf32, #tpu.memory_space<hbm>> -> memref<16x128xf32, #tpu.memory_space<hbm>>
      tpu.enqueue_dma source(%dma_start3A_635 : memref<16x128xf32, #tpu.memory_space<hbm>>) target(%dma_start3A_633 : memref<16x128xf32, #tpu.memory_space<vmem>>) target_semaphore(%arg8 : memref<!tpu.dma_semaphore, #tpu.memory_space<semaphore_mem>>)
      %eq3A_636 = arith.constant 8 : i32
      %eq3A_637 = vector.broadcast %eq3A_636 : i32 to vector<16xi32>
      %eq3A_638 = arith.cmpi eq, %iota3A, %eq3A_637 : vector<16xi32>
      %jit3A_639 = arith.constant 0 : i32
      %broadcast_in_dim3A_640 = vector.broadcast %jit3A_639 : i32 to vector<16xi32>
      %select_n3A_641 = arith.select %eq3A_638, %get3A_19, %broadcast_in_dim3A_640 : vector<16xi1>, vector<16xi32>
      %reduce_sum3A_642 = arith.constant true
      %reduce_sum3A_643 = vector.broadcast %reduce_sum3A_642 : i1 to vector<16xi1>
      %reduce_sum3A_644 = tpu.scan <sum>, %select_n3A_641 masked %reduce_sum3A_643 : vector<16xi32>, vector<16xi1> -> vector<16xi32>
      %reduce_sum3A_645 = vector.extract %reduce_sum3A_644[15] : i32 from vector<16xi32>
      %and3A_646 = arith.constant -128 : i32
      %and3A_647 = arith.andi %reduce_sum3A_645, %and3A_646 : i32
      %multiple_of3A_648 = tpu.assume_multiple %and3A_647, 128 : i32
      %dma_start3A_649 = arith.constant 24 : i32
      %dma_start3A_650 = arith.constant 0 : i32
      %dma_start3A_651 = arith.constant 0 : i32
      %dma_start3A_652 = tpu.memref_slice %arg6[%dma_start3A_649, %dma_start3A_650, %dma_start3A_651] : memref<32x16x128xf32, #tpu.memory_space<vmem>> -> memref<1x16x128xf32, #tpu.memory_space<vmem>>
      %dma_start3A_653 = tpu.memref_squeeze %dma_start3A_652 : memref<1x16x128xf32, #tpu.memory_space<vmem>> -> memref<16x128xf32, #tpu.memory_space<vmem>>
      %dma_start3A_654 = arith.constant 0 : i32
      %dma_start3A_655 = tpu.memref_slice %arg2[%dma_start3A_654, %multiple_of3A_648] : memref<16x1000000xf32, #tpu.memory_space<hbm>> -> memref<16x128xf32, #tpu.memory_space<hbm>>
      %dma_start3A_656 = arith.constant 0 : i32
      %dma_start3A_657 = arith.constant 0 : i32
      %dma_start3A_658 = tpu.memref_slice %arg6[%dma_start3A_649, %dma_start3A_656, %dma_start3A_657] : memref<32x16x128xf32, #tpu.memory_space<vmem>> -> memref<1x16x128xf32, #tpu.memory_space<vmem>>
      %dma_start3A_659 = tpu.memref_squeeze %dma_start3A_658 : memref<1x16x128xf32, #tpu.memory_space<vmem>> -> memref<16x128xf32, #tpu.memory_space<vmem>>
      %dma_start3A_660 = arith.constant 0 : i32
      %dma_start3A_661 = tpu.memref_slice %arg2[%dma_start3A_660, %multiple_of3A_648] : memref<16x1000000xf32, #tpu.memory_space<hbm>> -> memref<16x128xf32, #tpu.memory_space<hbm>>
      tpu.enqueue_dma source(%dma_start3A_661 : memref<16x128xf32, #tpu.memory_space<hbm>>) target(%dma_start3A_659 : memref<16x128xf32, #tpu.memory_space<vmem>>) target_semaphore(%arg8 : memref<!tpu.dma_semaphore, #tpu.memory_space<semaphore_mem>>)
      %eq3A_662 = arith.constant 9 : i32
      %eq3A_663 = vector.broadcast %eq3A_662 : i32 to vector<16xi32>
      %eq3A_664 = arith.cmpi eq, %iota3A, %eq3A_663 : vector<16xi32>
      %jit3A_665 = arith.constant 0 : i32
      %broadcast_in_dim3A_666 = vector.broadcast %jit3A_665 : i32 to vector<16xi32>
      %select_n3A_667 = arith.select %eq3A_664, %get3A_19, %broadcast_in_dim3A_666 : vector<16xi1>, vector<16xi32>
      %reduce_sum3A_668 = arith.constant true
      %reduce_sum3A_669 = vector.broadcast %reduce_sum3A_668 : i1 to vector<16xi1>
      %reduce_sum3A_670 = tpu.scan <sum>, %select_n3A_667 masked %reduce_sum3A_669 : vector<16xi32>, vector<16xi1> -> vector<16xi32>
      %reduce_sum3A_671 = vector.extract %reduce_sum3A_670[15] : i32 from vector<16xi32>
      %and3A_672 = arith.constant -128 : i32
      %and3A_673 = arith.andi %reduce_sum3A_671, %and3A_672 : i32
      %multiple_of3A_674 = tpu.assume_multiple %and3A_673, 128 : i32
      %dma_start3A_675 = arith.constant 25 : i32
      %dma_start3A_676 = arith.constant 0 : i32
      %dma_start3A_677 = arith.constant 0 : i32
      %dma_start3A_678 = tpu.memref_slice %arg6[%dma_start3A_675, %dma_start3A_676, %dma_start3A_677] : memref<32x16x128xf32, #tpu.memory_space<vmem>> -> memref<1x16x128xf32, #tpu.memory_space<vmem>>
      %dma_start3A_679 = tpu.memref_squeeze %dma_start3A_678 : memref<1x16x128xf32, #tpu.memory_space<vmem>> -> memref<16x128xf32, #tpu.memory_space<vmem>>
      %dma_start3A_680 = arith.constant 0 : i32
      %dma_start3A_681 = tpu.memref_slice %arg2[%dma_start3A_680, %multiple_of3A_674] : memref<16x1000000xf32, #tpu.memory_space<hbm>> -> memref<16x128xf32, #tpu.memory_space<hbm>>
      %dma_start3A_682 = arith.constant 0 : i32
      %dma_start3A_683 = arith.constant 0 : i32
      %dma_start3A_684 = tpu.memref_slice %arg6[%dma_start3A_675, %dma_start3A_682, %dma_start3A_683] : memref<32x16x128xf32, #tpu.memory_space<vmem>> -> memref<1x16x128xf32, #tpu.memory_space<vmem>>
      %dma_start3A_685 = tpu.memref_squeeze %dma_start3A_684 : memref<1x16x128xf32, #tpu.memory_space<vmem>> -> memref<16x128xf32, #tpu.memory_space<vmem>>
      %dma_start3A_686 = arith.constant 0 : i32
      %dma_start3A_687 = tpu.memref_slice %arg2[%dma_start3A_686, %multiple_of3A_674] : memref<16x1000000xf32, #tpu.memory_space<hbm>> -> memref<16x128xf32, #tpu.memory_space<hbm>>
      tpu.enqueue_dma source(%dma_start3A_687 : memref<16x128xf32, #tpu.memory_space<hbm>>) target(%dma_start3A_685 : memref<16x128xf32, #tpu.memory_space<vmem>>) target_semaphore(%arg8 : memref<!tpu.dma_semaphore, #tpu.memory_space<semaphore_mem>>)
      %eq3A_688 = arith.constant 10 : i32
      %eq3A_689 = vector.broadcast %eq3A_688 : i32 to vector<16xi32>
      %eq3A_690 = arith.cmpi eq, %iota3A, %eq3A_689 : vector<16xi32>
      %jit3A_691 = arith.constant 0 : i32
      %broadcast_in_dim3A_692 = vector.broadcast %jit3A_691 : i32 to vector<16xi32>
      %select_n3A_693 = arith.select %eq3A_690, %get3A_19, %broadcast_in_dim3A_692 : vector<16xi1>, vector<16xi32>
      %reduce_sum3A_694 = arith.constant true
      %reduce_sum3A_695 = vector.broadcast %reduce_sum3A_694 : i1 to vector<16xi1>
      %reduce_sum3A_696 = tpu.scan <sum>, %select_n3A_693 masked %reduce_sum3A_695 : vector<16xi32>, vector<16xi1> -> vector<16xi32>
      %reduce_sum3A_697 = vector.extract %reduce_sum3A_696[15] : i32 from vector<16xi32>
      %and3A_698 = arith.constant -128 : i32
      %and3A_699 = arith.andi %reduce_sum3A_697, %and3A_698 : i32
      %multiple_of3A_700 = tpu.assume_multiple %and3A_699, 128 : i32
      %dma_start3A_701 = arith.constant 26 : i32
      %dma_start3A_702 = arith.constant 0 : i32
      %dma_start3A_703 = arith.constant 0 : i32
      %dma_start3A_704 = tpu.memref_slice %arg6[%dma_start3A_701, %dma_start3A_702, %dma_start3A_703] : memref<32x16x128xf32, #tpu.memory_space<vmem>> -> memref<1x16x128xf32, #tpu.memory_space<vmem>>
      %dma_start3A_705 = tpu.memref_squeeze %dma_start3A_704 : memref<1x16x128xf32, #tpu.memory_space<vmem>> -> memref<16x128xf32, #tpu.memory_space<vmem>>
      %dma_start3A_706 = arith.constant 0 : i32
      %dma_start3A_707 = tpu.memref_slice %arg2[%dma_start3A_706, %multiple_of3A_700] : memref<16x1000000xf32, #tpu.memory_space<hbm>> -> memref<16x128xf32, #tpu.memory_space<hbm>>
      %dma_start3A_708 = arith.constant 0 : i32
      %dma_start3A_709 = arith.constant 0 : i32
      %dma_start3A_710 = tpu.memref_slice %arg6[%dma_start3A_701, %dma_start3A_708, %dma_start3A_709] : memref<32x16x128xf32, #tpu.memory_space<vmem>> -> memref<1x16x128xf32, #tpu.memory_space<vmem>>
      %dma_start3A_711 = tpu.memref_squeeze %dma_start3A_710 : memref<1x16x128xf32, #tpu.memory_space<vmem>> -> memref<16x128xf32, #tpu.memory_space<vmem>>
      %dma_start3A_712 = arith.constant 0 : i32
      %dma_start3A_713 = tpu.memref_slice %arg2[%dma_start3A_712, %multiple_of3A_700] : memref<16x1000000xf32, #tpu.memory_space<hbm>> -> memref<16x128xf32, #tpu.memory_space<hbm>>
      tpu.enqueue_dma source(%dma_start3A_713 : memref<16x128xf32, #tpu.memory_space<hbm>>) target(%dma_start3A_711 : memref<16x128xf32, #tpu.memory_space<vmem>>) target_semaphore(%arg8 : memref<!tpu.dma_semaphore, #tpu.memory_space<semaphore_mem>>)
      %eq3A_714 = arith.constant 11 : i32
      %eq3A_715 = vector.broadcast %eq3A_714 : i32 to vector<16xi32>
      %eq3A_716 = arith.cmpi eq, %iota3A, %eq3A_715 : vector<16xi32>
      %jit3A_717 = arith.constant 0 : i32
      %broadcast_in_dim3A_718 = vector.broadcast %jit3A_717 : i32 to vector<16xi32>
      %select_n3A_719 = arith.select %eq3A_716, %get3A_19, %broadcast_in_dim3A_718 : vector<16xi1>, vector<16xi32>
      %reduce_sum3A_720 = arith.constant true
      %reduce_sum3A_721 = vector.broadcast %reduce_sum3A_720 : i1 to vector<16xi1>
      %reduce_sum3A_722 = tpu.scan <sum>, %select_n3A_719 masked %reduce_sum3A_721 : vector<16xi32>, vector<16xi1> -> vector<16xi32>
      %reduce_sum3A_723 = vector.extract %reduce_sum3A_722[15] : i32 from vector<16xi32>
      %and3A_724 = arith.constant -128 : i32
      %and3A_725 = arith.andi %reduce_sum3A_723, %and3A_724 : i32
      %multiple_of3A_726 = tpu.assume_multiple %and3A_725, 128 : i32
      %dma_start3A_727 = arith.constant 27 : i32
      %dma_start3A_728 = arith.constant 0 : i32
      %dma_start3A_729 = arith.constant 0 : i32
      %dma_start3A_730 = tpu.memref_slice %arg6[%dma_start3A_727, %dma_start3A_728, %dma_start3A_729] : memref<32x16x128xf32, #tpu.memory_space<vmem>> -> memref<1x16x128xf32, #tpu.memory_space<vmem>>
      %dma_start3A_731 = tpu.memref_squeeze %dma_start3A_730 : memref<1x16x128xf32, #tpu.memory_space<vmem>> -> memref<16x128xf32, #tpu.memory_space<vmem>>
      %dma_start3A_732 = arith.constant 0 : i32
      %dma_start3A_733 = tpu.memref_slice %arg2[%dma_start3A_732, %multiple_of3A_726] : memref<16x1000000xf32, #tpu.memory_space<hbm>> -> memref<16x128xf32, #tpu.memory_space<hbm>>
      %dma_start3A_734 = arith.constant 0 : i32
      %dma_start3A_735 = arith.constant 0 : i32
      %dma_start3A_736 = tpu.memref_slice %arg6[%dma_start3A_727, %dma_start3A_734, %dma_start3A_735] : memref<32x16x128xf32, #tpu.memory_space<vmem>> -> memref<1x16x128xf32, #tpu.memory_space<vmem>>
      %dma_start3A_737 = tpu.memref_squeeze %dma_start3A_736 : memref<1x16x128xf32, #tpu.memory_space<vmem>> -> memref<16x128xf32, #tpu.memory_space<vmem>>
      %dma_start3A_738 = arith.constant 0 : i32
      %dma_start3A_739 = tpu.memref_slice %arg2[%dma_start3A_738, %multiple_of3A_726] : memref<16x1000000xf32, #tpu.memory_space<hbm>> -> memref<16x128xf32, #tpu.memory_space<hbm>>
      tpu.enqueue_dma source(%dma_start3A_739 : memref<16x128xf32, #tpu.memory_space<hbm>>) target(%dma_start3A_737 : memref<16x128xf32, #tpu.memory_space<vmem>>) target_semaphore(%arg8 : memref<!tpu.dma_semaphore, #tpu.memory_space<semaphore_mem>>)
      %eq3A_740 = arith.constant 12 : i32
      %eq3A_741 = vector.broadcast %eq3A_740 : i32 to vector<16xi32>
      %eq3A_742 = arith.cmpi eq, %iota3A, %eq3A_741 : vector<16xi32>
      %jit3A_743 = arith.constant 0 : i32
      %broadcast_in_dim3A_744 = vector.broadcast %jit3A_743 : i32 to vector<16xi32>
      %select_n3A_745 = arith.select %eq3A_742, %get3A_19, %broadcast_in_dim3A_744 : vector<16xi1>, vector<16xi32>
      %reduce_sum3A_746 = arith.constant true
      %reduce_sum3A_747 = vector.broadcast %reduce_sum3A_746 : i1 to vector<16xi1>
      %reduce_sum3A_748 = tpu.scan <sum>, %select_n3A_745 masked %reduce_sum3A_747 : vector<16xi32>, vector<16xi1> -> vector<16xi32>
      %reduce_sum3A_749 = vector.extract %reduce_sum3A_748[15] : i32 from vector<16xi32>
      %and3A_750 = arith.constant -128 : i32
      %and3A_751 = arith.andi %reduce_sum3A_749, %and3A_750 : i32
      %multiple_of3A_752 = tpu.assume_multiple %and3A_751, 128 : i32
      %dma_start3A_753 = arith.constant 28 : i32
      %dma_start3A_754 = arith.constant 0 : i32
      %dma_start3A_755 = arith.constant 0 : i32
      %dma_start3A_756 = tpu.memref_slice %arg6[%dma_start3A_753, %dma_start3A_754, %dma_start3A_755] : memref<32x16x128xf32, #tpu.memory_space<vmem>> -> memref<1x16x128xf32, #tpu.memory_space<vmem>>
      %dma_start3A_757 = tpu.memref_squeeze %dma_start3A_756 : memref<1x16x128xf32, #tpu.memory_space<vmem>> -> memref<16x128xf32, #tpu.memory_space<vmem>>
      %dma_start3A_758 = arith.constant 0 : i32
      %dma_start3A_759 = tpu.memref_slice %arg2[%dma_start3A_758, %multiple_of3A_752] : memref<16x1000000xf32, #tpu.memory_space<hbm>> -> memref<16x128xf32, #tpu.memory_space<hbm>>
      %dma_start3A_760 = arith.constant 0 : i32
      %dma_start3A_761 = arith.constant 0 : i32
      %dma_start3A_762 = tpu.memref_slice %arg6[%dma_start3A_753, %dma_start3A_760, %dma_start3A_761] : memref<32x16x128xf32, #tpu.memory_space<vmem>> -> memref<1x16x128xf32, #tpu.memory_space<vmem>>
      %dma_start3A_763 = tpu.memref_squeeze %dma_start3A_762 : memref<1x16x128xf32, #tpu.memory_space<vmem>> -> memref<16x128xf32, #tpu.memory_space<vmem>>
      %dma_start3A_764 = arith.constant 0 : i32
      %dma_start3A_765 = tpu.memref_slice %arg2[%dma_start3A_764, %multiple_of3A_752] : memref<16x1000000xf32, #tpu.memory_space<hbm>> -> memref<16x128xf32, #tpu.memory_space<hbm>>
      tpu.enqueue_dma source(%dma_start3A_765 : memref<16x128xf32, #tpu.memory_space<hbm>>) target(%dma_start3A_763 : memref<16x128xf32, #tpu.memory_space<vmem>>) target_semaphore(%arg8 : memref<!tpu.dma_semaphore, #tpu.memory_space<semaphore_mem>>)
      %eq3A_766 = arith.constant 13 : i32
      %eq3A_767 = vector.broadcast %eq3A_766 : i32 to vector<16xi32>
      %eq3A_768 = arith.cmpi eq, %iota3A, %eq3A_767 : vector<16xi32>
      %jit3A_769 = arith.constant 0 : i32
      %broadcast_in_dim3A_770 = vector.broadcast %jit3A_769 : i32 to vector<16xi32>
      %select_n3A_771 = arith.select %eq3A_768, %get3A_19, %broadcast_in_dim3A_770 : vector<16xi1>, vector<16xi32>
      %reduce_sum3A_772 = arith.constant true
      %reduce_sum3A_773 = vector.broadcast %reduce_sum3A_772 : i1 to vector<16xi1>
      %reduce_sum3A_774 = tpu.scan <sum>, %select_n3A_771 masked %reduce_sum3A_773 : vector<16xi32>, vector<16xi1> -> vector<16xi32>
      %reduce_sum3A_775 = vector.extract %reduce_sum3A_774[15] : i32 from vector<16xi32>
      %and3A_776 = arith.constant -128 : i32
      %and3A_777 = arith.andi %reduce_sum3A_775, %and3A_776 : i32
      %multiple_of3A_778 = tpu.assume_multiple %and3A_777, 128 : i32
      %dma_start3A_779 = arith.constant 29 : i32
      %dma_start3A_780 = arith.constant 0 : i32
      %dma_start3A_781 = arith.constant 0 : i32
      %dma_start3A_782 = tpu.memref_slice %arg6[%dma_start3A_779, %dma_start3A_780, %dma_start3A_781] : memref<32x16x128xf32, #tpu.memory_space<vmem>> -> memref<1x16x128xf32, #tpu.memory_space<vmem>>
      %dma_start3A_783 = tpu.memref_squeeze %dma_start3A_782 : memref<1x16x128xf32, #tpu.memory_space<vmem>> -> memref<16x128xf32, #tpu.memory_space<vmem>>
      %dma_start3A_784 = arith.constant 0 : i32
      %dma_start3A_785 = tpu.memref_slice %arg2[%dma_start3A_784, %multiple_of3A_778] : memref<16x1000000xf32, #tpu.memory_space<hbm>> -> memref<16x128xf32, #tpu.memory_space<hbm>>
      %dma_start3A_786 = arith.constant 0 : i32
      %dma_start3A_787 = arith.constant 0 : i32
      %dma_start3A_788 = tpu.memref_slice %arg6[%dma_start3A_779, %dma_start3A_786, %dma_start3A_787] : memref<32x16x128xf32, #tpu.memory_space<vmem>> -> memref<1x16x128xf32, #tpu.memory_space<vmem>>
      %dma_start3A_789 = tpu.memref_squeeze %dma_start3A_788 : memref<1x16x128xf32, #tpu.memory_space<vmem>> -> memref<16x128xf32, #tpu.memory_space<vmem>>
      %dma_start3A_790 = arith.constant 0 : i32
      %dma_start3A_791 = tpu.memref_slice %arg2[%dma_start3A_790, %multiple_of3A_778] : memref<16x1000000xf32, #tpu.memory_space<hbm>> -> memref<16x128xf32, #tpu.memory_space<hbm>>
      tpu.enqueue_dma source(%dma_start3A_791 : memref<16x128xf32, #tpu.memory_space<hbm>>) target(%dma_start3A_789 : memref<16x128xf32, #tpu.memory_space<vmem>>) target_semaphore(%arg8 : memref<!tpu.dma_semaphore, #tpu.memory_space<semaphore_mem>>)
      %eq3A_792 = arith.constant 14 : i32
      %eq3A_793 = vector.broadcast %eq3A_792 : i32 to vector<16xi32>
      %eq3A_794 = arith.cmpi eq, %iota3A, %eq3A_793 : vector<16xi32>
      %jit3A_795 = arith.constant 0 : i32
      %broadcast_in_dim3A_796 = vector.broadcast %jit3A_795 : i32 to vector<16xi32>
      %select_n3A_797 = arith.select %eq3A_794, %get3A_19, %broadcast_in_dim3A_796 : vector<16xi1>, vector<16xi32>
      %reduce_sum3A_798 = arith.constant true
      %reduce_sum3A_799 = vector.broadcast %reduce_sum3A_798 : i1 to vector<16xi1>
      %reduce_sum3A_800 = tpu.scan <sum>, %select_n3A_797 masked %reduce_sum3A_799 : vector<16xi32>, vector<16xi1> -> vector<16xi32>
      %reduce_sum3A_801 = vector.extract %reduce_sum3A_800[15] : i32 from vector<16xi32>
      %and3A_802 = arith.constant -128 : i32
      %and3A_803 = arith.andi %reduce_sum3A_801, %and3A_802 : i32
      %multiple_of3A_804 = tpu.assume_multiple %and3A_803, 128 : i32
      %dma_start3A_805 = arith.constant 30 : i32
      %dma_start3A_806 = arith.constant 0 : i32
      %dma_start3A_807 = arith.constant 0 : i32
      %dma_start3A_808 = tpu.memref_slice %arg6[%dma_start3A_805, %dma_start3A_806, %dma_start3A_807] : memref<32x16x128xf32, #tpu.memory_space<vmem>> -> memref<1x16x128xf32, #tpu.memory_space<vmem>>
      %dma_start3A_809 = tpu.memref_squeeze %dma_start3A_808 : memref<1x16x128xf32, #tpu.memory_space<vmem>> -> memref<16x128xf32, #tpu.memory_space<vmem>>
      %dma_start3A_810 = arith.constant 0 : i32
      %dma_start3A_811 = tpu.memref_slice %arg2[%dma_start3A_810, %multiple_of3A_804] : memref<16x1000000xf32, #tpu.memory_space<hbm>> -> memref<16x128xf32, #tpu.memory_space<hbm>>
      %dma_start3A_812 = arith.constant 0 : i32
      %dma_start3A_813 = arith.constant 0 : i32
      %dma_start3A_814 = tpu.memref_slice %arg6[%dma_start3A_805, %dma_start3A_812, %dma_start3A_813] : memref<32x16x128xf32, #tpu.memory_space<vmem>> -> memref<1x16x128xf32, #tpu.memory_space<vmem>>
      %dma_start3A_815 = tpu.memref_squeeze %dma_start3A_814 : memref<1x16x128xf32, #tpu.memory_space<vmem>> -> memref<16x128xf32, #tpu.memory_space<vmem>>
      %dma_start3A_816 = arith.constant 0 : i32
      %dma_start3A_817 = tpu.memref_slice %arg2[%dma_start3A_816, %multiple_of3A_804] : memref<16x1000000xf32, #tpu.memory_space<hbm>> -> memref<16x128xf32, #tpu.memory_space<hbm>>
      tpu.enqueue_dma source(%dma_start3A_817 : memref<16x128xf32, #tpu.memory_space<hbm>>) target(%dma_start3A_815 : memref<16x128xf32, #tpu.memory_space<vmem>>) target_semaphore(%arg8 : memref<!tpu.dma_semaphore, #tpu.memory_space<semaphore_mem>>)
      %eq3A_818 = arith.constant 15 : i32
      %eq3A_819 = vector.broadcast %eq3A_818 : i32 to vector<16xi32>
      %eq3A_820 = arith.cmpi eq, %iota3A, %eq3A_819 : vector<16xi32>
      %jit3A_821 = arith.constant 0 : i32
      %broadcast_in_dim3A_822 = vector.broadcast %jit3A_821 : i32 to vector<16xi32>
      %select_n3A_823 = arith.select %eq3A_820, %get3A_19, %broadcast_in_dim3A_822 : vector<16xi1>, vector<16xi32>
      %reduce_sum3A_824 = arith.constant true
      %reduce_sum3A_825 = vector.broadcast %reduce_sum3A_824 : i1 to vector<16xi1>
      %reduce_sum3A_826 = tpu.scan <sum>, %select_n3A_823 masked %reduce_sum3A_825 : vector<16xi32>, vector<16xi1> -> vector<16xi32>
      %reduce_sum3A_827 = vector.extract %reduce_sum3A_826[15] : i32 from vector<16xi32>
      %and3A_828 = arith.constant -128 : i32
      %and3A_829 = arith.andi %reduce_sum3A_827, %and3A_828 : i32
      %multiple_of3A_830 = tpu.assume_multiple %and3A_829, 128 : i32
      %dma_start3A_831 = arith.constant 31 : i32
      %dma_start3A_832 = arith.constant 0 : i32
      %dma_start3A_833 = arith.constant 0 : i32
      %dma_start3A_834 = tpu.memref_slice %arg6[%dma_start3A_831, %dma_start3A_832, %dma_start3A_833] : memref<32x16x128xf32, #tpu.memory_space<vmem>> -> memref<1x16x128xf32, #tpu.memory_space<vmem>>
      %dma_start3A_835 = tpu.memref_squeeze %dma_start3A_834 : memref<1x16x128xf32, #tpu.memory_space<vmem>> -> memref<16x128xf32, #tpu.memory_space<vmem>>
      %dma_start3A_836 = arith.constant 0 : i32
      %dma_start3A_837 = tpu.memref_slice %arg2[%dma_start3A_836, %multiple_of3A_830] : memref<16x1000000xf32, #tpu.memory_space<hbm>> -> memref<16x128xf32, #tpu.memory_space<hbm>>
      %dma_start3A_838 = arith.constant 0 : i32
      %dma_start3A_839 = arith.constant 0 : i32
      %dma_start3A_840 = tpu.memref_slice %arg6[%dma_start3A_831, %dma_start3A_838, %dma_start3A_839] : memref<32x16x128xf32, #tpu.memory_space<vmem>> -> memref<1x16x128xf32, #tpu.memory_space<vmem>>
      %dma_start3A_841 = tpu.memref_squeeze %dma_start3A_840 : memref<1x16x128xf32, #tpu.memory_space<vmem>> -> memref<16x128xf32, #tpu.memory_space<vmem>>
      %dma_start3A_842 = arith.constant 0 : i32
      %dma_start3A_843 = tpu.memref_slice %arg2[%dma_start3A_842, %multiple_of3A_830] : memref<16x1000000xf32, #tpu.memory_space<hbm>> -> memref<16x128xf32, #tpu.memory_space<hbm>>
      tpu.enqueue_dma source(%dma_start3A_843 : memref<16x128xf32, #tpu.memory_space<hbm>>) target(%dma_start3A_841 : memref<16x128xf32, #tpu.memory_space<vmem>>) target_semaphore(%arg8 : memref<!tpu.dma_semaphore, #tpu.memory_space<semaphore_mem>>)
      %dma_wait3A = arith.constant 0 : i32
      %dma_wait3A_844 = arith.constant 0 : i32
      %dma_wait3A_845 = arith.constant 0 : i32
      %dma_wait3A_846 = tpu.memref_slice %arg6[%dma_wait3A, %dma_wait3A_844, %dma_wait3A_845] : memref<32x16x128xf32, #tpu.memory_space<vmem>> -> memref<1x16x128xf32, #tpu.memory_space<vmem>>
      %dma_wait3A_847 = tpu.memref_squeeze %dma_wait3A_846 : memref<1x16x128xf32, #tpu.memory_space<vmem>> -> memref<16x128xf32, #tpu.memory_space<vmem>>
      %dma_wait3A_848 = arith.constant 0 : i32
      %dma_wait3A_849 = tpu.memref_slice %arg2[%dma_wait3A_848, %multiple_of3A] : memref<16x1000000xf32, #tpu.memory_space<hbm>> -> memref<16x128xf32, #tpu.memory_space<hbm>>
      %dma_wait3A_850 = arith.constant 0 : i32
      %dma_wait3A_851 = arith.constant 0 : i32
      %dma_wait3A_852 = tpu.memref_slice %arg6[%dma_wait3A, %dma_wait3A_850, %dma_wait3A_851] : memref<32x16x128xf32, #tpu.memory_space<vmem>> -> memref<1x16x128xf32, #tpu.memory_space<vmem>>
      %dma_wait3A_853 = tpu.memref_squeeze %dma_wait3A_852 : memref<1x16x128xf32, #tpu.memory_space<vmem>> -> memref<16x128xf32, #tpu.memory_space<vmem>>
      %dma_wait3A_854 = arith.constant 0 : i32
      %dma_wait3A_855 = tpu.memref_slice %arg2[%dma_wait3A_854, %multiple_of3A] : memref<16x1000000xf32, #tpu.memory_space<hbm>> -> memref<16x128xf32, #tpu.memory_space<hbm>>
      tpu.wait_dma2 semaphore(%arg8 : memref<!tpu.dma_semaphore, #tpu.memory_space<semaphore_mem>>) src(%dma_wait3A_855 : memref<16x128xf32, #tpu.memory_space<hbm>>) dst(%dma_wait3A_853 : memref<16x128xf32, #tpu.memory_space<vmem>>)
      %dma_wait3A_856 = arith.constant 1 : i32
      %dma_wait3A_857 = arith.constant 0 : i32
      %dma_wait3A_858 = arith.constant 0 : i32
      %dma_wait3A_859 = tpu.memref_slice %arg6[%dma_wait3A_856, %dma_wait3A_857, %dma_wait3A_858] : memref<32x16x128xf32, #tpu.memory_space<vmem>> -> memref<1x16x128xf32, #tpu.memory_space<vmem>>
      %dma_wait3A_860 = tpu.memref_squeeze %dma_wait3A_859 : memref<1x16x128xf32, #tpu.memory_space<vmem>> -> memref<16x128xf32, #tpu.memory_space<vmem>>
      %dma_wait3A_861 = arith.constant 0 : i32
      %dma_wait3A_862 = tpu.memref_slice %arg2[%dma_wait3A_861, %multiple_of3A_50] : memref<16x1000000xf32, #tpu.memory_space<hbm>> -> memref<16x128xf32, #tpu.memory_space<hbm>>
      %dma_wait3A_863 = arith.constant 0 : i32
      %dma_wait3A_864 = arith.constant 0 : i32
      %dma_wait3A_865 = tpu.memref_slice %arg6[%dma_wait3A_856, %dma_wait3A_863, %dma_wait3A_864] : memref<32x16x128xf32, #tpu.memory_space<vmem>> -> memref<1x16x128xf32, #tpu.memory_space<vmem>>
      %dma_wait3A_866 = tpu.memref_squeeze %dma_wait3A_865 : memref<1x16x128xf32, #tpu.memory_space<vmem>> -> memref<16x128xf32, #tpu.memory_space<vmem>>
      %dma_wait3A_867 = arith.constant 0 : i32
      %dma_wait3A_868 = tpu.memref_slice %arg2[%dma_wait3A_867, %multiple_of3A_50] : memref<16x1000000xf32, #tpu.memory_space<hbm>> -> memref<16x128xf32, #tpu.memory_space<hbm>>
      tpu.wait_dma2 semaphore(%arg8 : memref<!tpu.dma_semaphore, #tpu.memory_space<semaphore_mem>>) src(%dma_wait3A_868 : memref<16x128xf32, #tpu.memory_space<hbm>>) dst(%dma_wait3A_866 : memref<16x128xf32, #tpu.memory_space<vmem>>)
      %dma_wait3A_869 = arith.constant 2 : i32
      %dma_wait3A_870 = arith.constant 0 : i32
      %dma_wait3A_871 = arith.constant 0 : i32
      %dma_wait3A_872 = tpu.memref_slice %arg6[%dma_wait3A_869, %dma_wait3A_870, %dma_wait3A_871] : memref<32x16x128xf32, #tpu.memory_space<vmem>> -> memref<1x16x128xf32, #tpu.memory_space<vmem>>
      %dma_wait3A_873 = tpu.memref_squeeze %dma_wait3A_872 : memref<1x16x128xf32, #tpu.memory_space<vmem>> -> memref<16x128xf32, #tpu.memory_space<vmem>>
      %dma_wait3A_874 = arith.constant 0 : i32
      %dma_wait3A_875 = tpu.memref_slice %arg2[%dma_wait3A_874, %multiple_of3A_76] : memref<16x1000000xf32, #tpu.memory_space<hbm>> -> memref<16x128xf32, #tpu.memory_space<hbm>>
      %dma_wait3A_876 = arith.constant 0 : i32
      %dma_wait3A_877 = arith.constant 0 : i32
      %dma_wait3A_878 = tpu.memref_slice %arg6[%dma_wait3A_869, %dma_wait3A_876, %dma_wait3A_877] : memref<32x16x128xf32, #tpu.memory_space<vmem>> -> memref<1x16x128xf32, #tpu.memory_space<vmem>>
      %dma_wait3A_879 = tpu.memref_squeeze %dma_wait3A_878 : memref<1x16x128xf32, #tpu.memory_space<vmem>> -> memref<16x128xf32, #tpu.memory_space<vmem>>
      %dma_wait3A_880 = arith.constant 0 : i32
      %dma_wait3A_881 = tpu.memref_slice %arg2[%dma_wait3A_880, %multiple_of3A_76] : memref<16x1000000xf32, #tpu.memory_space<hbm>> -> memref<16x128xf32, #tpu.memory_space<hbm>>
      tpu.wait_dma2 semaphore(%arg8 : memref<!tpu.dma_semaphore, #tpu.memory_space<semaphore_mem>>) src(%dma_wait3A_881 : memref<16x128xf32, #tpu.memory_space<hbm>>) dst(%dma_wait3A_879 : memref<16x128xf32, #tpu.memory_space<vmem>>)
      %dma_wait3A_882 = arith.constant 3 : i32
      %dma_wait3A_883 = arith.constant 0 : i32
      %dma_wait3A_884 = arith.constant 0 : i32
      %dma_wait3A_885 = tpu.memref_slice %arg6[%dma_wait3A_882, %dma_wait3A_883, %dma_wait3A_884] : memref<32x16x128xf32, #tpu.memory_space<vmem>> -> memref<1x16x128xf32, #tpu.memory_space<vmem>>
      %dma_wait3A_886 = tpu.memref_squeeze %dma_wait3A_885 : memref<1x16x128xf32, #tpu.memory_space<vmem>> -> memref<16x128xf32, #tpu.memory_space<vmem>>
      %dma_wait3A_887 = arith.constant 0 : i32
      %dma_wait3A_888 = tpu.memref_slice %arg2[%dma_wait3A_887, %multiple_of3A_102] : memref<16x1000000xf32, #tpu.memory_space<hbm>> -> memref<16x128xf32, #tpu.memory_space<hbm>>
      %dma_wait3A_889 = arith.constant 0 : i32
      %dma_wait3A_890 = arith.constant 0 : i32
      %dma_wait3A_891 = tpu.memref_slice %arg6[%dma_wait3A_882, %dma_wait3A_889, %dma_wait3A_890] : memref<32x16x128xf32, #tpu.memory_space<vmem>> -> memref<1x16x128xf32, #tpu.memory_space<vmem>>
      %dma_wait3A_892 = tpu.memref_squeeze %dma_wait3A_891 : memref<1x16x128xf32, #tpu.memory_space<vmem>> -> memref<16x128xf32, #tpu.memory_space<vmem>>
      %dma_wait3A_893 = arith.constant 0 : i32
      %dma_wait3A_894 = tpu.memref_slice %arg2[%dma_wait3A_893, %multiple_of3A_102] : memref<16x1000000xf32, #tpu.memory_space<hbm>> -> memref<16x128xf32, #tpu.memory_space<hbm>>
      tpu.wait_dma2 semaphore(%arg8 : memref<!tpu.dma_semaphore, #tpu.memory_space<semaphore_mem>>) src(%dma_wait3A_894 : memref<16x128xf32, #tpu.memory_space<hbm>>) dst(%dma_wait3A_892 : memref<16x128xf32, #tpu.memory_space<vmem>>)
      %dma_wait3A_895 = arith.constant 4 : i32
      %dma_wait3A_896 = arith.constant 0 : i32
      %dma_wait3A_897 = arith.constant 0 : i32
      %dma_wait3A_898 = tpu.memref_slice %arg6[%dma_wait3A_895, %dma_wait3A_896, %dma_wait3A_897] : memref<32x16x128xf32, #tpu.memory_space<vmem>> -> memref<1x16x128xf32, #tpu.memory_space<vmem>>
      %dma_wait3A_899 = tpu.memref_squeeze %dma_wait3A_898 : memref<1x16x128xf32, #tpu.memory_space<vmem>> -> memref<16x128xf32, #tpu.memory_space<vmem>>
      %dma_wait3A_900 = arith.constant 0 : i32
      %dma_wait3A_901 = tpu.memref_slice %arg2[%dma_wait3A_900, %multiple_of3A_128] : memref<16x1000000xf32, #tpu.memory_space<hbm>> -> memref<16x128xf32, #tpu.memory_space<hbm>>
      %dma_wait3A_902 = arith.constant 0 : i32
      %dma_wait3A_903 = arith.constant 0 : i32
      %dma_wait3A_904 = tpu.memref_slice %arg6[%dma_wait3A_895, %dma_wait3A_902, %dma_wait3A_903] : memref<32x16x128xf32, #tpu.memory_space<vmem>> -> memref<1x16x128xf32, #tpu.memory_space<vmem>>
      %dma_wait3A_905 = tpu.memref_squeeze %dma_wait3A_904 : memref<1x16x128xf32, #tpu.memory_space<vmem>> -> memref<16x128xf32, #tpu.memory_space<vmem>>
      %dma_wait3A_906 = arith.constant 0 : i32
      %dma_wait3A_907 = tpu.memref_slice %arg2[%dma_wait3A_906, %multiple_of3A_128] : memref<16x1000000xf32, #tpu.memory_space<hbm>> -> memref<16x128xf32, #tpu.memory_space<hbm>>
      tpu.wait_dma2 semaphore(%arg8 : memref<!tpu.dma_semaphore, #tpu.memory_space<semaphore_mem>>) src(%dma_wait3A_907 : memref<16x128xf32, #tpu.memory_space<hbm>>) dst(%dma_wait3A_905 : memref<16x128xf32, #tpu.memory_space<vmem>>)
      %dma_wait3A_908 = arith.constant 5 : i32
      %dma_wait3A_909 = arith.constant 0 : i32
      %dma_wait3A_910 = arith.constant 0 : i32
      %dma_wait3A_911 = tpu.memref_slice %arg6[%dma_wait3A_908, %dma_wait3A_909, %dma_wait3A_910] : memref<32x16x128xf32, #tpu.memory_space<vmem>> -> memref<1x16x128xf32, #tpu.memory_space<vmem>>
      %dma_wait3A_912 = tpu.memref_squeeze %dma_wait3A_911 : memref<1x16x128xf32, #tpu.memory_space<vmem>> -> memref<16x128xf32, #tpu.memory_space<vmem>>
      %dma_wait3A_913 = arith.constant 0 : i32
      %dma_wait3A_914 = tpu.memref_slice %arg2[%dma_wait3A_913, %multiple_of3A_154] : memref<16x1000000xf32, #tpu.memory_space<hbm>> -> memref<16x128xf32, #tpu.memory_space<hbm>>
      %dma_wait3A_915 = arith.constant 0 : i32
      %dma_wait3A_916 = arith.constant 0 : i32
      %dma_wait3A_917 = tpu.memref_slice %arg6[%dma_wait3A_908, %dma_wait3A_915, %dma_wait3A_916] : memref<32x16x128xf32, #tpu.memory_space<vmem>> -> memref<1x16x128xf32, #tpu.memory_space<vmem>>
      %dma_wait3A_918 = tpu.memref_squeeze %dma_wait3A_917 : memref<1x16x128xf32, #tpu.memory_space<vmem>> -> memref<16x128xf32, #tpu.memory_space<vmem>>
      %dma_wait3A_919 = arith.constant 0 : i32
      %dma_wait3A_920 = tpu.memref_slice %arg2[%dma_wait3A_919, %multiple_of3A_154] : memref<16x1000000xf32, #tpu.memory_space<hbm>> -> memref<16x128xf32, #tpu.memory_space<hbm>>
      tpu.wait_dma2 semaphore(%arg8 : memref<!tpu.dma_semaphore, #tpu.memory_space<semaphore_mem>>) src(%dma_wait3A_920 : memref<16x128xf32, #tpu.memory_space<hbm>>) dst(%dma_wait3A_918 : memref<16x128xf32, #tpu.memory_space<vmem>>)
      %dma_wait3A_921 = arith.constant 6 : i32
      %dma_wait3A_922 = arith.constant 0 : i32
      %dma_wait3A_923 = arith.constant 0 : i32
      %dma_wait3A_924 = tpu.memref_slice %arg6[%dma_wait3A_921, %dma_wait3A_922, %dma_wait3A_923] : memref<32x16x128xf32, #tpu.memory_space<vmem>> -> memref<1x16x128xf32, #tpu.memory_space<vmem>>
      %dma_wait3A_925 = tpu.memref_squeeze %dma_wait3A_924 : memref<1x16x128xf32, #tpu.memory_space<vmem>> -> memref<16x128xf32, #tpu.memory_space<vmem>>
      %dma_wait3A_926 = arith.constant 0 : i32
      %dma_wait3A_927 = tpu.memref_slice %arg2[%dma_wait3A_926, %multiple_of3A_180] : memref<16x1000000xf32, #tpu.memory_space<hbm>> -> memref<16x128xf32, #tpu.memory_space<hbm>>
      %dma_wait3A_928 = arith.constant 0 : i32
      %dma_wait3A_929 = arith.constant 0 : i32
      %dma_wait3A_930 = tpu.memref_slice %arg6[%dma_wait3A_921, %dma_wait3A_928, %dma_wait3A_929] : memref<32x16x128xf32, #tpu.memory_space<vmem>> -> memref<1x16x128xf32, #tpu.memory_space<vmem>>
      %dma_wait3A_931 = tpu.memref_squeeze %dma_wait3A_930 : memref<1x16x128xf32, #tpu.memory_space<vmem>> -> memref<16x128xf32, #tpu.memory_space<vmem>>
      %dma_wait3A_932 = arith.constant 0 : i32
      %dma_wait3A_933 = tpu.memref_slice %arg2[%dma_wait3A_932, %multiple_of3A_180] : memref<16x1000000xf32, #tpu.memory_space<hbm>> -> memref<16x128xf32, #tpu.memory_space<hbm>>
      tpu.wait_dma2 semaphore(%arg8 : memref<!tpu.dma_semaphore, #tpu.memory_space<semaphore_mem>>) src(%dma_wait3A_933 : memref<16x128xf32, #tpu.memory_space<hbm>>) dst(%dma_wait3A_931 : memref<16x128xf32, #tpu.memory_space<vmem>>)
      %dma_wait3A_934 = arith.constant 7 : i32
      %dma_wait3A_935 = arith.constant 0 : i32
      %dma_wait3A_936 = arith.constant 0 : i32
      %dma_wait3A_937 = tpu.memref_slice %arg6[%dma_wait3A_934, %dma_wait3A_935, %dma_wait3A_936] : memref<32x16x128xf32, #tpu.memory_space<vmem>> -> memref<1x16x128xf32, #tpu.memory_space<vmem>>
      %dma_wait3A_938 = tpu.memref_squeeze %dma_wait3A_937 : memref<1x16x128xf32, #tpu.memory_space<vmem>> -> memref<16x128xf32, #tpu.memory_space<vmem>>
      %dma_wait3A_939 = arith.constant 0 : i32
      %dma_wait3A_940 = tpu.memref_slice %arg2[%dma_wait3A_939, %multiple_of3A_206] : memref<16x1000000xf32, #tpu.memory_space<hbm>> -> memref<16x128xf32, #tpu.memory_space<hbm>>
      %dma_wait3A_941 = arith.constant 0 : i32
      %dma_wait3A_942 = arith.constant 0 : i32
      %dma_wait3A_943 = tpu.memref_slice %arg6[%dma_wait3A_934, %dma_wait3A_941, %dma_wait3A_942] : memref<32x16x128xf32, #tpu.memory_space<vmem>> -> memref<1x16x128xf32, #tpu.memory_space<vmem>>
      %dma_wait3A_944 = tpu.memref_squeeze %dma_wait3A_943 : memref<1x16x128xf32, #tpu.memory_space<vmem>> -> memref<16x128xf32, #tpu.memory_space<vmem>>
      %dma_wait3A_945 = arith.constant 0 : i32
      %dma_wait3A_946 = tpu.memref_slice %arg2[%dma_wait3A_945, %multiple_of3A_206] : memref<16x1000000xf32, #tpu.memory_space<hbm>> -> memref<16x128xf32, #tpu.memory_space<hbm>>
      tpu.wait_dma2 semaphore(%arg8 : memref<!tpu.dma_semaphore, #tpu.memory_space<semaphore_mem>>) src(%dma_wait3A_946 : memref<16x128xf32, #tpu.memory_space<hbm>>) dst(%dma_wait3A_944 : memref<16x128xf32, #tpu.memory_space<vmem>>)
      %dma_wait3A_947 = arith.constant 8 : i32
      %dma_wait3A_948 = arith.constant 0 : i32
      %dma_wait3A_949 = arith.constant 0 : i32
      %dma_wait3A_950 = tpu.memref_slice %arg6[%dma_wait3A_947, %dma_wait3A_948, %dma_wait3A_949] : memref<32x16x128xf32, #tpu.memory_space<vmem>> -> memref<1x16x128xf32, #tpu.memory_space<vmem>>
      %dma_wait3A_951 = tpu.memref_squeeze %dma_wait3A_950 : memref<1x16x128xf32, #tpu.memory_space<vmem>> -> memref<16x128xf32, #tpu.memory_space<vmem>>
      %dma_wait3A_952 = arith.constant 0 : i32
      %dma_wait3A_953 = tpu.memref_slice %arg2[%dma_wait3A_952, %multiple_of3A_232] : memref<16x1000000xf32, #tpu.memory_space<hbm>> -> memref<16x128xf32, #tpu.memory_space<hbm>>
      %dma_wait3A_954 = arith.constant 0 : i32
      %dma_wait3A_955 = arith.constant 0 : i32
      %dma_wait3A_956 = tpu.memref_slice %arg6[%dma_wait3A_947, %dma_wait3A_954, %dma_wait3A_955] : memref<32x16x128xf32, #tpu.memory_space<vmem>> -> memref<1x16x128xf32, #tpu.memory_space<vmem>>
      %dma_wait3A_957 = tpu.memref_squeeze %dma_wait3A_956 : memref<1x16x128xf32, #tpu.memory_space<vmem>> -> memref<16x128xf32, #tpu.memory_space<vmem>>
      %dma_wait3A_958 = arith.constant 0 : i32
      %dma_wait3A_959 = tpu.memref_slice %arg2[%dma_wait3A_958, %multiple_of3A_232] : memref<16x1000000xf32, #tpu.memory_space<hbm>> -> memref<16x128xf32, #tpu.memory_space<hbm>>
      tpu.wait_dma2 semaphore(%arg8 : memref<!tpu.dma_semaphore, #tpu.memory_space<semaphore_mem>>) src(%dma_wait3A_959 : memref<16x128xf32, #tpu.memory_space<hbm>>) dst(%dma_wait3A_957 : memref<16x128xf32, #tpu.memory_space<vmem>>)
      %dma_wait3A_960 = arith.constant 9 : i32
      %dma_wait3A_961 = arith.constant 0 : i32
      %dma_wait3A_962 = arith.constant 0 : i32
      %dma_wait3A_963 = tpu.memref_slice %arg6[%dma_wait3A_960, %dma_wait3A_961, %dma_wait3A_962] : memref<32x16x128xf32, #tpu.memory_space<vmem>> -> memref<1x16x128xf32, #tpu.memory_space<vmem>>
      %dma_wait3A_964 = tpu.memref_squeeze %dma_wait3A_963 : memref<1x16x128xf32, #tpu.memory_space<vmem>> -> memref<16x128xf32, #tpu.memory_space<vmem>>
      %dma_wait3A_965 = arith.constant 0 : i32
      %dma_wait3A_966 = tpu.memref_slice %arg2[%dma_wait3A_965, %multiple_of3A_258] : memref<16x1000000xf32, #tpu.memory_space<hbm>> -> memref<16x128xf32, #tpu.memory_space<hbm>>
      %dma_wait3A_967 = arith.constant 0 : i32
      %dma_wait3A_968 = arith.constant 0 : i32
      %dma_wait3A_969 = tpu.memref_slice %arg6[%dma_wait3A_960, %dma_wait3A_967, %dma_wait3A_968] : memref<32x16x128xf32, #tpu.memory_space<vmem>> -> memref<1x16x128xf32, #tpu.memory_space<vmem>>
      %dma_wait3A_970 = tpu.memref_squeeze %dma_wait3A_969 : memref<1x16x128xf32, #tpu.memory_space<vmem>> -> memref<16x128xf32, #tpu.memory_space<vmem>>
      %dma_wait3A_971 = arith.constant 0 : i32
      %dma_wait3A_972 = tpu.memref_slice %arg2[%dma_wait3A_971, %multiple_of3A_258] : memref<16x1000000xf32, #tpu.memory_space<hbm>> -> memref<16x128xf32, #tpu.memory_space<hbm>>
      tpu.wait_dma2 semaphore(%arg8 : memref<!tpu.dma_semaphore, #tpu.memory_space<semaphore_mem>>) src(%dma_wait3A_972 : memref<16x128xf32, #tpu.memory_space<hbm>>) dst(%dma_wait3A_970 : memref<16x128xf32, #tpu.memory_space<vmem>>)
      %dma_wait3A_973 = arith.constant 10 : i32
      %dma_wait3A_974 = arith.constant 0 : i32
      %dma_wait3A_975 = arith.constant 0 : i32
      %dma_wait3A_976 = tpu.memref_slice %arg6[%dma_wait3A_973, %dma_wait3A_974, %dma_wait3A_975] : memref<32x16x128xf32, #tpu.memory_space<vmem>> -> memref<1x16x128xf32, #tpu.memory_space<vmem>>
      %dma_wait3A_977 = tpu.memref_squeeze %dma_wait3A_976 : memref<1x16x128xf32, #tpu.memory_space<vmem>> -> memref<16x128xf32, #tpu.memory_space<vmem>>
      %dma_wait3A_978 = arith.constant 0 : i32
      %dma_wait3A_979 = tpu.memref_slice %arg2[%dma_wait3A_978, %multiple_of3A_284] : memref<16x1000000xf32, #tpu.memory_space<hbm>> -> memref<16x128xf32, #tpu.memory_space<hbm>>
      %dma_wait3A_980 = arith.constant 0 : i32
      %dma_wait3A_981 = arith.constant 0 : i32
      %dma_wait3A_982 = tpu.memref_slice %arg6[%dma_wait3A_973, %dma_wait3A_980, %dma_wait3A_981] : memref<32x16x128xf32, #tpu.memory_space<vmem>> -> memref<1x16x128xf32, #tpu.memory_space<vmem>>
      %dma_wait3A_983 = tpu.memref_squeeze %dma_wait3A_982 : memref<1x16x128xf32, #tpu.memory_space<vmem>> -> memref<16x128xf32, #tpu.memory_space<vmem>>
      %dma_wait3A_984 = arith.constant 0 : i32
      %dma_wait3A_985 = tpu.memref_slice %arg2[%dma_wait3A_984, %multiple_of3A_284] : memref<16x1000000xf32, #tpu.memory_space<hbm>> -> memref<16x128xf32, #tpu.memory_space<hbm>>
      tpu.wait_dma2 semaphore(%arg8 : memref<!tpu.dma_semaphore, #tpu.memory_space<semaphore_mem>>) src(%dma_wait3A_985 : memref<16x128xf32, #tpu.memory_space<hbm>>) dst(%dma_wait3A_983 : memref<16x128xf32, #tpu.memory_space<vmem>>)
      %dma_wait3A_986 = arith.constant 11 : i32
      %dma_wait3A_987 = arith.constant 0 : i32
      %dma_wait3A_988 = arith.constant 0 : i32
      %dma_wait3A_989 = tpu.memref_slice %arg6[%dma_wait3A_986, %dma_wait3A_987, %dma_wait3A_988] : memref<32x16x128xf32, #tpu.memory_space<vmem>> -> memref<1x16x128xf32, #tpu.memory_space<vmem>>
      %dma_wait3A_990 = tpu.memref_squeeze %dma_wait3A_989 : memref<1x16x128xf32, #tpu.memory_space<vmem>> -> memref<16x128xf32, #tpu.memory_space<vmem>>
      %dma_wait3A_991 = arith.constant 0 : i32
      %dma_wait3A_992 = tpu.memref_slice %arg2[%dma_wait3A_991, %multiple_of3A_310] : memref<16x1000000xf32, #tpu.memory_space<hbm>> -> memref<16x128xf32, #tpu.memory_space<hbm>>
      %dma_wait3A_993 = arith.constant 0 : i32
      %dma_wait3A_994 = arith.constant 0 : i32
      %dma_wait3A_995 = tpu.memref_slice %arg6[%dma_wait3A_986, %dma_wait3A_993, %dma_wait3A_994] : memref<32x16x128xf32, #tpu.memory_space<vmem>> -> memref<1x16x128xf32, #tpu.memory_space<vmem>>
      %dma_wait3A_996 = tpu.memref_squeeze %dma_wait3A_995 : memref<1x16x128xf32, #tpu.memory_space<vmem>> -> memref<16x128xf32, #tpu.memory_space<vmem>>
      %dma_wait3A_997 = arith.constant 0 : i32
      %dma_wait3A_998 = tpu.memref_slice %arg2[%dma_wait3A_997, %multiple_of3A_310] : memref<16x1000000xf32, #tpu.memory_space<hbm>> -> memref<16x128xf32, #tpu.memory_space<hbm>>
      tpu.wait_dma2 semaphore(%arg8 : memref<!tpu.dma_semaphore, #tpu.memory_space<semaphore_mem>>) src(%dma_wait3A_998 : memref<16x128xf32, #tpu.memory_space<hbm>>) dst(%dma_wait3A_996 : memref<16x128xf32, #tpu.memory_space<vmem>>)
      %dma_wait3A_999 = arith.constant 12 : i32
      %dma_wait3A_1000 = arith.constant 0 : i32
      %dma_wait3A_1001 = arith.constant 0 : i32
      %dma_wait3A_1002 = tpu.memref_slice %arg6[%dma_wait3A_999, %dma_wait3A_1000, %dma_wait3A_1001] : memref<32x16x128xf32, #tpu.memory_space<vmem>> -> memref<1x16x128xf32, #tpu.memory_space<vmem>>
      %dma_wait3A_1003 = tpu.memref_squeeze %dma_wait3A_1002 : memref<1x16x128xf32, #tpu.memory_space<vmem>> -> memref<16x128xf32, #tpu.memory_space<vmem>>
      %dma_wait3A_1004 = arith.constant 0 : i32
      %dma_wait3A_1005 = tpu.memref_slice %arg2[%dma_wait3A_1004, %multiple_of3A_336] : memref<16x1000000xf32, #tpu.memory_space<hbm>> -> memref<16x128xf32, #tpu.memory_space<hbm>>
      %dma_wait3A_1006 = arith.constant 0 : i32
      %dma_wait3A_1007 = arith.constant 0 : i32
      %dma_wait3A_1008 = tpu.memref_slice %arg6[%dma_wait3A_999, %dma_wait3A_1006, %dma_wait3A_1007] : memref<32x16x128xf32, #tpu.memory_space<vmem>> -> memref<1x16x128xf32, #tpu.memory_space<vmem>>
      %dma_wait3A_1009 = tpu.memref_squeeze %dma_wait3A_1008 : memref<1x16x128xf32, #tpu.memory_space<vmem>> -> memref<16x128xf32, #tpu.memory_space<vmem>>
      %dma_wait3A_1010 = arith.constant 0 : i32
      %dma_wait3A_1011 = tpu.memref_slice %arg2[%dma_wait3A_1010, %multiple_of3A_336] : memref<16x1000000xf32, #tpu.memory_space<hbm>> -> memref<16x128xf32, #tpu.memory_space<hbm>>
      tpu.wait_dma2 semaphore(%arg8 : memref<!tpu.dma_semaphore, #tpu.memory_space<semaphore_mem>>) src(%dma_wait3A_1011 : memref<16x128xf32, #tpu.memory_space<hbm>>) dst(%dma_wait3A_1009 : memref<16x128xf32, #tpu.memory_space<vmem>>)
      %dma_wait3A_1012 = arith.constant 13 : i32
      %dma_wait3A_1013 = arith.constant 0 : i32
      %dma_wait3A_1014 = arith.constant 0 : i32
      %dma_wait3A_1015 = tpu.memref_slice %arg6[%dma_wait3A_1012, %dma_wait3A_1013, %dma_wait3A_1014] : memref<32x16x128xf32, #tpu.memory_space<vmem>> -> memref<1x16x128xf32, #tpu.memory_space<vmem>>
      %dma_wait3A_1016 = tpu.memref_squeeze %dma_wait3A_1015 : memref<1x16x128xf32, #tpu.memory_space<vmem>> -> memref<16x128xf32, #tpu.memory_space<vmem>>
      %dma_wait3A_1017 = arith.constant 0 : i32
      %dma_wait3A_1018 = tpu.memref_slice %arg2[%dma_wait3A_1017, %multiple_of3A_362] : memref<16x1000000xf32, #tpu.memory_space<hbm>> -> memref<16x128xf32, #tpu.memory_space<hbm>>
      %dma_wait3A_1019 = arith.constant 0 : i32
      %dma_wait3A_1020 = arith.constant 0 : i32
      %dma_wait3A_1021 = tpu.memref_slice %arg6[%dma_wait3A_1012, %dma_wait3A_1019, %dma_wait3A_1020] : memref<32x16x128xf32, #tpu.memory_space<vmem>> -> memref<1x16x128xf32, #tpu.memory_space<vmem>>
      %dma_wait3A_1022 = tpu.memref_squeeze %dma_wait3A_1021 : memref<1x16x128xf32, #tpu.memory_space<vmem>> -> memref<16x128xf32, #tpu.memory_space<vmem>>
      %dma_wait3A_1023 = arith.constant 0 : i32
      %dma_wait3A_1024 = tpu.memref_slice %arg2[%dma_wait3A_1023, %multiple_of3A_362] : memref<16x1000000xf32, #tpu.memory_space<hbm>> -> memref<16x128xf32, #tpu.memory_space<hbm>>
      tpu.wait_dma2 semaphore(%arg8 : memref<!tpu.dma_semaphore, #tpu.memory_space<semaphore_mem>>) src(%dma_wait3A_1024 : memref<16x128xf32, #tpu.memory_space<hbm>>) dst(%dma_wait3A_1022 : memref<16x128xf32, #tpu.memory_space<vmem>>)
      %dma_wait3A_1025 = arith.constant 14 : i32
      %dma_wait3A_1026 = arith.constant 0 : i32
      %dma_wait3A_1027 = arith.constant 0 : i32
      %dma_wait3A_1028 = tpu.memref_slice %arg6[%dma_wait3A_1025, %dma_wait3A_1026, %dma_wait3A_1027] : memref<32x16x128xf32, #tpu.memory_space<vmem>> -> memref<1x16x128xf32, #tpu.memory_space<vmem>>
      %dma_wait3A_1029 = tpu.memref_squeeze %dma_wait3A_1028 : memref<1x16x128xf32, #tpu.memory_space<vmem>> -> memref<16x128xf32, #tpu.memory_space<vmem>>
      %dma_wait3A_1030 = arith.constant 0 : i32
      %dma_wait3A_1031 = tpu.memref_slice %arg2[%dma_wait3A_1030, %multiple_of3A_388] : memref<16x1000000xf32, #tpu.memory_space<hbm>> -> memref<16x128xf32, #tpu.memory_space<hbm>>
      %dma_wait3A_1032 = arith.constant 0 : i32
      %dma_wait3A_1033 = arith.constant 0 : i32
      %dma_wait3A_1034 = tpu.memref_slice %arg6[%dma_wait3A_1025, %dma_wait3A_1032, %dma_wait3A_1033] : memref<32x16x128xf32, #tpu.memory_space<vmem>> -> memref<1x16x128xf32, #tpu.memory_space<vmem>>
      %dma_wait3A_1035 = tpu.memref_squeeze %dma_wait3A_1034 : memref<1x16x128xf32, #tpu.memory_space<vmem>> -> memref<16x128xf32, #tpu.memory_space<vmem>>
      %dma_wait3A_1036 = arith.constant 0 : i32
      %dma_wait3A_1037 = tpu.memref_slice %arg2[%dma_wait3A_1036, %multiple_of3A_388] : memref<16x1000000xf32, #tpu.memory_space<hbm>> -> memref<16x128xf32, #tpu.memory_space<hbm>>
      tpu.wait_dma2 semaphore(%arg8 : memref<!tpu.dma_semaphore, #tpu.memory_space<semaphore_mem>>) src(%dma_wait3A_1037 : memref<16x128xf32, #tpu.memory_space<hbm>>) dst(%dma_wait3A_1035 : memref<16x128xf32, #tpu.memory_space<vmem>>)
      %dma_wait3A_1038 = arith.constant 15 : i32
      %dma_wait3A_1039 = arith.constant 0 : i32
      %dma_wait3A_1040 = arith.constant 0 : i32
      %dma_wait3A_1041 = tpu.memref_slice %arg6[%dma_wait3A_1038, %dma_wait3A_1039, %dma_wait3A_1040] : memref<32x16x128xf32, #tpu.memory_space<vmem>> -> memref<1x16x128xf32, #tpu.memory_space<vmem>>
      %dma_wait3A_1042 = tpu.memref_squeeze %dma_wait3A_1041 : memref<1x16x128xf32, #tpu.memory_space<vmem>> -> memref<16x128xf32, #tpu.memory_space<vmem>>
      %dma_wait3A_1043 = arith.constant 0 : i32
      %dma_wait3A_1044 = tpu.memref_slice %arg2[%dma_wait3A_1043, %multiple_of3A_414] : memref<16x1000000xf32, #tpu.memory_space<hbm>> -> memref<16x128xf32, #tpu.memory_space<hbm>>
      %dma_wait3A_1045 = arith.constant 0 : i32
      %dma_wait3A_1046 = arith.constant 0 : i32
      %dma_wait3A_1047 = tpu.memref_slice %arg6[%dma_wait3A_1038, %dma_wait3A_1045, %dma_wait3A_1046] : memref<32x16x128xf32, #tpu.memory_space<vmem>> -> memref<1x16x128xf32, #tpu.memory_space<vmem>>
      %dma_wait3A_1048 = tpu.memref_squeeze %dma_wait3A_1047 : memref<1x16x128xf32, #tpu.memory_space<vmem>> -> memref<16x128xf32, #tpu.memory_space<vmem>>
      %dma_wait3A_1049 = arith.constant 0 : i32
      %dma_wait3A_1050 = tpu.memref_slice %arg2[%dma_wait3A_1049, %multiple_of3A_414] : memref<16x1000000xf32, #tpu.memory_space<hbm>> -> memref<16x128xf32, #tpu.memory_space<hbm>>
      tpu.wait_dma2 semaphore(%arg8 : memref<!tpu.dma_semaphore, #tpu.memory_space<semaphore_mem>>) src(%dma_wait3A_1050 : memref<16x128xf32, #tpu.memory_space<hbm>>) dst(%dma_wait3A_1048 : memref<16x128xf32, #tpu.memory_space<vmem>>)
      %dma_wait3A_1051 = arith.constant 16 : i32
      %dma_wait3A_1052 = arith.constant 0 : i32
      %dma_wait3A_1053 = arith.constant 0 : i32
      %dma_wait3A_1054 = tpu.memref_slice %arg6[%dma_wait3A_1051, %dma_wait3A_1052, %dma_wait3A_1053] : memref<32x16x128xf32, #tpu.memory_space<vmem>> -> memref<1x16x128xf32, #tpu.memory_space<vmem>>
      %dma_wait3A_1055 = tpu.memref_squeeze %dma_wait3A_1054 : memref<1x16x128xf32, #tpu.memory_space<vmem>> -> memref<16x128xf32, #tpu.memory_space<vmem>>
      %dma_wait3A_1056 = arith.constant 0 : i32
      %dma_wait3A_1057 = tpu.memref_slice %arg2[%dma_wait3A_1056, %multiple_of3A_440] : memref<16x1000000xf32, #tpu.memory_space<hbm>> -> memref<16x128xf32, #tpu.memory_space<hbm>>
      %dma_wait3A_1058 = arith.constant 0 : i32
      %dma_wait3A_1059 = arith.constant 0 : i32
      %dma_wait3A_1060 = tpu.memref_slice %arg6[%dma_wait3A_1051, %dma_wait3A_1058, %dma_wait3A_1059] : memref<32x16x128xf32, #tpu.memory_space<vmem>> -> memref<1x16x128xf32, #tpu.memory_space<vmem>>
      %dma_wait3A_1061 = tpu.memref_squeeze %dma_wait3A_1060 : memref<1x16x128xf32, #tpu.memory_space<vmem>> -> memref<16x128xf32, #tpu.memory_space<vmem>>
      %dma_wait3A_1062 = arith.constant 0 : i32
      %dma_wait3A_1063 = tpu.memref_slice %arg2[%dma_wait3A_1062, %multiple_of3A_440] : memref<16x1000000xf32, #tpu.memory_space<hbm>> -> memref<16x128xf32, #tpu.memory_space<hbm>>
      tpu.wait_dma2 semaphore(%arg8 : memref<!tpu.dma_semaphore, #tpu.memory_space<semaphore_mem>>) src(%dma_wait3A_1063 : memref<16x128xf32, #tpu.memory_space<hbm>>) dst(%dma_wait3A_1061 : memref<16x128xf32, #tpu.memory_space<vmem>>)
      %dma_wait3A_1064 = arith.constant 17 : i32
      %dma_wait3A_1065 = arith.constant 0 : i32
      %dma_wait3A_1066 = arith.constant 0 : i32
      %dma_wait3A_1067 = tpu.memref_slice %arg6[%dma_wait3A_1064, %dma_wait3A_1065, %dma_wait3A_1066] : memref<32x16x128xf32, #tpu.memory_space<vmem>> -> memref<1x16x128xf32, #tpu.memory_space<vmem>>
      %dma_wait3A_1068 = tpu.memref_squeeze %dma_wait3A_1067 : memref<1x16x128xf32, #tpu.memory_space<vmem>> -> memref<16x128xf32, #tpu.memory_space<vmem>>
      %dma_wait3A_1069 = arith.constant 0 : i32
      %dma_wait3A_1070 = tpu.memref_slice %arg2[%dma_wait3A_1069, %multiple_of3A_466] : memref<16x1000000xf32, #tpu.memory_space<hbm>> -> memref<16x128xf32, #tpu.memory_space<hbm>>
      %dma_wait3A_1071 = arith.constant 0 : i32
      %dma_wait3A_1072 = arith.constant 0 : i32
      %dma_wait3A_1073 = tpu.memref_slice %arg6[%dma_wait3A_1064, %dma_wait3A_1071, %dma_wait3A_1072] : memref<32x16x128xf32, #tpu.memory_space<vmem>> -> memref<1x16x128xf32, #tpu.memory_space<vmem>>
      %dma_wait3A_1074 = tpu.memref_squeeze %dma_wait3A_1073 : memref<1x16x128xf32, #tpu.memory_space<vmem>> -> memref<16x128xf32, #tpu.memory_space<vmem>>
      %dma_wait3A_1075 = arith.constant 0 : i32
      %dma_wait3A_1076 = tpu.memref_slice %arg2[%dma_wait3A_1075, %multiple_of3A_466] : memref<16x1000000xf32, #tpu.memory_space<hbm>> -> memref<16x128xf32, #tpu.memory_space<hbm>>
      tpu.wait_dma2 semaphore(%arg8 : memref<!tpu.dma_semaphore, #tpu.memory_space<semaphore_mem>>) src(%dma_wait3A_1076 : memref<16x128xf32, #tpu.memory_space<hbm>>) dst(%dma_wait3A_1074 : memref<16x128xf32, #tpu.memory_space<vmem>>)
      %dma_wait3A_1077 = arith.constant 18 : i32
      %dma_wait3A_1078 = arith.constant 0 : i32
      %dma_wait3A_1079 = arith.constant 0 : i32
      %dma_wait3A_1080 = tpu.memref_slice %arg6[%dma_wait3A_1077, %dma_wait3A_1078, %dma_wait3A_1079] : memref<32x16x128xf32, #tpu.memory_space<vmem>> -> memref<1x16x128xf32, #tpu.memory_space<vmem>>
      %dma_wait3A_1081 = tpu.memref_squeeze %dma_wait3A_1080 : memref<1x16x128xf32, #tpu.memory_space<vmem>> -> memref<16x128xf32, #tpu.memory_space<vmem>>
      %dma_wait3A_1082 = arith.constant 0 : i32
      %dma_wait3A_1083 = tpu.memref_slice %arg2[%dma_wait3A_1082, %multiple_of3A_492] : memref<16x1000000xf32, #tpu.memory_space<hbm>> -> memref<16x128xf32, #tpu.memory_space<hbm>>
      %dma_wait3A_1084 = arith.constant 0 : i32
      %dma_wait3A_1085 = arith.constant 0 : i32
      %dma_wait3A_1086 = tpu.memref_slice %arg6[%dma_wait3A_1077, %dma_wait3A_1084, %dma_wait3A_1085] : memref<32x16x128xf32, #tpu.memory_space<vmem>> -> memref<1x16x128xf32, #tpu.memory_space<vmem>>
      %dma_wait3A_1087 = tpu.memref_squeeze %dma_wait3A_1086 : memref<1x16x128xf32, #tpu.memory_space<vmem>> -> memref<16x128xf32, #tpu.memory_space<vmem>>
      %dma_wait3A_1088 = arith.constant 0 : i32
      %dma_wait3A_1089 = tpu.memref_slice %arg2[%dma_wait3A_1088, %multiple_of3A_492] : memref<16x1000000xf32, #tpu.memory_space<hbm>> -> memref<16x128xf32, #tpu.memory_space<hbm>>
      tpu.wait_dma2 semaphore(%arg8 : memref<!tpu.dma_semaphore, #tpu.memory_space<semaphore_mem>>) src(%dma_wait3A_1089 : memref<16x128xf32, #tpu.memory_space<hbm>>) dst(%dma_wait3A_1087 : memref<16x128xf32, #tpu.memory_space<vmem>>)
      %dma_wait3A_1090 = arith.constant 19 : i32
      %dma_wait3A_1091 = arith.constant 0 : i32
      %dma_wait3A_1092 = arith.constant 0 : i32
      %dma_wait3A_1093 = tpu.memref_slice %arg6[%dma_wait3A_1090, %dma_wait3A_1091, %dma_wait3A_1092] : memref<32x16x128xf32, #tpu.memory_space<vmem>> -> memref<1x16x128xf32, #tpu.memory_space<vmem>>
      %dma_wait3A_1094 = tpu.memref_squeeze %dma_wait3A_1093 : memref<1x16x128xf32, #tpu.memory_space<vmem>> -> memref<16x128xf32, #tpu.memory_space<vmem>>
      %dma_wait3A_1095 = arith.constant 0 : i32
      %dma_wait3A_1096 = tpu.memref_slice %arg2[%dma_wait3A_1095, %multiple_of3A_518] : memref<16x1000000xf32, #tpu.memory_space<hbm>> -> memref<16x128xf32, #tpu.memory_space<hbm>>
      %dma_wait3A_1097 = arith.constant 0 : i32
      %dma_wait3A_1098 = arith.constant 0 : i32
      %dma_wait3A_1099 = tpu.memref_slice %arg6[%dma_wait3A_1090, %dma_wait3A_1097, %dma_wait3A_1098] : memref<32x16x128xf32, #tpu.memory_space<vmem>> -> memref<1x16x128xf32, #tpu.memory_space<vmem>>
      %dma_wait3A_1100 = tpu.memref_squeeze %dma_wait3A_1099 : memref<1x16x128xf32, #tpu.memory_space<vmem>> -> memref<16x128xf32, #tpu.memory_space<vmem>>
      %dma_wait3A_1101 = arith.constant 0 : i32
      %dma_wait3A_1102 = tpu.memref_slice %arg2[%dma_wait3A_1101, %multiple_of3A_518] : memref<16x1000000xf32, #tpu.memory_space<hbm>> -> memref<16x128xf32, #tpu.memory_space<hbm>>
      tpu.wait_dma2 semaphore(%arg8 : memref<!tpu.dma_semaphore, #tpu.memory_space<semaphore_mem>>) src(%dma_wait3A_1102 : memref<16x128xf32, #tpu.memory_space<hbm>>) dst(%dma_wait3A_1100 : memref<16x128xf32, #tpu.memory_space<vmem>>)
      %dma_wait3A_1103 = arith.constant 20 : i32
      %dma_wait3A_1104 = arith.constant 0 : i32
      %dma_wait3A_1105 = arith.constant 0 : i32
      %dma_wait3A_1106 = tpu.memref_slice %arg6[%dma_wait3A_1103, %dma_wait3A_1104, %dma_wait3A_1105] : memref<32x16x128xf32, #tpu.memory_space<vmem>> -> memref<1x16x128xf32, #tpu.memory_space<vmem>>
      %dma_wait3A_1107 = tpu.memref_squeeze %dma_wait3A_1106 : memref<1x16x128xf32, #tpu.memory_space<vmem>> -> memref<16x128xf32, #tpu.memory_space<vmem>>
      %dma_wait3A_1108 = arith.constant 0 : i32
      %dma_wait3A_1109 = tpu.memref_slice %arg2[%dma_wait3A_1108, %multiple_of3A_544] : memref<16x1000000xf32, #tpu.memory_space<hbm>> -> memref<16x128xf32, #tpu.memory_space<hbm>>
      %dma_wait3A_1110 = arith.constant 0 : i32
      %dma_wait3A_1111 = arith.constant 0 : i32
      %dma_wait3A_1112 = tpu.memref_slice %arg6[%dma_wait3A_1103, %dma_wait3A_1110, %dma_wait3A_1111] : memref<32x16x128xf32, #tpu.memory_space<vmem>> -> memref<1x16x128xf32, #tpu.memory_space<vmem>>
      %dma_wait3A_1113 = tpu.memref_squeeze %dma_wait3A_1112 : memref<1x16x128xf32, #tpu.memory_space<vmem>> -> memref<16x128xf32, #tpu.memory_space<vmem>>
      %dma_wait3A_1114 = arith.constant 0 : i32
      %dma_wait3A_1115 = tpu.memref_slice %arg2[%dma_wait3A_1114, %multiple_of3A_544] : memref<16x1000000xf32, #tpu.memory_space<hbm>> -> memref<16x128xf32, #tpu.memory_space<hbm>>
      tpu.wait_dma2 semaphore(%arg8 : memref<!tpu.dma_semaphore, #tpu.memory_space<semaphore_mem>>) src(%dma_wait3A_1115 : memref<16x128xf32, #tpu.memory_space<hbm>>) dst(%dma_wait3A_1113 : memref<16x128xf32, #tpu.memory_space<vmem>>)
      %dma_wait3A_1116 = arith.constant 21 : i32
      %dma_wait3A_1117 = arith.constant 0 : i32
      %dma_wait3A_1118 = arith.constant 0 : i32
      %dma_wait3A_1119 = tpu.memref_slice %arg6[%dma_wait3A_1116, %dma_wait3A_1117, %dma_wait3A_1118] : memref<32x16x128xf32, #tpu.memory_space<vmem>> -> memref<1x16x128xf32, #tpu.memory_space<vmem>>
      %dma_wait3A_1120 = tpu.memref_squeeze %dma_wait3A_1119 : memref<1x16x128xf32, #tpu.memory_space<vmem>> -> memref<16x128xf32, #tpu.memory_space<vmem>>
      %dma_wait3A_1121 = arith.constant 0 : i32
      %dma_wait3A_1122 = tpu.memref_slice %arg2[%dma_wait3A_1121, %multiple_of3A_570] : memref<16x1000000xf32, #tpu.memory_space<hbm>> -> memref<16x128xf32, #tpu.memory_space<hbm>>
      %dma_wait3A_1123 = arith.constant 0 : i32
      %dma_wait3A_1124 = arith.constant 0 : i32
      %dma_wait3A_1125 = tpu.memref_slice %arg6[%dma_wait3A_1116, %dma_wait3A_1123, %dma_wait3A_1124] : memref<32x16x128xf32, #tpu.memory_space<vmem>> -> memref<1x16x128xf32, #tpu.memory_space<vmem>>
      %dma_wait3A_1126 = tpu.memref_squeeze %dma_wait3A_1125 : memref<1x16x128xf32, #tpu.memory_space<vmem>> -> memref<16x128xf32, #tpu.memory_space<vmem>>
      %dma_wait3A_1127 = arith.constant 0 : i32
      %dma_wait3A_1128 = tpu.memref_slice %arg2[%dma_wait3A_1127, %multiple_of3A_570] : memref<16x1000000xf32, #tpu.memory_space<hbm>> -> memref<16x128xf32, #tpu.memory_space<hbm>>
      tpu.wait_dma2 semaphore(%arg8 : memref<!tpu.dma_semaphore, #tpu.memory_space<semaphore_mem>>) src(%dma_wait3A_1128 : memref<16x128xf32, #tpu.memory_space<hbm>>) dst(%dma_wait3A_1126 : memref<16x128xf32, #tpu.memory_space<vmem>>)
      %dma_wait3A_1129 = arith.constant 22 : i32
      %dma_wait3A_1130 = arith.constant 0 : i32
      %dma_wait3A_1131 = arith.constant 0 : i32
      %dma_wait3A_1132 = tpu.memref_slice %arg6[%dma_wait3A_1129, %dma_wait3A_1130, %dma_wait3A_1131] : memref<32x16x128xf32, #tpu.memory_space<vmem>> -> memref<1x16x128xf32, #tpu.memory_space<vmem>>
      %dma_wait3A_1133 = tpu.memref_squeeze %dma_wait3A_1132 : memref<1x16x128xf32, #tpu.memory_space<vmem>> -> memref<16x128xf32, #tpu.memory_space<vmem>>
      %dma_wait3A_1134 = arith.constant 0 : i32
      %dma_wait3A_1135 = tpu.memref_slice %arg2[%dma_wait3A_1134, %multiple_of3A_596] : memref<16x1000000xf32, #tpu.memory_space<hbm>> -> memref<16x128xf32, #tpu.memory_space<hbm>>
      %dma_wait3A_1136 = arith.constant 0 : i32
      %dma_wait3A_1137 = arith.constant 0 : i32
      %dma_wait3A_1138 = tpu.memref_slice %arg6[%dma_wait3A_1129, %dma_wait3A_1136, %dma_wait3A_1137] : memref<32x16x128xf32, #tpu.memory_space<vmem>> -> memref<1x16x128xf32, #tpu.memory_space<vmem>>
      %dma_wait3A_1139 = tpu.memref_squeeze %dma_wait3A_1138 : memref<1x16x128xf32, #tpu.memory_space<vmem>> -> memref<16x128xf32, #tpu.memory_space<vmem>>
      %dma_wait3A_1140 = arith.constant 0 : i32
      %dma_wait3A_1141 = tpu.memref_slice %arg2[%dma_wait3A_1140, %multiple_of3A_596] : memref<16x1000000xf32, #tpu.memory_space<hbm>> -> memref<16x128xf32, #tpu.memory_space<hbm>>
      tpu.wait_dma2 semaphore(%arg8 : memref<!tpu.dma_semaphore, #tpu.memory_space<semaphore_mem>>) src(%dma_wait3A_1141 : memref<16x128xf32, #tpu.memory_space<hbm>>) dst(%dma_wait3A_1139 : memref<16x128xf32, #tpu.memory_space<vmem>>)
      %dma_wait3A_1142 = arith.constant 23 : i32
      %dma_wait3A_1143 = arith.constant 0 : i32
      %dma_wait3A_1144 = arith.constant 0 : i32
      %dma_wait3A_1145 = tpu.memref_slice %arg6[%dma_wait3A_1142, %dma_wait3A_1143, %dma_wait3A_1144] : memref<32x16x128xf32, #tpu.memory_space<vmem>> -> memref<1x16x128xf32, #tpu.memory_space<vmem>>
      %dma_wait3A_1146 = tpu.memref_squeeze %dma_wait3A_1145 : memref<1x16x128xf32, #tpu.memory_space<vmem>> -> memref<16x128xf32, #tpu.memory_space<vmem>>
      %dma_wait3A_1147 = arith.constant 0 : i32
      %dma_wait3A_1148 = tpu.memref_slice %arg2[%dma_wait3A_1147, %multiple_of3A_622] : memref<16x1000000xf32, #tpu.memory_space<hbm>> -> memref<16x128xf32, #tpu.memory_space<hbm>>
      %dma_wait3A_1149 = arith.constant 0 : i32
      %dma_wait3A_1150 = arith.constant 0 : i32
      %dma_wait3A_1151 = tpu.memref_slice %arg6[%dma_wait3A_1142, %dma_wait3A_1149, %dma_wait3A_1150] : memref<32x16x128xf32, #tpu.memory_space<vmem>> -> memref<1x16x128xf32, #tpu.memory_space<vmem>>
      %dma_wait3A_1152 = tpu.memref_squeeze %dma_wait3A_1151 : memref<1x16x128xf32, #tpu.memory_space<vmem>> -> memref<16x128xf32, #tpu.memory_space<vmem>>
      %dma_wait3A_1153 = arith.constant 0 : i32
      %dma_wait3A_1154 = tpu.memref_slice %arg2[%dma_wait3A_1153, %multiple_of3A_622] : memref<16x1000000xf32, #tpu.memory_space<hbm>> -> memref<16x128xf32, #tpu.memory_space<hbm>>
      tpu.wait_dma2 semaphore(%arg8 : memref<!tpu.dma_semaphore, #tpu.memory_space<semaphore_mem>>) src(%dma_wait3A_1154 : memref<16x128xf32, #tpu.memory_space<hbm>>) dst(%dma_wait3A_1152 : memref<16x128xf32, #tpu.memory_space<vmem>>)
      %dma_wait3A_1155 = arith.constant 24 : i32
      %dma_wait3A_1156 = arith.constant 0 : i32
      %dma_wait3A_1157 = arith.constant 0 : i32
      %dma_wait3A_1158 = tpu.memref_slice %arg6[%dma_wait3A_1155, %dma_wait3A_1156, %dma_wait3A_1157] : memref<32x16x128xf32, #tpu.memory_space<vmem>> -> memref<1x16x128xf32, #tpu.memory_space<vmem>>
      %dma_wait3A_1159 = tpu.memref_squeeze %dma_wait3A_1158 : memref<1x16x128xf32, #tpu.memory_space<vmem>> -> memref<16x128xf32, #tpu.memory_space<vmem>>
      %dma_wait3A_1160 = arith.constant 0 : i32
      %dma_wait3A_1161 = tpu.memref_slice %arg2[%dma_wait3A_1160, %multiple_of3A_648] : memref<16x1000000xf32, #tpu.memory_space<hbm>> -> memref<16x128xf32, #tpu.memory_space<hbm>>
      %dma_wait3A_1162 = arith.constant 0 : i32
      %dma_wait3A_1163 = arith.constant 0 : i32
      %dma_wait3A_1164 = tpu.memref_slice %arg6[%dma_wait3A_1155, %dma_wait3A_1162, %dma_wait3A_1163] : memref<32x16x128xf32, #tpu.memory_space<vmem>> -> memref<1x16x128xf32, #tpu.memory_space<vmem>>
      %dma_wait3A_1165 = tpu.memref_squeeze %dma_wait3A_1164 : memref<1x16x128xf32, #tpu.memory_space<vmem>> -> memref<16x128xf32, #tpu.memory_space<vmem>>
      %dma_wait3A_1166 = arith.constant 0 : i32
      %dma_wait3A_1167 = tpu.memref_slice %arg2[%dma_wait3A_1166, %multiple_of3A_648] : memref<16x1000000xf32, #tpu.memory_space<hbm>> -> memref<16x128xf32, #tpu.memory_space<hbm>>
      tpu.wait_dma2 semaphore(%arg8 : memref<!tpu.dma_semaphore, #tpu.memory_space<semaphore_mem>>) src(%dma_wait3A_1167 : memref<16x128xf32, #tpu.memory_space<hbm>>) dst(%dma_wait3A_1165 : memref<16x128xf32, #tpu.memory_space<vmem>>)
      %dma_wait3A_1168 = arith.constant 25 : i32
      %dma_wait3A_1169 = arith.constant 0 : i32
      %dma_wait3A_1170 = arith.constant 0 : i32
      %dma_wait3A_1171 = tpu.memref_slice %arg6[%dma_wait3A_1168, %dma_wait3A_1169, %dma_wait3A_1170] : memref<32x16x128xf32, #tpu.memory_space<vmem>> -> memref<1x16x128xf32, #tpu.memory_space<vmem>>
      %dma_wait3A_1172 = tpu.memref_squeeze %dma_wait3A_1171 : memref<1x16x128xf32, #tpu.memory_space<vmem>> -> memref<16x128xf32, #tpu.memory_space<vmem>>
      %dma_wait3A_1173 = arith.constant 0 : i32
      %dma_wait3A_1174 = tpu.memref_slice %arg2[%dma_wait3A_1173, %multiple_of3A_674] : memref<16x1000000xf32, #tpu.memory_space<hbm>> -> memref<16x128xf32, #tpu.memory_space<hbm>>
      %dma_wait3A_1175 = arith.constant 0 : i32
      %dma_wait3A_1176 = arith.constant 0 : i32
      %dma_wait3A_1177 = tpu.memref_slice %arg6[%dma_wait3A_1168, %dma_wait3A_1175, %dma_wait3A_1176] : memref<32x16x128xf32, #tpu.memory_space<vmem>> -> memref<1x16x128xf32, #tpu.memory_space<vmem>>
      %dma_wait3A_1178 = tpu.memref_squeeze %dma_wait3A_1177 : memref<1x16x128xf32, #tpu.memory_space<vmem>> -> memref<16x128xf32, #tpu.memory_space<vmem>>
      %dma_wait3A_1179 = arith.constant 0 : i32
      %dma_wait3A_1180 = tpu.memref_slice %arg2[%dma_wait3A_1179, %multiple_of3A_674] : memref<16x1000000xf32, #tpu.memory_space<hbm>> -> memref<16x128xf32, #tpu.memory_space<hbm>>
      tpu.wait_dma2 semaphore(%arg8 : memref<!tpu.dma_semaphore, #tpu.memory_space<semaphore_mem>>) src(%dma_wait3A_1180 : memref<16x128xf32, #tpu.memory_space<hbm>>) dst(%dma_wait3A_1178 : memref<16x128xf32, #tpu.memory_space<vmem>>)
      %dma_wait3A_1181 = arith.constant 26 : i32
      %dma_wait3A_1182 = arith.constant 0 : i32
      %dma_wait3A_1183 = arith.constant 0 : i32
      %dma_wait3A_1184 = tpu.memref_slice %arg6[%dma_wait3A_1181, %dma_wait3A_1182, %dma_wait3A_1183] : memref<32x16x128xf32, #tpu.memory_space<vmem>> -> memref<1x16x128xf32, #tpu.memory_space<vmem>>
      %dma_wait3A_1185 = tpu.memref_squeeze %dma_wait3A_1184 : memref<1x16x128xf32, #tpu.memory_space<vmem>> -> memref<16x128xf32, #tpu.memory_space<vmem>>
      %dma_wait3A_1186 = arith.constant 0 : i32
      %dma_wait3A_1187 = tpu.memref_slice %arg2[%dma_wait3A_1186, %multiple_of3A_700] : memref<16x1000000xf32, #tpu.memory_space<hbm>> -> memref<16x128xf32, #tpu.memory_space<hbm>>
      %dma_wait3A_1188 = arith.constant 0 : i32
      %dma_wait3A_1189 = arith.constant 0 : i32
      %dma_wait3A_1190 = tpu.memref_slice %arg6[%dma_wait3A_1181, %dma_wait3A_1188, %dma_wait3A_1189] : memref<32x16x128xf32, #tpu.memory_space<vmem>> -> memref<1x16x128xf32, #tpu.memory_space<vmem>>
      %dma_wait3A_1191 = tpu.memref_squeeze %dma_wait3A_1190 : memref<1x16x128xf32, #tpu.memory_space<vmem>> -> memref<16x128xf32, #tpu.memory_space<vmem>>
      %dma_wait3A_1192 = arith.constant 0 : i32
      %dma_wait3A_1193 = tpu.memref_slice %arg2[%dma_wait3A_1192, %multiple_of3A_700] : memref<16x1000000xf32, #tpu.memory_space<hbm>> -> memref<16x128xf32, #tpu.memory_space<hbm>>
      tpu.wait_dma2 semaphore(%arg8 : memref<!tpu.dma_semaphore, #tpu.memory_space<semaphore_mem>>) src(%dma_wait3A_1193 : memref<16x128xf32, #tpu.memory_space<hbm>>) dst(%dma_wait3A_1191 : memref<16x128xf32, #tpu.memory_space<vmem>>)
      %dma_wait3A_1194 = arith.constant 27 : i32
      %dma_wait3A_1195 = arith.constant 0 : i32
      %dma_wait3A_1196 = arith.constant 0 : i32
      %dma_wait3A_1197 = tpu.memref_slice %arg6[%dma_wait3A_1194, %dma_wait3A_1195, %dma_wait3A_1196] : memref<32x16x128xf32, #tpu.memory_space<vmem>> -> memref<1x16x128xf32, #tpu.memory_space<vmem>>
      %dma_wait3A_1198 = tpu.memref_squeeze %dma_wait3A_1197 : memref<1x16x128xf32, #tpu.memory_space<vmem>> -> memref<16x128xf32, #tpu.memory_space<vmem>>
      %dma_wait3A_1199 = arith.constant 0 : i32
      %dma_wait3A_1200 = tpu.memref_slice %arg2[%dma_wait3A_1199, %multiple_of3A_726] : memref<16x1000000xf32, #tpu.memory_space<hbm>> -> memref<16x128xf32, #tpu.memory_space<hbm>>
      %dma_wait3A_1201 = arith.constant 0 : i32
      %dma_wait3A_1202 = arith.constant 0 : i32
      %dma_wait3A_1203 = tpu.memref_slice %arg6[%dma_wait3A_1194, %dma_wait3A_1201, %dma_wait3A_1202] : memref<32x16x128xf32, #tpu.memory_space<vmem>> -> memref<1x16x128xf32, #tpu.memory_space<vmem>>
      %dma_wait3A_1204 = tpu.memref_squeeze %dma_wait3A_1203 : memref<1x16x128xf32, #tpu.memory_space<vmem>> -> memref<16x128xf32, #tpu.memory_space<vmem>>
      %dma_wait3A_1205 = arith.constant 0 : i32
      %dma_wait3A_1206 = tpu.memref_slice %arg2[%dma_wait3A_1205, %multiple_of3A_726] : memref<16x1000000xf32, #tpu.memory_space<hbm>> -> memref<16x128xf32, #tpu.memory_space<hbm>>
      tpu.wait_dma2 semaphore(%arg8 : memref<!tpu.dma_semaphore, #tpu.memory_space<semaphore_mem>>) src(%dma_wait3A_1206 : memref<16x128xf32, #tpu.memory_space<hbm>>) dst(%dma_wait3A_1204 : memref<16x128xf32, #tpu.memory_space<vmem>>)
      %dma_wait3A_1207 = arith.constant 28 : i32
      %dma_wait3A_1208 = arith.constant 0 : i32
      %dma_wait3A_1209 = arith.constant 0 : i32
      %dma_wait3A_1210 = tpu.memref_slice %arg6[%dma_wait3A_1207, %dma_wait3A_1208, %dma_wait3A_1209] : memref<32x16x128xf32, #tpu.memory_space<vmem>> -> memref<1x16x128xf32, #tpu.memory_space<vmem>>
      %dma_wait3A_1211 = tpu.memref_squeeze %dma_wait3A_1210 : memref<1x16x128xf32, #tpu.memory_space<vmem>> -> memref<16x128xf32, #tpu.memory_space<vmem>>
      %dma_wait3A_1212 = arith.constant 0 : i32
      %dma_wait3A_1213 = tpu.memref_slice %arg2[%dma_wait3A_1212, %multiple_of3A_752] : memref<16x1000000xf32, #tpu.memory_space<hbm>> -> memref<16x128xf32, #tpu.memory_space<hbm>>
      %dma_wait3A_1214 = arith.constant 0 : i32
      %dma_wait3A_1215 = arith.constant 0 : i32
      %dma_wait3A_1216 = tpu.memref_slice %arg6[%dma_wait3A_1207, %dma_wait3A_1214, %dma_wait3A_1215] : memref<32x16x128xf32, #tpu.memory_space<vmem>> -> memref<1x16x128xf32, #tpu.memory_space<vmem>>
      %dma_wait3A_1217 = tpu.memref_squeeze %dma_wait3A_1216 : memref<1x16x128xf32, #tpu.memory_space<vmem>> -> memref<16x128xf32, #tpu.memory_space<vmem>>
      %dma_wait3A_1218 = arith.constant 0 : i32
      %dma_wait3A_1219 = tpu.memref_slice %arg2[%dma_wait3A_1218, %multiple_of3A_752] : memref<16x1000000xf32, #tpu.memory_space<hbm>> -> memref<16x128xf32, #tpu.memory_space<hbm>>
      tpu.wait_dma2 semaphore(%arg8 : memref<!tpu.dma_semaphore, #tpu.memory_space<semaphore_mem>>) src(%dma_wait3A_1219 : memref<16x128xf32, #tpu.memory_space<hbm>>) dst(%dma_wait3A_1217 : memref<16x128xf32, #tpu.memory_space<vmem>>)
      %dma_wait3A_1220 = arith.constant 29 : i32
      %dma_wait3A_1221 = arith.constant 0 : i32
      %dma_wait3A_1222 = arith.constant 0 : i32
      %dma_wait3A_1223 = tpu.memref_slice %arg6[%dma_wait3A_1220, %dma_wait3A_1221, %dma_wait3A_1222] : memref<32x16x128xf32, #tpu.memory_space<vmem>> -> memref<1x16x128xf32, #tpu.memory_space<vmem>>
      %dma_wait3A_1224 = tpu.memref_squeeze %dma_wait3A_1223 : memref<1x16x128xf32, #tpu.memory_space<vmem>> -> memref<16x128xf32, #tpu.memory_space<vmem>>
      %dma_wait3A_1225 = arith.constant 0 : i32
      %dma_wait3A_1226 = tpu.memref_slice %arg2[%dma_wait3A_1225, %multiple_of3A_778] : memref<16x1000000xf32, #tpu.memory_space<hbm>> -> memref<16x128xf32, #tpu.memory_space<hbm>>
      %dma_wait3A_1227 = arith.constant 0 : i32
      %dma_wait3A_1228 = arith.constant 0 : i32
      %dma_wait3A_1229 = tpu.memref_slice %arg6[%dma_wait3A_1220, %dma_wait3A_1227, %dma_wait3A_1228] : memref<32x16x128xf32, #tpu.memory_space<vmem>> -> memref<1x16x128xf32, #tpu.memory_space<vmem>>
      %dma_wait3A_1230 = tpu.memref_squeeze %dma_wait3A_1229 : memref<1x16x128xf32, #tpu.memory_space<vmem>> -> memref<16x128xf32, #tpu.memory_space<vmem>>
      %dma_wait3A_1231 = arith.constant 0 : i32
      %dma_wait3A_1232 = tpu.memref_slice %arg2[%dma_wait3A_1231, %multiple_of3A_778] : memref<16x1000000xf32, #tpu.memory_space<hbm>> -> memref<16x128xf32, #tpu.memory_space<hbm>>
      tpu.wait_dma2 semaphore(%arg8 : memref<!tpu.dma_semaphore, #tpu.memory_space<semaphore_mem>>) src(%dma_wait3A_1232 : memref<16x128xf32, #tpu.memory_space<hbm>>) dst(%dma_wait3A_1230 : memref<16x128xf32, #tpu.memory_space<vmem>>)
      %dma_wait3A_1233 = arith.constant 30 : i32
      %dma_wait3A_1234 = arith.constant 0 : i32
      %dma_wait3A_1235 = arith.constant 0 : i32
      %dma_wait3A_1236 = tpu.memref_slice %arg6[%dma_wait3A_1233, %dma_wait3A_1234, %dma_wait3A_1235] : memref<32x16x128xf32, #tpu.memory_space<vmem>> -> memref<1x16x128xf32, #tpu.memory_space<vmem>>
      %dma_wait3A_1237 = tpu.memref_squeeze %dma_wait3A_1236 : memref<1x16x128xf32, #tpu.memory_space<vmem>> -> memref<16x128xf32, #tpu.memory_space<vmem>>
      %dma_wait3A_1238 = arith.constant 0 : i32
      %dma_wait3A_1239 = tpu.memref_slice %arg2[%dma_wait3A_1238, %multiple_of3A_804] : memref<16x1000000xf32, #tpu.memory_space<hbm>> -> memref<16x128xf32, #tpu.memory_space<hbm>>
      %dma_wait3A_1240 = arith.constant 0 : i32
      %dma_wait3A_1241 = arith.constant 0 : i32
      %dma_wait3A_1242 = tpu.memref_slice %arg6[%dma_wait3A_1233, %dma_wait3A_1240, %dma_wait3A_1241] : memref<32x16x128xf32, #tpu.memory_space<vmem>> -> memref<1x16x128xf32, #tpu.memory_space<vmem>>
      %dma_wait3A_1243 = tpu.memref_squeeze %dma_wait3A_1242 : memref<1x16x128xf32, #tpu.memory_space<vmem>> -> memref<16x128xf32, #tpu.memory_space<vmem>>
      %dma_wait3A_1244 = arith.constant 0 : i32
      %dma_wait3A_1245 = tpu.memref_slice %arg2[%dma_wait3A_1244, %multiple_of3A_804] : memref<16x1000000xf32, #tpu.memory_space<hbm>> -> memref<16x128xf32, #tpu.memory_space<hbm>>
      tpu.wait_dma2 semaphore(%arg8 : memref<!tpu.dma_semaphore, #tpu.memory_space<semaphore_mem>>) src(%dma_wait3A_1245 : memref<16x128xf32, #tpu.memory_space<hbm>>) dst(%dma_wait3A_1243 : memref<16x128xf32, #tpu.memory_space<vmem>>)
      %dma_wait3A_1246 = arith.constant 31 : i32
      %dma_wait3A_1247 = arith.constant 0 : i32
      %dma_wait3A_1248 = arith.constant 0 : i32
      %dma_wait3A_1249 = tpu.memref_slice %arg6[%dma_wait3A_1246, %dma_wait3A_1247, %dma_wait3A_1248] : memref<32x16x128xf32, #tpu.memory_space<vmem>> -> memref<1x16x128xf32, #tpu.memory_space<vmem>>
      %dma_wait3A_1250 = tpu.memref_squeeze %dma_wait3A_1249 : memref<1x16x128xf32, #tpu.memory_space<vmem>> -> memref<16x128xf32, #tpu.memory_space<vmem>>
      %dma_wait3A_1251 = arith.constant 0 : i32
      %dma_wait3A_1252 = tpu.memref_slice %arg2[%dma_wait3A_1251, %multiple_of3A_830] : memref<16x1000000xf32, #tpu.memory_space<hbm>> -> memref<16x128xf32, #tpu.memory_space<hbm>>
      %dma_wait3A_1253 = arith.constant 0 : i32
      %dma_wait3A_1254 = arith.constant 0 : i32
      %dma_wait3A_1255 = tpu.memref_slice %arg6[%dma_wait3A_1246, %dma_wait3A_1253, %dma_wait3A_1254] : memref<32x16x128xf32, #tpu.memory_space<vmem>> -> memref<1x16x128xf32, #tpu.memory_space<vmem>>
      %dma_wait3A_1256 = tpu.memref_squeeze %dma_wait3A_1255 : memref<1x16x128xf32, #tpu.memory_space<vmem>> -> memref<16x128xf32, #tpu.memory_space<vmem>>
      %dma_wait3A_1257 = arith.constant 0 : i32
      %dma_wait3A_1258 = tpu.memref_slice %arg2[%dma_wait3A_1257, %multiple_of3A_830] : memref<16x1000000xf32, #tpu.memory_space<hbm>> -> memref<16x128xf32, #tpu.memory_space<hbm>>
      tpu.wait_dma2 semaphore(%arg8 : memref<!tpu.dma_semaphore, #tpu.memory_space<semaphore_mem>>) src(%dma_wait3A_1258 : memref<16x128xf32, #tpu.memory_space<hbm>>) dst(%dma_wait3A_1256 : memref<16x128xf32, #tpu.memory_space<vmem>>)
      %and3A_1259 = arith.constant 127 : i32
      %and3A_1260 = arith.andi %reduce_sum3A_24, %and3A_1259 : i32
      %broadcast_in_dim3A_1261 = arith.constant 0 : i32
      %broadcast_in_dim3A_1262 = vector.broadcast %broadcast_in_dim3A_1261 : i32 to vector<16xi32>
      %broadcast_in_dim3A_1263 = vector.broadcast %and3A_1260 : i32 to vector<16xi32>
      %gather3A = tpu.vector_load_idx %arg6[%broadcast_in_dim3A_1262, %iota3A, %broadcast_in_dim3A_1263] : memref<32x16x128xf32, #tpu.memory_space<vmem>>[vector<16xi32>, vector<16xi32>, vector<16xi32>], vector<16xf32>,
      %mul3A_1264 = arith.constant 32 : i32
      %mul3A_1265 = arith.muli %scan3A_8, %mul3A_1264 : i32
      %add3A_1266 = arith.constant 0 : i32
      %add3A_1267 = arith.addi %mul3A_1265, %add3A_1266 : i32
      %broadcast_in_dim3A_1268 = vector.broadcast %add3A_1267 : i32 to vector<16xi32>
      tpu.vector_store_idx %arg7[%iota3A, %broadcast_in_dim3A_1268], %gather3A : memref<16x512xf32, #tpu.memory_space<vmem>>[vector<16xi32>, vector<16xi32>], vector<16xf32>,
      %and3A_1269 = arith.constant 127 : i32
      %and3A_1270 = arith.andi %reduce_sum3A_47, %and3A_1269 : i32
      %broadcast_in_dim3A_1271 = arith.constant 1 : i32
      %broadcast_in_dim3A_1272 = vector.broadcast %broadcast_in_dim3A_1271 : i32 to vector<16xi32>
      %broadcast_in_dim3A_1273 = vector.broadcast %and3A_1270 : i32 to vector<16xi32>
      %gather3A_1274 = tpu.vector_load_idx %arg6[%broadcast_in_dim3A_1272, %iota3A, %broadcast_in_dim3A_1273] : memref<32x16x128xf32, #tpu.memory_space<vmem>>[vector<16xi32>, vector<16xi32>, vector<16xi32>], vector<16xf32>,
      %mul3A_1275 = arith.constant 32 : i32
      %mul3A_1276 = arith.muli %scan3A_8, %mul3A_1275 : i32
      %add3A_1277 = arith.constant 1 : i32
      %add3A_1278 = arith.addi %mul3A_1276, %add3A_1277 : i32
      %broadcast_in_dim3A_1279 = vector.broadcast %add3A_1278 : i32 to vector<16xi32>
      tpu.vector_store_idx %arg7[%iota3A, %broadcast_in_dim3A_1279], %gather3A_1274 : memref<16x512xf32, #tpu.memory_space<vmem>>[vector<16xi32>, vector<16xi32>], vector<16xf32>,
      %and3A_1280 = arith.constant 127 : i32
      %and3A_1281 = arith.andi %reduce_sum3A_73, %and3A_1280 : i32
      %broadcast_in_dim3A_1282 = arith.constant 2 : i32
      %broadcast_in_dim3A_1283 = vector.broadcast %broadcast_in_dim3A_1282 : i32 to vector<16xi32>
      %broadcast_in_dim3A_1284 = vector.broadcast %and3A_1281 : i32 to vector<16xi32>
      %gather3A_1285 = tpu.vector_load_idx %arg6[%broadcast_in_dim3A_1283, %iota3A, %broadcast_in_dim3A_1284] : memref<32x16x128xf32, #tpu.memory_space<vmem>>[vector<16xi32>, vector<16xi32>, vector<16xi32>], vector<16xf32>,
      %mul3A_1286 = arith.constant 32 : i32
      %mul3A_1287 = arith.muli %scan3A_8, %mul3A_1286 : i32
      %add3A_1288 = arith.constant 2 : i32
      %add3A_1289 = arith.addi %mul3A_1287, %add3A_1288 : i32
      %broadcast_in_dim3A_1290 = vector.broadcast %add3A_1289 : i32 to vector<16xi32>
      tpu.vector_store_idx %arg7[%iota3A, %broadcast_in_dim3A_1290], %gather3A_1285 : memref<16x512xf32, #tpu.memory_space<vmem>>[vector<16xi32>, vector<16xi32>], vector<16xf32>,
      %and3A_1291 = arith.constant 127 : i32
      %and3A_1292 = arith.andi %reduce_sum3A_99, %and3A_1291 : i32
      %broadcast_in_dim3A_1293 = arith.constant 3 : i32
      %broadcast_in_dim3A_1294 = vector.broadcast %broadcast_in_dim3A_1293 : i32 to vector<16xi32>
      %broadcast_in_dim3A_1295 = vector.broadcast %and3A_1292 : i32 to vector<16xi32>
      %gather3A_1296 = tpu.vector_load_idx %arg6[%broadcast_in_dim3A_1294, %iota3A, %broadcast_in_dim3A_1295] : memref<32x16x128xf32, #tpu.memory_space<vmem>>[vector<16xi32>, vector<16xi32>, vector<16xi32>], vector<16xf32>,
      %mul3A_1297 = arith.constant 32 : i32
      %mul3A_1298 = arith.muli %scan3A_8, %mul3A_1297 : i32
      %add3A_1299 = arith.constant 3 : i32
      %add3A_1300 = arith.addi %mul3A_1298, %add3A_1299 : i32
      %broadcast_in_dim3A_1301 = vector.broadcast %add3A_1300 : i32 to vector<16xi32>
      tpu.vector_store_idx %arg7[%iota3A, %broadcast_in_dim3A_1301], %gather3A_1296 : memref<16x512xf32, #tpu.memory_space<vmem>>[vector<16xi32>, vector<16xi32>], vector<16xf32>,
      %and3A_1302 = arith.constant 127 : i32
      %and3A_1303 = arith.andi %reduce_sum3A_125, %and3A_1302 : i32
      %broadcast_in_dim3A_1304 = arith.constant 4 : i32
      %broadcast_in_dim3A_1305 = vector.broadcast %broadcast_in_dim3A_1304 : i32 to vector<16xi32>
      %broadcast_in_dim3A_1306 = vector.broadcast %and3A_1303 : i32 to vector<16xi32>
      %gather3A_1307 = tpu.vector_load_idx %arg6[%broadcast_in_dim3A_1305, %iota3A, %broadcast_in_dim3A_1306] : memref<32x16x128xf32, #tpu.memory_space<vmem>>[vector<16xi32>, vector<16xi32>, vector<16xi32>], vector<16xf32>,
      %mul3A_1308 = arith.constant 32 : i32
      %mul3A_1309 = arith.muli %scan3A_8, %mul3A_1308 : i32
      %add3A_1310 = arith.constant 4 : i32
      %add3A_1311 = arith.addi %mul3A_1309, %add3A_1310 : i32
      %broadcast_in_dim3A_1312 = vector.broadcast %add3A_1311 : i32 to vector<16xi32>
      tpu.vector_store_idx %arg7[%iota3A, %broadcast_in_dim3A_1312], %gather3A_1307 : memref<16x512xf32, #tpu.memory_space<vmem>>[vector<16xi32>, vector<16xi32>], vector<16xf32>,
      %and3A_1313 = arith.constant 127 : i32
      %and3A_1314 = arith.andi %reduce_sum3A_151, %and3A_1313 : i32
      %broadcast_in_dim3A_1315 = arith.constant 5 : i32
      %broadcast_in_dim3A_1316 = vector.broadcast %broadcast_in_dim3A_1315 : i32 to vector<16xi32>
      %broadcast_in_dim3A_1317 = vector.broadcast %and3A_1314 : i32 to vector<16xi32>
      %gather3A_1318 = tpu.vector_load_idx %arg6[%broadcast_in_dim3A_1316, %iota3A, %broadcast_in_dim3A_1317] : memref<32x16x128xf32, #tpu.memory_space<vmem>>[vector<16xi32>, vector<16xi32>, vector<16xi32>], vector<16xf32>,
      %mul3A_1319 = arith.constant 32 : i32
      %mul3A_1320 = arith.muli %scan3A_8, %mul3A_1319 : i32
      %add3A_1321 = arith.constant 5 : i32
      %add3A_1322 = arith.addi %mul3A_1320, %add3A_1321 : i32
      %broadcast_in_dim3A_1323 = vector.broadcast %add3A_1322 : i32 to vector<16xi32>
      tpu.vector_store_idx %arg7[%iota3A, %broadcast_in_dim3A_1323], %gather3A_1318 : memref<16x512xf32, #tpu.memory_space<vmem>>[vector<16xi32>, vector<16xi32>], vector<16xf32>,
      %and3A_1324 = arith.constant 127 : i32
      %and3A_1325 = arith.andi %reduce_sum3A_177, %and3A_1324 : i32
      %broadcast_in_dim3A_1326 = arith.constant 6 : i32
      %broadcast_in_dim3A_1327 = vector.broadcast %broadcast_in_dim3A_1326 : i32 to vector<16xi32>
      %broadcast_in_dim3A_1328 = vector.broadcast %and3A_1325 : i32 to vector<16xi32>
      %gather3A_1329 = tpu.vector_load_idx %arg6[%broadcast_in_dim3A_1327, %iota3A, %broadcast_in_dim3A_1328] : memref<32x16x128xf32, #tpu.memory_space<vmem>>[vector<16xi32>, vector<16xi32>, vector<16xi32>], vector<16xf32>,
      %mul3A_1330 = arith.constant 32 : i32
      %mul3A_1331 = arith.muli %scan3A_8, %mul3A_1330 : i32
      %add3A_1332 = arith.constant 6 : i32
      %add3A_1333 = arith.addi %mul3A_1331, %add3A_1332 : i32
      %broadcast_in_dim3A_1334 = vector.broadcast %add3A_1333 : i32 to vector<16xi32>
      tpu.vector_store_idx %arg7[%iota3A, %broadcast_in_dim3A_1334], %gather3A_1329 : memref<16x512xf32, #tpu.memory_space<vmem>>[vector<16xi32>, vector<16xi32>], vector<16xf32>,
      %and3A_1335 = arith.constant 127 : i32
      %and3A_1336 = arith.andi %reduce_sum3A_203, %and3A_1335 : i32
      %broadcast_in_dim3A_1337 = arith.constant 7 : i32
      %broadcast_in_dim3A_1338 = vector.broadcast %broadcast_in_dim3A_1337 : i32 to vector<16xi32>
      %broadcast_in_dim3A_1339 = vector.broadcast %and3A_1336 : i32 to vector<16xi32>
      %gather3A_1340 = tpu.vector_load_idx %arg6[%broadcast_in_dim3A_1338, %iota3A, %broadcast_in_dim3A_1339] : memref<32x16x128xf32, #tpu.memory_space<vmem>>[vector<16xi32>, vector<16xi32>, vector<16xi32>], vector<16xf32>,
      %mul3A_1341 = arith.constant 32 : i32
      %mul3A_1342 = arith.muli %scan3A_8, %mul3A_1341 : i32
      %add3A_1343 = arith.constant 7 : i32
      %add3A_1344 = arith.addi %mul3A_1342, %add3A_1343 : i32
      %broadcast_in_dim3A_1345 = vector.broadcast %add3A_1344 : i32 to vector<16xi32>
      tpu.vector_store_idx %arg7[%iota3A, %broadcast_in_dim3A_1345], %gather3A_1340 : memref<16x512xf32, #tpu.memory_space<vmem>>[vector<16xi32>, vector<16xi32>], vector<16xf32>,
      %and3A_1346 = arith.constant 127 : i32
      %and3A_1347 = arith.andi %reduce_sum3A_229, %and3A_1346 : i32
      %broadcast_in_dim3A_1348 = arith.constant 8 : i32
      %broadcast_in_dim3A_1349 = vector.broadcast %broadcast_in_dim3A_1348 : i32 to vector<16xi32>
      %broadcast_in_dim3A_1350 = vector.broadcast %and3A_1347 : i32 to vector<16xi32>
      %gather3A_1351 = tpu.vector_load_idx %arg6[%broadcast_in_dim3A_1349, %iota3A, %broadcast_in_dim3A_1350] : memref<32x16x128xf32, #tpu.memory_space<vmem>>[vector<16xi32>, vector<16xi32>, vector<16xi32>], vector<16xf32>,
      %mul3A_1352 = arith.constant 32 : i32
      %mul3A_1353 = arith.muli %scan3A_8, %mul3A_1352 : i32
      %add3A_1354 = arith.constant 8 : i32
      %add3A_1355 = arith.addi %mul3A_1353, %add3A_1354 : i32
      %broadcast_in_dim3A_1356 = vector.broadcast %add3A_1355 : i32 to vector<16xi32>
      tpu.vector_store_idx %arg7[%iota3A, %broadcast_in_dim3A_1356], %gather3A_1351 : memref<16x512xf32, #tpu.memory_space<vmem>>[vector<16xi32>, vector<16xi32>], vector<16xf32>,
      %and3A_1357 = arith.constant 127 : i32
      %and3A_1358 = arith.andi %reduce_sum3A_255, %and3A_1357 : i32
      %broadcast_in_dim3A_1359 = arith.constant 9 : i32
      %broadcast_in_dim3A_1360 = vector.broadcast %broadcast_in_dim3A_1359 : i32 to vector<16xi32>
      %broadcast_in_dim3A_1361 = vector.broadcast %and3A_1358 : i32 to vector<16xi32>
      %gather3A_1362 = tpu.vector_load_idx %arg6[%broadcast_in_dim3A_1360, %iota3A, %broadcast_in_dim3A_1361] : memref<32x16x128xf32, #tpu.memory_space<vmem>>[vector<16xi32>, vector<16xi32>, vector<16xi32>], vector<16xf32>,
      %mul3A_1363 = arith.constant 32 : i32
      %mul3A_1364 = arith.muli %scan3A_8, %mul3A_1363 : i32
      %add3A_1365 = arith.constant 9 : i32
      %add3A_1366 = arith.addi %mul3A_1364, %add3A_1365 : i32
      %broadcast_in_dim3A_1367 = vector.broadcast %add3A_1366 : i32 to vector<16xi32>
      tpu.vector_store_idx %arg7[%iota3A, %broadcast_in_dim3A_1367], %gather3A_1362 : memref<16x512xf32, #tpu.memory_space<vmem>>[vector<16xi32>, vector<16xi32>], vector<16xf32>,
      %and3A_1368 = arith.constant 127 : i32
      %and3A_1369 = arith.andi %reduce_sum3A_281, %and3A_1368 : i32
      %broadcast_in_dim3A_1370 = arith.constant 10 : i32
      %broadcast_in_dim3A_1371 = vector.broadcast %broadcast_in_dim3A_1370 : i32 to vector<16xi32>
      %broadcast_in_dim3A_1372 = vector.broadcast %and3A_1369 : i32 to vector<16xi32>
      %gather3A_1373 = tpu.vector_load_idx %arg6[%broadcast_in_dim3A_1371, %iota3A, %broadcast_in_dim3A_1372] : memref<32x16x128xf32, #tpu.memory_space<vmem>>[vector<16xi32>, vector<16xi32>, vector<16xi32>], vector<16xf32>,
      %mul3A_1374 = arith.constant 32 : i32
      %mul3A_1375 = arith.muli %scan3A_8, %mul3A_1374 : i32
      %add3A_1376 = arith.constant 10 : i32
      %add3A_1377 = arith.addi %mul3A_1375, %add3A_1376 : i32
      %broadcast_in_dim3A_1378 = vector.broadcast %add3A_1377 : i32 to vector<16xi32>
      tpu.vector_store_idx %arg7[%iota3A, %broadcast_in_dim3A_1378], %gather3A_1373 : memref<16x512xf32, #tpu.memory_space<vmem>>[vector<16xi32>, vector<16xi32>], vector<16xf32>,
      %and3A_1379 = arith.constant 127 : i32
      %and3A_1380 = arith.andi %reduce_sum3A_307, %and3A_1379 : i32
      %broadcast_in_dim3A_1381 = arith.constant 11 : i32
      %broadcast_in_dim3A_1382 = vector.broadcast %broadcast_in_dim3A_1381 : i32 to vector<16xi32>
      %broadcast_in_dim3A_1383 = vector.broadcast %and3A_1380 : i32 to vector<16xi32>
      %gather3A_1384 = tpu.vector_load_idx %arg6[%broadcast_in_dim3A_1382, %iota3A, %broadcast_in_dim3A_1383] : memref<32x16x128xf32, #tpu.memory_space<vmem>>[vector<16xi32>, vector<16xi32>, vector<16xi32>], vector<16xf32>,
      %mul3A_1385 = arith.constant 32 : i32
      %mul3A_1386 = arith.muli %scan3A_8, %mul3A_1385 : i32
      %add3A_1387 = arith.constant 11 : i32
      %add3A_1388 = arith.addi %mul3A_1386, %add3A_1387 : i32
      %broadcast_in_dim3A_1389 = vector.broadcast %add3A_1388 : i32 to vector<16xi32>
      tpu.vector_store_idx %arg7[%iota3A, %broadcast_in_dim3A_1389], %gather3A_1384 : memref<16x512xf32, #tpu.memory_space<vmem>>[vector<16xi32>, vector<16xi32>], vector<16xf32>,
      %and3A_1390 = arith.constant 127 : i32
      %and3A_1391 = arith.andi %reduce_sum3A_333, %and3A_1390 : i32
      %broadcast_in_dim3A_1392 = arith.constant 12 : i32
      %broadcast_in_dim3A_1393 = vector.broadcast %broadcast_in_dim3A_1392 : i32 to vector<16xi32>
      %broadcast_in_dim3A_1394 = vector.broadcast %and3A_1391 : i32 to vector<16xi32>
      %gather3A_1395 = tpu.vector_load_idx %arg6[%broadcast_in_dim3A_1393, %iota3A, %broadcast_in_dim3A_1394] : memref<32x16x128xf32, #tpu.memory_space<vmem>>[vector<16xi32>, vector<16xi32>, vector<16xi32>], vector<16xf32>,
      %mul3A_1396 = arith.constant 32 : i32
      %mul3A_1397 = arith.muli %scan3A_8, %mul3A_1396 : i32
      %add3A_1398 = arith.constant 12 : i32
      %add3A_1399 = arith.addi %mul3A_1397, %add3A_1398 : i32
      %broadcast_in_dim3A_1400 = vector.broadcast %add3A_1399 : i32 to vector<16xi32>
      tpu.vector_store_idx %arg7[%iota3A, %broadcast_in_dim3A_1400], %gather3A_1395 : memref<16x512xf32, #tpu.memory_space<vmem>>[vector<16xi32>, vector<16xi32>], vector<16xf32>,
      %and3A_1401 = arith.constant 127 : i32
      %and3A_1402 = arith.andi %reduce_sum3A_359, %and3A_1401 : i32
      %broadcast_in_dim3A_1403 = arith.constant 13 : i32
      %broadcast_in_dim3A_1404 = vector.broadcast %broadcast_in_dim3A_1403 : i32 to vector<16xi32>
      %broadcast_in_dim3A_1405 = vector.broadcast %and3A_1402 : i32 to vector<16xi32>
      %gather3A_1406 = tpu.vector_load_idx %arg6[%broadcast_in_dim3A_1404, %iota3A, %broadcast_in_dim3A_1405] : memref<32x16x128xf32, #tpu.memory_space<vmem>>[vector<16xi32>, vector<16xi32>, vector<16xi32>], vector<16xf32>,
      %mul3A_1407 = arith.constant 32 : i32
      %mul3A_1408 = arith.muli %scan3A_8, %mul3A_1407 : i32
      %add3A_1409 = arith.constant 13 : i32
      %add3A_1410 = arith.addi %mul3A_1408, %add3A_1409 : i32
      %broadcast_in_dim3A_1411 = vector.broadcast %add3A_1410 : i32 to vector<16xi32>
      tpu.vector_store_idx %arg7[%iota3A, %broadcast_in_dim3A_1411], %gather3A_1406 : memref<16x512xf32, #tpu.memory_space<vmem>>[vector<16xi32>, vector<16xi32>], vector<16xf32>,
      %and3A_1412 = arith.constant 127 : i32
      %and3A_1413 = arith.andi %reduce_sum3A_385, %and3A_1412 : i32
      %broadcast_in_dim3A_1414 = arith.constant 14 : i32
      %broadcast_in_dim3A_1415 = vector.broadcast %broadcast_in_dim3A_1414 : i32 to vector<16xi32>
      %broadcast_in_dim3A_1416 = vector.broadcast %and3A_1413 : i32 to vector<16xi32>
      %gather3A_1417 = tpu.vector_load_idx %arg6[%broadcast_in_dim3A_1415, %iota3A, %broadcast_in_dim3A_1416] : memref<32x16x128xf32, #tpu.memory_space<vmem>>[vector<16xi32>, vector<16xi32>, vector<16xi32>], vector<16xf32>,
      %mul3A_1418 = arith.constant 32 : i32
      %mul3A_1419 = arith.muli %scan3A_8, %mul3A_1418 : i32
      %add3A_1420 = arith.constant 14 : i32
      %add3A_1421 = arith.addi %mul3A_1419, %add3A_1420 : i32
      %broadcast_in_dim3A_1422 = vector.broadcast %add3A_1421 : i32 to vector<16xi32>
      tpu.vector_store_idx %arg7[%iota3A, %broadcast_in_dim3A_1422], %gather3A_1417 : memref<16x512xf32, #tpu.memory_space<vmem>>[vector<16xi32>, vector<16xi32>], vector<16xf32>,
      %and3A_1423 = arith.constant 127 : i32
      %and3A_1424 = arith.andi %reduce_sum3A_411, %and3A_1423 : i32
      %broadcast_in_dim3A_1425 = arith.constant 15 : i32
      %broadcast_in_dim3A_1426 = vector.broadcast %broadcast_in_dim3A_1425 : i32 to vector<16xi32>
      %broadcast_in_dim3A_1427 = vector.broadcast %and3A_1424 : i32 to vector<16xi32>
      %gather3A_1428 = tpu.vector_load_idx %arg6[%broadcast_in_dim3A_1426, %iota3A, %broadcast_in_dim3A_1427] : memref<32x16x128xf32, #tpu.memory_space<vmem>>[vector<16xi32>, vector<16xi32>, vector<16xi32>], vector<16xf32>,
      %mul3A_1429 = arith.constant 32 : i32
      %mul3A_1430 = arith.muli %scan3A_8, %mul3A_1429 : i32
      %add3A_1431 = arith.constant 15 : i32
      %add3A_1432 = arith.addi %mul3A_1430, %add3A_1431 : i32
      %broadcast_in_dim3A_1433 = vector.broadcast %add3A_1432 : i32 to vector<16xi32>
      tpu.vector_store_idx %arg7[%iota3A, %broadcast_in_dim3A_1433], %gather3A_1428 : memref<16x512xf32, #tpu.memory_space<vmem>>[vector<16xi32>, vector<16xi32>], vector<16xf32>,
      %and3A_1434 = arith.constant 127 : i32
      %and3A_1435 = arith.andi %reduce_sum3A_437, %and3A_1434 : i32
      %broadcast_in_dim3A_1436 = arith.constant 16 : i32
      %broadcast_in_dim3A_1437 = vector.broadcast %broadcast_in_dim3A_1436 : i32 to vector<16xi32>
      %broadcast_in_dim3A_1438 = vector.broadcast %and3A_1435 : i32 to vector<16xi32>
      %gather3A_1439 = tpu.vector_load_idx %arg6[%broadcast_in_dim3A_1437, %iota3A, %broadcast_in_dim3A_1438] : memref<32x16x128xf32, #tpu.memory_space<vmem>>[vector<16xi32>, vector<16xi32>, vector<16xi32>], vector<16xf32>,
      %mul3A_1440 = arith.constant 32 : i32
      %mul3A_1441 = arith.muli %scan3A_8, %mul3A_1440 : i32
      %add3A_1442 = arith.constant 16 : i32
      %add3A_1443 = arith.addi %mul3A_1441, %add3A_1442 : i32
      %broadcast_in_dim3A_1444 = vector.broadcast %add3A_1443 : i32 to vector<16xi32>
      tpu.vector_store_idx %arg7[%iota3A, %broadcast_in_dim3A_1444], %gather3A_1439 : memref<16x512xf32, #tpu.memory_space<vmem>>[vector<16xi32>, vector<16xi32>], vector<16xf32>,
      %and3A_1445 = arith.constant 127 : i32
      %and3A_1446 = arith.andi %reduce_sum3A_463, %and3A_1445 : i32
      %broadcast_in_dim3A_1447 = arith.constant 17 : i32
      %broadcast_in_dim3A_1448 = vector.broadcast %broadcast_in_dim3A_1447 : i32 to vector<16xi32>
      %broadcast_in_dim3A_1449 = vector.broadcast %and3A_1446 : i32 to vector<16xi32>
      %gather3A_1450 = tpu.vector_load_idx %arg6[%broadcast_in_dim3A_1448, %iota3A, %broadcast_in_dim3A_1449] : memref<32x16x128xf32, #tpu.memory_space<vmem>>[vector<16xi32>, vector<16xi32>, vector<16xi32>], vector<16xf32>,
      %mul3A_1451 = arith.constant 32 : i32
      %mul3A_1452 = arith.muli %scan3A_8, %mul3A_1451 : i32
      %add3A_1453 = arith.constant 17 : i32
      %add3A_1454 = arith.addi %mul3A_1452, %add3A_1453 : i32
      %broadcast_in_dim3A_1455 = vector.broadcast %add3A_1454 : i32 to vector<16xi32>
      tpu.vector_store_idx %arg7[%iota3A, %broadcast_in_dim3A_1455], %gather3A_1450 : memref<16x512xf32, #tpu.memory_space<vmem>>[vector<16xi32>, vector<16xi32>], vector<16xf32>,
      %and3A_1456 = arith.constant 127 : i32
      %and3A_1457 = arith.andi %reduce_sum3A_489, %and3A_1456 : i32
      %broadcast_in_dim3A_1458 = arith.constant 18 : i32
      %broadcast_in_dim3A_1459 = vector.broadcast %broadcast_in_dim3A_1458 : i32 to vector<16xi32>
      %broadcast_in_dim3A_1460 = vector.broadcast %and3A_1457 : i32 to vector<16xi32>
      %gather3A_1461 = tpu.vector_load_idx %arg6[%broadcast_in_dim3A_1459, %iota3A, %broadcast_in_dim3A_1460] : memref<32x16x128xf32, #tpu.memory_space<vmem>>[vector<16xi32>, vector<16xi32>, vector<16xi32>], vector<16xf32>,
      %mul3A_1462 = arith.constant 32 : i32
      %mul3A_1463 = arith.muli %scan3A_8, %mul3A_1462 : i32
      %add3A_1464 = arith.constant 18 : i32
      %add3A_1465 = arith.addi %mul3A_1463, %add3A_1464 : i32
      %broadcast_in_dim3A_1466 = vector.broadcast %add3A_1465 : i32 to vector<16xi32>
      tpu.vector_store_idx %arg7[%iota3A, %broadcast_in_dim3A_1466], %gather3A_1461 : memref<16x512xf32, #tpu.memory_space<vmem>>[vector<16xi32>, vector<16xi32>], vector<16xf32>,
      %and3A_1467 = arith.constant 127 : i32
      %and3A_1468 = arith.andi %reduce_sum3A_515, %and3A_1467 : i32
      %broadcast_in_dim3A_1469 = arith.constant 19 : i32
      %broadcast_in_dim3A_1470 = vector.broadcast %broadcast_in_dim3A_1469 : i32 to vector<16xi32>
      %broadcast_in_dim3A_1471 = vector.broadcast %and3A_1468 : i32 to vector<16xi32>
      %gather3A_1472 = tpu.vector_load_idx %arg6[%broadcast_in_dim3A_1470, %iota3A, %broadcast_in_dim3A_1471] : memref<32x16x128xf32, #tpu.memory_space<vmem>>[vector<16xi32>, vector<16xi32>, vector<16xi32>], vector<16xf32>,
      %mul3A_1473 = arith.constant 32 : i32
      %mul3A_1474 = arith.muli %scan3A_8, %mul3A_1473 : i32
      %add3A_1475 = arith.constant 19 : i32
      %add3A_1476 = arith.addi %mul3A_1474, %add3A_1475 : i32
      %broadcast_in_dim3A_1477 = vector.broadcast %add3A_1476 : i32 to vector<16xi32>
      tpu.vector_store_idx %arg7[%iota3A, %broadcast_in_dim3A_1477], %gather3A_1472 : memref<16x512xf32, #tpu.memory_space<vmem>>[vector<16xi32>, vector<16xi32>], vector<16xf32>,
      %and3A_1478 = arith.constant 127 : i32
      %and3A_1479 = arith.andi %reduce_sum3A_541, %and3A_1478 : i32
      %broadcast_in_dim3A_1480 = arith.constant 20 : i32
      %broadcast_in_dim3A_1481 = vector.broadcast %broadcast_in_dim3A_1480 : i32 to vector<16xi32>
      %broadcast_in_dim3A_1482 = vector.broadcast %and3A_1479 : i32 to vector<16xi32>
      %gather3A_1483 = tpu.vector_load_idx %arg6[%broadcast_in_dim3A_1481, %iota3A, %broadcast_in_dim3A_1482] : memref<32x16x128xf32, #tpu.memory_space<vmem>>[vector<16xi32>, vector<16xi32>, vector<16xi32>], vector<16xf32>,
      %mul3A_1484 = arith.constant 32 : i32
      %mul3A_1485 = arith.muli %scan3A_8, %mul3A_1484 : i32
      %add3A_1486 = arith.constant 20 : i32
      %add3A_1487 = arith.addi %mul3A_1485, %add3A_1486 : i32
      %broadcast_in_dim3A_1488 = vector.broadcast %add3A_1487 : i32 to vector<16xi32>
      tpu.vector_store_idx %arg7[%iota3A, %broadcast_in_dim3A_1488], %gather3A_1483 : memref<16x512xf32, #tpu.memory_space<vmem>>[vector<16xi32>, vector<16xi32>], vector<16xf32>,
      %and3A_1489 = arith.constant 127 : i32
      %and3A_1490 = arith.andi %reduce_sum3A_567, %and3A_1489 : i32
      %broadcast_in_dim3A_1491 = arith.constant 21 : i32
      %broadcast_in_dim3A_1492 = vector.broadcast %broadcast_in_dim3A_1491 : i32 to vector<16xi32>
      %broadcast_in_dim3A_1493 = vector.broadcast %and3A_1490 : i32 to vector<16xi32>
      %gather3A_1494 = tpu.vector_load_idx %arg6[%broadcast_in_dim3A_1492, %iota3A, %broadcast_in_dim3A_1493] : memref<32x16x128xf32, #tpu.memory_space<vmem>>[vector<16xi32>, vector<16xi32>, vector<16xi32>], vector<16xf32>,
      %mul3A_1495 = arith.constant 32 : i32
      %mul3A_1496 = arith.muli %scan3A_8, %mul3A_1495 : i32
      %add3A_1497 = arith.constant 21 : i32
      %add3A_1498 = arith.addi %mul3A_1496, %add3A_1497 : i32
      %broadcast_in_dim3A_1499 = vector.broadcast %add3A_1498 : i32 to vector<16xi32>
      tpu.vector_store_idx %arg7[%iota3A, %broadcast_in_dim3A_1499], %gather3A_1494 : memref<16x512xf32, #tpu.memory_space<vmem>>[vector<16xi32>, vector<16xi32>], vector<16xf32>,
      %and3A_1500 = arith.constant 127 : i32
      %and3A_1501 = arith.andi %reduce_sum3A_593, %and3A_1500 : i32
      %broadcast_in_dim3A_1502 = arith.constant 22 : i32
      %broadcast_in_dim3A_1503 = vector.broadcast %broadcast_in_dim3A_1502 : i32 to vector<16xi32>
      %broadcast_in_dim3A_1504 = vector.broadcast %and3A_1501 : i32 to vector<16xi32>
      %gather3A_1505 = tpu.vector_load_idx %arg6[%broadcast_in_dim3A_1503, %iota3A, %broadcast_in_dim3A_1504] : memref<32x16x128xf32, #tpu.memory_space<vmem>>[vector<16xi32>, vector<16xi32>, vector<16xi32>], vector<16xf32>,
      %mul3A_1506 = arith.constant 32 : i32
      %mul3A_1507 = arith.muli %scan3A_8, %mul3A_1506 : i32
      %add3A_1508 = arith.constant 22 : i32
      %add3A_1509 = arith.addi %mul3A_1507, %add3A_1508 : i32
      %broadcast_in_dim3A_1510 = vector.broadcast %add3A_1509 : i32 to vector<16xi32>
      tpu.vector_store_idx %arg7[%iota3A, %broadcast_in_dim3A_1510], %gather3A_1505 : memref<16x512xf32, #tpu.memory_space<vmem>>[vector<16xi32>, vector<16xi32>], vector<16xf32>,
      %and3A_1511 = arith.constant 127 : i32
      %and3A_1512 = arith.andi %reduce_sum3A_619, %and3A_1511 : i32
      %broadcast_in_dim3A_1513 = arith.constant 23 : i32
      %broadcast_in_dim3A_1514 = vector.broadcast %broadcast_in_dim3A_1513 : i32 to vector<16xi32>
      %broadcast_in_dim3A_1515 = vector.broadcast %and3A_1512 : i32 to vector<16xi32>
      %gather3A_1516 = tpu.vector_load_idx %arg6[%broadcast_in_dim3A_1514, %iota3A, %broadcast_in_dim3A_1515] : memref<32x16x128xf32, #tpu.memory_space<vmem>>[vector<16xi32>, vector<16xi32>, vector<16xi32>], vector<16xf32>,
      %mul3A_1517 = arith.constant 32 : i32
      %mul3A_1518 = arith.muli %scan3A_8, %mul3A_1517 : i32
      %add3A_1519 = arith.constant 23 : i32
      %add3A_1520 = arith.addi %mul3A_1518, %add3A_1519 : i32
      %broadcast_in_dim3A_1521 = vector.broadcast %add3A_1520 : i32 to vector<16xi32>
      tpu.vector_store_idx %arg7[%iota3A, %broadcast_in_dim3A_1521], %gather3A_1516 : memref<16x512xf32, #tpu.memory_space<vmem>>[vector<16xi32>, vector<16xi32>], vector<16xf32>,
      %and3A_1522 = arith.constant 127 : i32
      %and3A_1523 = arith.andi %reduce_sum3A_645, %and3A_1522 : i32
      %broadcast_in_dim3A_1524 = arith.constant 24 : i32
      %broadcast_in_dim3A_1525 = vector.broadcast %broadcast_in_dim3A_1524 : i32 to vector<16xi32>
      %broadcast_in_dim3A_1526 = vector.broadcast %and3A_1523 : i32 to vector<16xi32>
      %gather3A_1527 = tpu.vector_load_idx %arg6[%broadcast_in_dim3A_1525, %iota3A, %broadcast_in_dim3A_1526] : memref<32x16x128xf32, #tpu.memory_space<vmem>>[vector<16xi32>, vector<16xi32>, vector<16xi32>], vector<16xf32>,
      %mul3A_1528 = arith.constant 32 : i32
      %mul3A_1529 = arith.muli %scan3A_8, %mul3A_1528 : i32
      %add3A_1530 = arith.constant 24 : i32
      %add3A_1531 = arith.addi %mul3A_1529, %add3A_1530 : i32
      %broadcast_in_dim3A_1532 = vector.broadcast %add3A_1531 : i32 to vector<16xi32>
      tpu.vector_store_idx %arg7[%iota3A, %broadcast_in_dim3A_1532], %gather3A_1527 : memref<16x512xf32, #tpu.memory_space<vmem>>[vector<16xi32>, vector<16xi32>], vector<16xf32>,
      %and3A_1533 = arith.constant 127 : i32
      %and3A_1534 = arith.andi %reduce_sum3A_671, %and3A_1533 : i32
      %broadcast_in_dim3A_1535 = arith.constant 25 : i32
      %broadcast_in_dim3A_1536 = vector.broadcast %broadcast_in_dim3A_1535 : i32 to vector<16xi32>
      %broadcast_in_dim3A_1537 = vector.broadcast %and3A_1534 : i32 to vector<16xi32>
      %gather3A_1538 = tpu.vector_load_idx %arg6[%broadcast_in_dim3A_1536, %iota3A, %broadcast_in_dim3A_1537] : memref<32x16x128xf32, #tpu.memory_space<vmem>>[vector<16xi32>, vector<16xi32>, vector<16xi32>], vector<16xf32>,
      %mul3A_1539 = arith.constant 32 : i32
      %mul3A_1540 = arith.muli %scan3A_8, %mul3A_1539 : i32
      %add3A_1541 = arith.constant 25 : i32
      %add3A_1542 = arith.addi %mul3A_1540, %add3A_1541 : i32
      %broadcast_in_dim3A_1543 = vector.broadcast %add3A_1542 : i32 to vector<16xi32>
      tpu.vector_store_idx %arg7[%iota3A, %broadcast_in_dim3A_1543], %gather3A_1538 : memref<16x512xf32, #tpu.memory_space<vmem>>[vector<16xi32>, vector<16xi32>], vector<16xf32>,
      %and3A_1544 = arith.constant 127 : i32
      %and3A_1545 = arith.andi %reduce_sum3A_697, %and3A_1544 : i32
      %broadcast_in_dim3A_1546 = arith.constant 26 : i32
      %broadcast_in_dim3A_1547 = vector.broadcast %broadcast_in_dim3A_1546 : i32 to vector<16xi32>
      %broadcast_in_dim3A_1548 = vector.broadcast %and3A_1545 : i32 to vector<16xi32>
      %gather3A_1549 = tpu.vector_load_idx %arg6[%broadcast_in_dim3A_1547, %iota3A, %broadcast_in_dim3A_1548] : memref<32x16x128xf32, #tpu.memory_space<vmem>>[vector<16xi32>, vector<16xi32>, vector<16xi32>], vector<16xf32>,
      %mul3A_1550 = arith.constant 32 : i32
      %mul3A_1551 = arith.muli %scan3A_8, %mul3A_1550 : i32
      %add3A_1552 = arith.constant 26 : i32
      %add3A_1553 = arith.addi %mul3A_1551, %add3A_1552 : i32
      %broadcast_in_dim3A_1554 = vector.broadcast %add3A_1553 : i32 to vector<16xi32>
      tpu.vector_store_idx %arg7[%iota3A, %broadcast_in_dim3A_1554], %gather3A_1549 : memref<16x512xf32, #tpu.memory_space<vmem>>[vector<16xi32>, vector<16xi32>], vector<16xf32>,
      %and3A_1555 = arith.constant 127 : i32
      %and3A_1556 = arith.andi %reduce_sum3A_723, %and3A_1555 : i32
      %broadcast_in_dim3A_1557 = arith.constant 27 : i32
      %broadcast_in_dim3A_1558 = vector.broadcast %broadcast_in_dim3A_1557 : i32 to vector<16xi32>
      %broadcast_in_dim3A_1559 = vector.broadcast %and3A_1556 : i32 to vector<16xi32>
      %gather3A_1560 = tpu.vector_load_idx %arg6[%broadcast_in_dim3A_1558, %iota3A, %broadcast_in_dim3A_1559] : memref<32x16x128xf32, #tpu.memory_space<vmem>>[vector<16xi32>, vector<16xi32>, vector<16xi32>], vector<16xf32>,
      %mul3A_1561 = arith.constant 32 : i32
      %mul3A_1562 = arith.muli %scan3A_8, %mul3A_1561 : i32
      %add3A_1563 = arith.constant 27 : i32
      %add3A_1564 = arith.addi %mul3A_1562, %add3A_1563 : i32
      %broadcast_in_dim3A_1565 = vector.broadcast %add3A_1564 : i32 to vector<16xi32>
      tpu.vector_store_idx %arg7[%iota3A, %broadcast_in_dim3A_1565], %gather3A_1560 : memref<16x512xf32, #tpu.memory_space<vmem>>[vector<16xi32>, vector<16xi32>], vector<16xf32>,
      %and3A_1566 = arith.constant 127 : i32
      %and3A_1567 = arith.andi %reduce_sum3A_749, %and3A_1566 : i32
      %broadcast_in_dim3A_1568 = arith.constant 28 : i32
      %broadcast_in_dim3A_1569 = vector.broadcast %broadcast_in_dim3A_1568 : i32 to vector<16xi32>
      %broadcast_in_dim3A_1570 = vector.broadcast %and3A_1567 : i32 to vector<16xi32>
      %gather3A_1571 = tpu.vector_load_idx %arg6[%broadcast_in_dim3A_1569, %iota3A, %broadcast_in_dim3A_1570] : memref<32x16x128xf32, #tpu.memory_space<vmem>>[vector<16xi32>, vector<16xi32>, vector<16xi32>], vector<16xf32>,
      %mul3A_1572 = arith.constant 32 : i32
      %mul3A_1573 = arith.muli %scan3A_8, %mul3A_1572 : i32
      %add3A_1574 = arith.constant 28 : i32
      %add3A_1575 = arith.addi %mul3A_1573, %add3A_1574 : i32
      %broadcast_in_dim3A_1576 = vector.broadcast %add3A_1575 : i32 to vector<16xi32>
      tpu.vector_store_idx %arg7[%iota3A, %broadcast_in_dim3A_1576], %gather3A_1571 : memref<16x512xf32, #tpu.memory_space<vmem>>[vector<16xi32>, vector<16xi32>], vector<16xf32>,
      %and3A_1577 = arith.constant 127 : i32
      %and3A_1578 = arith.andi %reduce_sum3A_775, %and3A_1577 : i32
      %broadcast_in_dim3A_1579 = arith.constant 29 : i32
      %broadcast_in_dim3A_1580 = vector.broadcast %broadcast_in_dim3A_1579 : i32 to vector<16xi32>
      %broadcast_in_dim3A_1581 = vector.broadcast %and3A_1578 : i32 to vector<16xi32>
      %gather3A_1582 = tpu.vector_load_idx %arg6[%broadcast_in_dim3A_1580, %iota3A, %broadcast_in_dim3A_1581] : memref<32x16x128xf32, #tpu.memory_space<vmem>>[vector<16xi32>, vector<16xi32>, vector<16xi32>], vector<16xf32>,
      %mul3A_1583 = arith.constant 32 : i32
      %mul3A_1584 = arith.muli %scan3A_8, %mul3A_1583 : i32
      %add3A_1585 = arith.constant 29 : i32
      %add3A_1586 = arith.addi %mul3A_1584, %add3A_1585 : i32
      %broadcast_in_dim3A_1587 = vector.broadcast %add3A_1586 : i32 to vector<16xi32>
      tpu.vector_store_idx %arg7[%iota3A, %broadcast_in_dim3A_1587], %gather3A_1582 : memref<16x512xf32, #tpu.memory_space<vmem>>[vector<16xi32>, vector<16xi32>], vector<16xf32>,
      %and3A_1588 = arith.constant 127 : i32
      %and3A_1589 = arith.andi %reduce_sum3A_801, %and3A_1588 : i32
      %broadcast_in_dim3A_1590 = arith.constant 30 : i32
      %broadcast_in_dim3A_1591 = vector.broadcast %broadcast_in_dim3A_1590 : i32 to vector<16xi32>
      %broadcast_in_dim3A_1592 = vector.broadcast %and3A_1589 : i32 to vector<16xi32>
      %gather3A_1593 = tpu.vector_load_idx %arg6[%broadcast_in_dim3A_1591, %iota3A, %broadcast_in_dim3A_1592] : memref<32x16x128xf32, #tpu.memory_space<vmem>>[vector<16xi32>, vector<16xi32>, vector<16xi32>], vector<16xf32>,
      %mul3A_1594 = arith.constant 32 : i32
      %mul3A_1595 = arith.muli %scan3A_8, %mul3A_1594 : i32
      %add3A_1596 = arith.constant 30 : i32
      %add3A_1597 = arith.addi %mul3A_1595, %add3A_1596 : i32
      %broadcast_in_dim3A_1598 = vector.broadcast %add3A_1597 : i32 to vector<16xi32>
      tpu.vector_store_idx %arg7[%iota3A, %broadcast_in_dim3A_1598], %gather3A_1593 : memref<16x512xf32, #tpu.memory_space<vmem>>[vector<16xi32>, vector<16xi32>], vector<16xf32>,
      %and3A_1599 = arith.constant 127 : i32
      %and3A_1600 = arith.andi %reduce_sum3A_827, %and3A_1599 : i32
      %broadcast_in_dim3A_1601 = arith.constant 31 : i32
      %broadcast_in_dim3A_1602 = vector.broadcast %broadcast_in_dim3A_1601 : i32 to vector<16xi32>
      %broadcast_in_dim3A_1603 = vector.broadcast %and3A_1600 : i32 to vector<16xi32>
      %gather3A_1604 = tpu.vector_load_idx %arg6[%broadcast_in_dim3A_1602, %iota3A, %broadcast_in_dim3A_1603] : memref<32x16x128xf32, #tpu.memory_space<vmem>>[vector<16xi32>, vector<16xi32>, vector<16xi32>], vector<16xf32>,
      %mul3A_1605 = arith.constant 32 : i32
      %mul3A_1606 = arith.muli %scan3A_8, %mul3A_1605 : i32
      %add3A_1607 = arith.constant 31 : i32
      %add3A_1608 = arith.addi %mul3A_1606, %add3A_1607 : i32
      %broadcast_in_dim3A_1609 = vector.broadcast %add3A_1608 : i32 to vector<16xi32>
      tpu.vector_store_idx %arg7[%iota3A, %broadcast_in_dim3A_1609], %gather3A_1604 : memref<16x512xf32, #tpu.memory_space<vmem>>[vector<16xi32>, vector<16xi32>], vector<16xf32>,
    }
    %scan3A_7 = arith.constant 16 : i32
    "tpu.region"() ({
      %run_scoped3A = tpu.sem_alloc : memref<!tpu.dma_semaphore, #tpu.memory_space<semaphore_mem>>
      %dma_start3A = arith.constant 0 : i32
      %dma_start3A_8 = tpu.memref_slice %arg4[%dma_start3A, %mul3A_2] : memref<16x16384xf32, #tpu.memory_space<hbm>> -> memref<16x512xf32, #tpu.memory_space<hbm>>
      %dma_start3A_9 = arith.constant 0 : i32
      %dma_start3A_10 = tpu.memref_slice %arg4[%dma_start3A_9, %mul3A_2] : memref<16x16384xf32, #tpu.memory_space<hbm>> -> memref<16x512xf32, #tpu.memory_space<hbm>>
      tpu.enqueue_dma source(%arg7 : memref<16x512xf32, #tpu.memory_space<vmem>>) target(%dma_start3A_10 : memref<16x512xf32, #tpu.memory_space<hbm>>) target_semaphore(%run_scoped3A : memref<!tpu.dma_semaphore, #tpu.memory_space<semaphore_mem>>)
      %dma_wait3A = arith.constant 0 : i32
      %dma_wait3A_11 = tpu.memref_slice %arg4[%dma_wait3A, %mul3A_2] : memref<16x16384xf32, #tpu.memory_space<hbm>> -> memref<16x512xf32, #tpu.memory_space<hbm>>
      %dma_wait3A_12 = arith.constant 0 : i32
      %dma_wait3A_13 = tpu.memref_slice %arg4[%dma_wait3A_12, %mul3A_2] : memref<16x16384xf32, #tpu.memory_space<hbm>> -> memref<16x512xf32, #tpu.memory_space<hbm>>
      tpu.wait_dma2 semaphore(%run_scoped3A : memref<!tpu.dma_semaphore, #tpu.memory_space<semaphore_mem>>) src(%arg7 : memref<16x512xf32, #tpu.memory_space<vmem>>) dst(%dma_wait3A_13 : memref<16x512xf32, #tpu.memory_space<hbm>>)
      tpu.yield
    }) : () -> ()
    return
  }
}

</mosaic_0001>

<sc_bundles>
// kernel: kernel.3.cloned.1.call-start
scs
__scs_entry_jumppad:
0x0: {  	(pc) =	sbr.rel $0x88, $3  }
0x1: {  	(tag) =	ssettag $0x0;
	lr =	simm.s32 $0x1  }
0x2: {  	[smem:$0x3F9F] =	sst lr;
	_ =	strace $0xD0000000  }
0x3: {  	_ = 	snop  }
0x4: {  	_ = 	snop  }
0x5: {  	_ = 	snop  }
0x6: {  	_ = 	snop  }
0x7: {  	_ = 	snop  }
__scs_overlays_trampoline_lowered:
0x8: {  	[smem:$0x3FAE] =	sst s0  }
0x9: {  	[smem:$0x3FAF] =	sst s1  }
0xa: {  	[smem:$0x3FB0] =	sst s2  }
0xb: {  	[smem:$0x3FB1] =	sst s3  }
0xc: {  	[smem:$0x3FB2] =	sst s4  }
0xd: {  	[smem:$0x3FB3] =	sst s5  }
0xe: {  	[smem:$0x3FB4] =	sst s6  }
0xf: {  	[smem:$0x3FB5] =	sst s7  }
0x10: {  	[smem:$0x3FB6] =	sst s8  }
0x11: {  	[smem:$0x3FB7] =	sst s9;
	s0 =	simm.s32 @!p0 $0x0  }
0x12: {  	s1 =	sld [smem:$0x3F9D];
	s0 =	simm.s32 @p0 $0x1  }
0x13: {  	[smem:$0x3FB8] =	sst s0;
	s0 =	simm.s32 @!p1 $0x0  }
0x14: {  	s2 =	sld [smem:$0x3F9C];
	s0 =	simm.s32 @p1 $0x1  }
0x15: {  	[smem:$0x3FB9] =	sst s0;
	s0 =	simm.s32 @!p2 $0x0  }
0x16: {  	s3 =	sld [smem:$0x3FDB];
	s0 =	simm.s32 @p2 $0x1  }
0x17: {  	s4 =	simm.s32 $0x1BF5;
	[smem:$0x3FBB] =	sst s0  }
0x18: {  	s0 =	sld [smem:$0x3F9E];
	_ =	swait.ge [sflag:s4], $0x0  }
0x19: {  	s7 =	sld [smem:$0x3F9F]  }
0x1a: {  	s8 =	sadd.s32 $0xFFFFE003, lr  }
0x1b: {  	s9 =	sadd.s32 $0xFFFFFEF7, lr;
	s5 =	simm.s32 $0xFFFFFFFF;
	p2 =	slt.u32 s8, $0xFFFFF086  }
0x1c: {  	p1 =	slt.u32 s9, $0xF7A;
	s5 =	simm.s32 @!p2 $0x0  }
0x1d: {  	s5 =	simm.s32 @p1 $0x1;
	p0 =	seq.s32 s7, s2  }
0x1e: {  	s7 =	smul.u32 @!p0 $0xF7A, s2;
	p2 =	seq.s32 @!p0 s5, $0x0  }
0x1f: {  	s9 =	smul.u32 $0xF7A, s1;
	s8 =	simm.s32 @!p0 $0x1BF5;
	p2 =	por !p2, p0  }
0x20: {  	[sflag:s8] =	ssyncset.s32 @!p0 $0xFFFFF086;
	s6 =	sadd.s32 @!p0 s3, s7;
	s7 =	simm.s32 @!p0 $0x108  }
0x21: {  	s3 =	sadd.s32 s3, s9;
	s6 =	sadd.s32 @!p0 $0x88, s6;
	s7 =	simm.s32 @p2 $0x1082  }
0x22: {  	[simem:s7], [sflag:s8] =	dma.local @!p0 [hbm:s6], $0xF7A  }
0x23: {  	s9 =	sor.u32 $0xD0000000, s2;
	s6 =	simm.s32 $0x108;
	_ =	swait.ge @!p0 [sflag:s8], $0x0  }
0x24: {  	s3 =	sadd.s32 $0x88, s3;
	s6 =	simm.s32 @!p1 $0x1082;
	[sflag:s4] =	ssyncset.s32 $0xFFFFF086  }
0x25: {  	[simem:s6], [sflag:s4] =	dma.local [hbm:s3], $0xF7A  }
0x26: {  	[smem:$0x3F9F] =	sst s1;
	(tag) =	ssettag s2;
	_ =	strace s9  }
0x27: {  	s1 =	sld [smem:$0x3FAF]  }
0x28: {  	s2 =	sld [smem:$0x3FB0]  }
0x29: {  	s4 =	sld [smem:$0x3FB2]  }
0x2a: {  	p0 =	seq.s32 s5, $0x0;
	s5 =	sld [smem:$0x3FB3]  }
0x2b: {  	s6 =	sld [smem:$0x3FB4]  }
0x2c: {  	s7 =	sld [smem:$0x3FB5]  }
0x2d: {  	s3 =	simm.s32 $0x108;
	s8 =	sld [smem:$0x3FB6]  }
0x2e: {  	s3 =	simm.s32 @!p0 $0x1082;
	s9 =	sld [smem:$0x3FB7]  }
0x2f: {  	lr =	sadd.s32 s0, s3;
	s0 =	sld [smem:$0x3FAE]  }
0x30: {  	s3 =	sld [smem:$0x3FB1]  }
0x31: {  	[smem:$0x3FBA] =	sst s10  }
0x32: {  	s10 =	sld [smem:$0x3FB8];
	_ =	sdelay $0x3  }
0x33: {  	p0 =	seq.s32 s10, $0x1;
	s10 =	sld [smem:$0x3FBA];
	_ =	sdelay $0x3  }
0x34: {  	[smem:$0x3FBA] =	sst s10  }
0x35: {  	s10 =	sld [smem:$0x3FB9];
	_ =	sdelay $0x3  }
0x36: {  	p1 =	seq.s32 s10, $0x1;
	s10 =	sld [smem:$0x3FBA];
	_ =	sdelay $0x3  }
0x37: {  	[smem:$0x3FBA] =	sst s10  }
0x38: {  	s10 =	sld [smem:$0x3FBB]  }
0x39: {  	_ = 	snop;
	(pc) =	sbr.ind lr, $3  }
0x3a: {  	_ = 	snop  }
0x3b: {  	_ = 	snop  }
0x3c: {  	p2 =	seq.s32 s10, $0x1;
	s10 =	sld [smem:$0x3FBA]  }
0x3d: {  	_ =	shalt  }
0x3e: {  	_ =	shalt  }
0x3f: {  	_ =	shalt  }
0x40: {  	_ =	shalt  }
0x41: {  	_ =	shalt  }
0x42: {  	_ =	shalt  }
0x43: {  	_ =	shalt  }
0x44: {  	_ =	shalt  }
0x45: {  	_ =	shalt  }
0x46: {  	_ =	shalt  }
0x47: {  	_ =	shalt  }
0x48: {  	_ =	shalt  }
0x49: {  	_ =	shalt  }
0x4a: {  	_ =	shalt  }
0x4b: {  	_ =	shalt  }
0x4c: {  	_ =	shalt  }
0x4d: {  	_ =	shalt  }
0x4e: {  	_ =	shalt  }
0x4f: {  	_ =	shalt  }
0x50: {  	_ =	shalt  }
0x51: {  	_ =	shalt  }
0x52: {  	_ =	shalt  }
0x53: {  	_ =	shalt  }
0x54: {  	_ =	shalt  }
0x55: {  	_ =	shalt  }
0x56: {  	_ =	shalt  }
0x57: {  	_ =	shalt  }
0x58: {  	_ =	shalt  }
0x59: {  	_ =	shalt  }
0x5a: {  	_ =	shalt  }
0x5b: {  	_ =	shalt  }
0x5c: {  	_ =	shalt  }
0x5d: {  	_ =	shalt  }
0x5e: {  	_ =	shalt  }
0x5f: {  	_ =	shalt  }
0x60: {  	_ =	shalt  }
0x61: {  	_ =	shalt  }
0x62: {  	_ =	shalt  }
0x63: {  	_ =	shalt  }
0x64: {  	_ =	shalt  }
0x65: {  	_ =	shalt  }
0x66: {  	_ =	shalt  }
0x67: {  	_ =	shalt  }
0x68: {  	_ =	shalt  }
0x69: {  	_ =	shalt  }
0x6a: {  	_ =	shalt  }
0x6b: {  	_ =	shalt  }
0x6c: {  	_ =	shalt  }
0x6d: {  	_ =	shalt  }
0x6e: {  	_ =	shalt  }
0x6f: {  	_ =	shalt  }
0x70: {  	_ =	shalt  }
0x71: {  	_ =	shalt  }
0x72: {  	_ =	shalt  }
0x73: {  	_ =	shalt  }
0x74: {  	_ =	shalt  }
0x75: {  	_ =	shalt  }
0x76: {  	_ =	shalt  }
0x77: {  	_ =	shalt  }
0x78: {  	_ =	shalt  }
0x79: {  	_ =	shalt  }
0x7a: {  	_ =	shalt  }
0x7b: {  	_ =	shalt  }
0x7c: {  	_ =	shalt  }
0x7d: {  	_ =	shalt  }
0x7e: {  	_ =	shalt  }
0x7f: {  	_ =	shalt  }
0x80: {  	_ =	shalt  }
0x81: {  	_ =	shalt  }
0x82: {  	_ =	shalt  }
0x83: {  	_ =	shalt  }
0x84: {  	_ =	shalt  }
0x85: {  	_ =	shalt  }
0x86: {  	_ =	shalt  }
0x87: {  	_ =	shalt  }
.Lfunc_end0:
.L_simem_size_0:
called_computation_lowered:
.L_overlay_start_0:
0x88: {  	s2 =	sld [smem:$0x3FD9]  }
0x89: {  	s3 =	sld [smem:$0x3FFE];
	_ =	sdelay $0x1  }
0x8a: {  	s1 =	srdreg.scid  }
0x8b: {  	s0 =	sand.u32 $0x1, s1  }
0x8c: {  	s17 =	sshll.u32 s0, $0xA;
	s2 =	sadd.s32 s3, s2  }
0x8d: {  	s2 =	sadd.s32 s2, s17  }
0x8e: {  	[smem:$0x3FC6] =	sst s2  }
0x8f: {  	_ = 	snop  }
0x90: {  	s2 =	sld [smem:$0x3FC8]  }
0x91: {  	s18 =	sld [smem:$0x3FD0];
	(tm) =	ssettm $0x1  }
0x92: {  	s4 =	sld [smem:$0x3FFB];
	_ =	sdelay $0x3  }
0x93: {  	_ =	strace s4  }
0x94: {  	s4 =	sld [smem:$0x3FFC];
	_ =	sdelay $0x3  }
0x95: {  	_ =	strace s4  }
0x96: {  	s4 =	sld [smem:$0x3FFD];
	_ =	sdelay $0x3  }
0x97: {  	_ =	strace s4  }
0x98: {  	_ =	strace $0x8FFFFFFF  }
0x99: {  	s19 =	sld [smem:$0x3FDB];
	_ =	sdelay $0x1  }
0x9a: {  	s5 =	simm.s32 $_scs_section_size  }
0x9b: {  	s6 =	simm.s32 $_size__tile_overlayer_lowered;
	s7 =	simm.s32 $_tile_overlayer_lowered  }
0x9c: {  	s22 =	simm.s32 $0x1BFF;
	s21 =	sshll.u32 s7, $0x1;
	s4 =	sadd.s32 s5, s19  }
0x9d: {  	s8 =	simm.s32 $0x0;
	s20 =	sshll.u32 s6, $0x1;
	s6 =	sadd.s32 s21, s4  }
0x9e: {  	[timem:s8], [sflag:s22] =	dma.local [hbm:s6], s20  }
0x9f: {  	_ =	swait.ge [sflag:s22], s20  }
0xa0: {  	s5 =	ssub.s32 $0x0, s20;
	[sflag:s22] =	ssyncset.done $0x0  }
0xa1: {  	[sflag:s22] =	ssyncadd.s32 s5;
	_ =	sdelay $0x1  }
0xa2: {  	s23 =	simm.s32 $0x1B8B  }
0xa3: {  	_ =	swait.ge [sflag:s23], $0x1  }
0xa4: {  	[sflag:s23] =	ssyncset.done $0x0  }
0xa5: {  	s25 =	simm.s32 $0x1B8E;
	s24 =	sld [smem:$0x3FFE];
	[sflag:s23] =	ssyncadd.s32 $0xFFFFFFFF  }
0xa6: {  	s26 =	simm.s32 $execute0_lowered;
	[smem:$0x3FD2] =	sst s25  }
0xa7: {  	s6 =	sshll.u32 s26, $0x1;
	_ =	strace $0x80000046;
	[dreg:$0x1] =	wrdreg $0xFFFFFFFF  }
0xa8: {  	s28 =	simm.s32 $_size_execute0_lowered;
	s4 =	sadd.s32 s4, s6;
	[dreg:$0x0] =	wrdreg $0x0  }
0xa9: {  	s6 =	sshll.u32 s28, $0x1;
	[dreg:$0x2] =	wrdreg s4  }
0xaa: {  	[dreg:$0x3] =	wrdreg s6  }
0xab: {  	[dreg:$0x4] =	wrdreg $0xC0  }
0xac: {  	_ =	task [dreg:s8], $0x5FFFF  }
0xad: {  	[dreg:$0x1] =	wrdreg $0xFFFFFFFF  }
0xae: {  	[dreg:$0x0] =	wrdreg $0x60  }
0xaf: {  	[dreg:$0x2] =	wrdreg s2  }
0xb0: {  	[dreg:$0x3] =	wrdreg s24  }
0xb1: {  	[dreg:$0x4] =	wrdreg s18  }
0xb2: {  	[dreg:$0x5] =	wrdreg $0x9  }
0xb3: {  	_ =	task.clear_ibuf [dreg:s8], $0x6FFFF;
	_ =	strace $0x90000046  }
0xb4: {  	s29 =	simm.s32 $0x9;
	_ =	strace $0x80000048  }
0xb5: {  	_ =	swait.ge [sflag:s29], $0x1  }
0xb6: {  	[sflag:s29] =	ssyncadd.s32 $0xFFFFFFFF  }
0xb7: {  	_ =	strace $0x90000048  }
0xb8: {  	_ =	sfence  }
0xb9: {  	s30 =	sld [smem:$0x0];
	_ =	sdelay $0x2  }
0xba: {  	s31 =	sshll.u32 s1, $0xD;
	s1 =	sshrl.u32 s1, $0x2  }
0xbb: {  	s3 =	sand.u32 $0x4000, s31;
	s1 =	sadd.s32 s1, s30  }
0xbc: {  	s0 =	sor.u32 s3, s0;
	s1 =	sshll.u32 s1, $0x11  }
0xbd: {  	s0 =	sor.u32 s1, s0  }
0xbe: {  	s0 =	sadd.s32 $0x8F2B, s0  }
0xbf: {  	[sflag:s0] =	ssyncadd.remote.s32 $0x1  }
0xc0: {  	_ =	sfence.sel $0xFFFF  }
0xc1: {  	[dreg:$0x0] =	wrdreg $0xFFFFFFFF;
	(pc) =	sbr.abs _section_cstart, $3  }
0xc2: {  	[dreg:$0x1] =	wrdreg $0xFFFFFFFF  }
0xc3: {  	_ =	task.clear_ibuf [dreg:s8], $0x2FFFF;
	_ =	strace $0x9FFFFFFF  }
0xc4: {  	(tm) =	ssettm $0x7FFFFFFF  }
0xc5: {  	_ =	shalt  }
tec
execute0_lowered:
.L_overlay_start_1:
0x0: {  	(tag) =	ssettag $0x1  }
0x1: {  	s1 =	rddreg [dreg:$0x0]  }
0x2: {  	s2 =	rddreg [dreg:$0x1]  }
0x3: {  	s0 =	rddreg [dreg:$0x2];
	s3 =	simm.s32 $0x0  }
0x4: {  	s25 =	simm.s32 $0xA00;
	[smem:$0x7FF] =	sst s3  }
0x5: {  	s26 =	simm.s32 $0x1200;
	_ =	strace $0x80000047;
	[dreg:$0x4] =	wrdreg s25  }
0x6: {  	s28 =	simm.s32 $0x1A00;
	[dreg:$0x5] =	wrdreg s26  }
0x7: {  	s29 =	simm.s32 $0x2200;
	[dreg:$0x6] =	wrdreg s28  }
0x8: {  	s30 =	simm.s32 $0x2A00;
	[dreg:$0x7] =	wrdreg s29  }
0x9: {  	s31 =	simm.s32 $0x3200;
	[dreg:$0x8] =	wrdreg s30  }
0xa: {  	s4 =	simm.s32 $0x3A00;
	[dreg:$0x9] =	wrdreg s31  }
0xb: {  	s5 =	simm.s32 $0x4200;
	[dreg:$0xa] =	wrdreg s4  }
0xc: {  	s6 =	simm.s32 $0x4A00;
	[dreg:$0xb] =	wrdreg s5  }
0xd: {  	s7 =	simm.s32 $0x5200;
	[dreg:$0xc] =	wrdreg s6  }
0xe: {  	s8 =	simm.s32 $0x5A00;
	[dreg:$0xd] =	wrdreg s7  }
0xf: {  	vm0 =	vmmov $0x1;
	vm1 =	vcmask $0x308;
	s9 =	simm.s32 $0x6200;
	[dreg:$0xe] =	wrdreg s8  }
0x10: {  	vm2 =	vcmask $0x70C;
	v0 =	vimm.s32 $0x1380;
	vm4 =	vcmask $0x300;
	s11 =	simm.s32 $0x7200;
	[dreg:$0xf] =	wrdreg s9  }
0x11: {  	vm3 =	vcmask $0xB10;
	vm5 =	vcmask $0x704;
	s12 =	simm.s32 $0x7A00;
	v0 =	vsel vm4, $0x0, v0;
	[dreg:$0x11] =	wrdreg s11  }
0x12: {  	vm6 =	vcmask $0xB08;
	vm7 =	vcmask $0xF0C;
	s13 =	simm.s32 $0x8200;
	v0 =	vsel vm5, $0x80, v0;
	[dreg:$0x12] =	wrdreg s12  }
0x13: {  	vm8 =	vcmask $0x1310;
	vm9 =	vcmask $0x1714;
	s14 =	simm.s32 $0x8A00;
	[dreg:$0x13] =	wrdreg s13;
	v0 =	vsel vm6, $0x100, v0  }
0x14: {  	vm10 =	vcmask $0x1B18;
	vm11 =	vcmask $0x1F1C;
	s15 =	simm.s32 $0x9200;
	[dreg:$0x14] =	wrdreg s14;
	v0 =	vsel vm7, $0x180, v0  }
0x15: {  	vm12 =	vcmask $0x2320;
	vm13 =	vcmask $0x2724;
	s16 =	simm.s32 $0x9A00;
	[dreg:$0x15] =	wrdreg s15;
	v0 =	vsel vm8, $0x200, v0  }
0x16: {  	vm14 =	vcmask $0x2B28;
	s17 =	simm.s32 $0xA200;
	v1 =	vlaneseq.u32;
	[dreg:$0x16] =	wrdreg s16;
	v0 =	vsel vm9, $0x280, v0  }
0x17: {  	s18 =	simm.s32 $0xAA00;
	vm15 =	vcmask $0x3734;
	vm4 =	vcmask $0xF14;
	[dreg:$0x17] =	wrdreg s17;
	v0 =	vsel vm10, $0x300, v0  }
0x18: {  	s20 =	simm.s32 $0xB200;
	vm5 =	vcmask $0x1318;
	[dreg:$0x18] =	wrdreg s18;
	vm6 =	vcmask $0x171C;
	v0 =	vsel vm11, $0x380, v0  }
0x19: {  	s21 =	simm.s32 $0xBA00;
	[dreg:$0x19] =	wrdreg s20;
	vm7 =	vcmask $0x1B20;
	vm8 =	vcmask $0x1F24;
	v0 =	vsel vm12, $0x1000, v0  }
0x1a: {  	s22 =	simm.s32 $0xC200;
	[dreg:$0x1a] =	wrdreg s21;
	vm9 =	vcmask $0x2328;
	vm10 =	vcmask $0x272C;
	v0 =	vsel vm13, $0x1080, v0  }
0x1b: {  	s23 =	simm.s32 $0xCA00;
	s4 =	srdreg.scid;
	[dreg:$0x1b] =	wrdreg s22;
	vm11 =	vcmask $0x2B30;
	v0 =	vsel vm14, $0x1100, v0;
	vm14 =	vcmask $0x2F2C  }
0x1c: {  	s5 =	stileid.u32;
	s6 =	simm.s32 $0x6A00;
	[dreg:$0x1c] =	wrdreg s23;
	vm12 =	vcmask $0x2F34;
	v2 =	vsel vm14, $0x1180, v0;
	vm14 =	vcmask $0x3330  }
0x1d: {  	s25 =	simm.s32 $0xD200;
	s26 =	simm.s32 $0xDA00;
	[dreg:$0x10] =	wrdreg s6;
	vm13 =	vcmask $0x3338;
	v0 =	vmul.u32 $0x80, v1;
	v1 =	vsel vm14, $0x1200, v2  }
0x1e: {  	s8 =	simm.s32 $0x400;
	s28 =	simm.s32 $0xE200;
	[dreg:$0x1d] =	wrdreg s25;
	vm14 =	vcmask $0x373C;
	v1 =	vsel vm15, $0x1280, v1;
	vm15 =	vcmask $0x3B38  }
0x1f: {  	s29 =	simm.s32 $0xEA00;
	s30 =	simm.s32 $0xF200;
	[dreg:$0x1e] =	wrdreg s26;
	v2 =	vor.u32 $0x800, v0;
	v3 =	vor.u32 $0x1000, v0;
	v4 =	vor.u32 $0x1800, v0  }
0x20: {  	s11 =	simm.s32 $0x200;
	s31 =	simm.s32 $0xFA00;
	[dreg:$0x1f] =	wrdreg s28;
	v5 =	vor.u32 $0x2000, v0;
	v6 =	vor.u32 $0x2800, v0;
	v7 =	vor.u32 $0x3000, v0  }
0x21: {  	s4 =	sand.u32 $0x1, s4;
	s5 =	sshll.u32 s5, $0x1;
	[smem:$0x7FB] =	sst s29;
	v8 =	vor.u32 $0x3800, v0;
	v9 =	vor.u32 $0x4000, v0;
	v10 =	vor.u32 $0x4800, v0  }
0x22: {  	s12 =	simm.s32 $0x1;
	[smem:$0x7FC] =	sst s30;
	s5 =	sor.u32 s4, s5;
	v11 =	vor.u32 $0x5000, v0;
	v12 =	vor.u32 $0x5800, v0;
	v13 =	vor.u32 $0x6000, v0  }
0x23: {  	s4 =	ssub.s32 $0x2, s4;
	s10 =	sshll.u32 s5, $0x9;
	s5 =	sshll.u32 s5, $0x7;
	v14 =	vor.u32 $0x6800, v0;
	v15 =	vor.u32 $0x7000, v0;
	v16 =	vor.u32 $0x7800, v0  }
0x24: {  	s19 =	sshrl.u32 s4, $0x1;
	s7 =	sand.u32 $0x3000, s10;
	s5 =	sand.u32 $0x380, s5;
	v17 =	vor.u32 $0x8000, v0;
	v18 =	vor.u32 $0x8800, v0;
	v19 =	vor.u32 $0x9000, v0  }
0x25: {  	[smem:$0x7FD] =	sst s31;
	s4 =	ssub.s32 s4, s19;
	s5 =	sor.u32 s5, s7;
	v20 =	vor.u32 $0x9800, v0;
	v21 =	vor.u32 $0xA000, v0;
	v22 =	vor.u32 $0xA800, v0  }
0x26: {  	s0 =	sadd.s32 s0, s10;
	s10 =	simm.s32 $0x7A1400;
	s5 =	sshrl.u32 s5, $0x3;
	v23 =	vor.u32 $0xB000, v0;
	v24 =	vor.u32 $0xB800, v0;
	v25 =	vor.u32 $0xC000, v0  }
0x27: {  	[smem:$0x7F9] =	sst s0;
	s24 =	smax.u32 s4, $0x1;
	s2 =	sadd.s32 s5, s2;
	v26 =	vor.u32 $0xC800, v0;
	v27 =	vor.u32 $0xD000, v0;
	v28 =	vor.u32 $0xD800, v0  }
0x28: {  	s13 =	simm.s32 $0x10200;
	[smem:$0x7FA] =	sst s24;
	s2 =	sadd.s32 $0x400, s2;
	v29 =	vor.u32 $0xE000, v0;
	v30 =	vor.u32 $0xE800, v0;
	v31 =	vor.u32 $0xF000, v0  }
0x29: {  	s4 =	simm.s32 $0x2;
	[smem:$0x7F8] =	sst s2;
	s2 =	simm.s32 $0x0;
	v32 =	vor.u32 $0xF800, v0;
	v1 =	vsel vm15, $0x1300, v1;
	vm15 =	vmmov $0x7fff  }
.LBB2_1:
0x2a: {  	s31 =	sld [smem:$0x7F8];
	_ =	sdelay $0x1  }
0x2b: {  	[smem:$0x7F7] =	sst s2;
	s0 =	simm.s32 $0x0;
	s3 =	simm.s32 $0x80  }
0x2c: {  	[tilespmem:s0], [sflag:$0x2] =	stream.strided.gather [hbm4b:s31+s3], $0x200, s8, s3, $0x38;
	[tilespmem:$0x12200] =	vst v63  }
0x2d: {  	_ =	swait.ge [sflag:s4], $0x200  }
0x2e: {  	[sflag:s4] =	ssyncset.done $0x0  }
0x2f: {  	s17 =	simm.s32 $0x1F;
	s0 =	simm.s32 $0x10;
	[sflag:s4] =	ssyncadd.s32 $0xFFFFFE00  }
.LBB2_2:
0x30: {  	v34 =	vld [tilespmem:s0+$0xFFFFFFF0];
	_ =	sdelay $0x4  }
0x31: {  	v33 =	vnsel vm0, $0x0, v34  }
0x32: {  	(xrf0) =	vadd.scan.msk.s32 $0xffff, v33;
	_ =	sdelay $0x2  }
0x33: {  	v56 =	vsel vm1, $0x0, v34  }
0x34: {  	(xrf0) =	vadd.scan.msk.s32 $0xffff, v56;
	_ =	sdelay $0x1  }
0x35: {  	v57, _, _ =	vpop (xrf0)  }
0x36: {  	v58 =	vsel vm2, $0x0, v34;
	(v2sf) =	vpush v57, $0xF  }
0x37: {  	(xrf0) =	vadd.scan.msk.s32 $0xffff, v58  }
0x38: {  	v60 =	vsel vm3, $0x0, v34  }
0x39: {  	v59, _, _ =	vpop (xrf0);
	(xrf0) =	vadd.scan.msk.s32 $0xffff, v60  }
0x3a: {  	(v2sf) =	vpush v59, $0xF;
	_ =	sdelay $0x2  }
0x3b: {  	v62 =	vsel vm4, $0x0, v34;
	v61, _, _ =	vpop (xrf0)  }
0x3c: {  	(xrf0) =	vadd.scan.msk.s32 $0xffff, v62;
	(v2sf) =	vpush v61, $0xF  }
0x3d: {  	v63, _, _ =	vpop (xrf0)  }
0x3e: {  	(v2sf) =	vpush v63, $0xF  }
0x3f: {  	v36 =	vsel vm5, $0x0, v34  }
0x40: {  	(xrf0) =	vadd.scan.msk.s32 $0xffff, v36;
	_ =	sdelay $0x1  }
0x41: {  	v37, _, _ =	vpop (xrf0)  }
0x42: {  	v35 =	vsel vm6, $0x0, v34;
	s2 =	spop (v2sf);
	(v2sf) =	vpush v37, $0xF  }
0x43: {  	(xrf0) =	vadd.scan.msk.s32 $0xffff, v35;
	[smem:$0x7EC] =	sst s2;
	s2 =	sand.u32 $0xFFFFF80, s2  }
0x44: {  	v39 =	vsel vm7, $0x0, v34;
	s2 =	sadd.s32 s1, s2  }
0x45: {  	v38, _, _ =	vpop (xrf0);
	(xrf0) =	vadd.scan.msk.s32 $0xffff, v39;
	v33 =	vld [tilespmem:s0+$0x0];
	[tilespmem:s11], [sflag:$0x1] =	stream.strided.gather [hbm4b:s2+s8], $0x800, s10, s8, $0x38  }
0x46: {  	s2 =	spop (v2sf);
	(v2sf) =	vpush v38, $0xF  }
0x47: {  	s4 =	sand.u32 $0xFFFFF80, s2  }
0x48: {  	s3 =	rddreg [dreg:$0x4];
	s4 =	sadd.s32 s1, s4  }
0x49: {  	v41 =	vsel vm8, $0x0, v34;
	v40, _, _ =	vpop (xrf0);
	[tilespmem:s3], [sflag:$0x1] =	stream.strided.gather [hbm4b:s4+s8], $0x800, s10, s8, $0x38;
	[tilespmem:$0x12200] =	vst v63  }
0x4a: {  	(xrf0) =	vadd.scan.msk.s32 $0xffff, v41;
	s3 =	spop (v2sf);
	(v2sf) =	vpush v40, $0xF  }
0x4b: {  	v42, _, _ =	vpop (xrf0)  }
0x4c: {  	v43 =	vsel vm9, $0x0, v34;
	s4 =	spop (v2sf);
	(v2sf) =	vpush v42, $0xF  }
0x4d: {  	(xrf0) =	vadd.scan.msk.s32 $0xffff, v43  }
0x4e: {  	s5 =	sand.u32 $0xFFFFF80, s3  }
0x4f: {  	s14 =	rddreg [dreg:$0x5];
	s5 =	sadd.s32 s1, s5  }
0x50: {  	v44, _, _ =	vpop (xrf0);
	[tilespmem:s14], [sflag:$0x1] =	stream.strided.gather [hbm4b:s5+s8], $0x800, s10, s8, $0x38;
	[tilespmem:$0x12200] =	vst v63  }
0x51: {  	v45 =	vsel vm10, $0x0, v34;
	s5 =	spop (v2sf);
	(v2sf) =	vpush v44, $0xF  }
0x52: {  	v47 =	vsel vm11, $0x0, v34;
	s6 =	sand.u32 $0xFFFFF80, s4;
	(xrf0) =	vadd.scan.msk.s32 $0xffff, v45  }
0x53: {  	s15 =	rddreg [dreg:$0x6];
	s6 =	sadd.s32 s1, s6;
	v46, _, _ =	vpop (xrf0);
	(xrf0) =	vadd.scan.msk.s32 $0xffff, v47  }
0x54: {  	[tilespmem:s15], [sflag:$0x1] =	stream.strided.gather [hbm4b:s6+s8], $0x800, s10, s8, $0x38;
	[tilespmem:$0x12200] =	vst v63  }
0x55: {  	s7 =	sand.u32 $0xFFFFF80, s5;
	s6 =	spop (v2sf);
	(v2sf) =	vpush v46, $0xF  }
0x56: {  	s16 =	rddreg [dreg:$0x7];
	s7 =	sadd.s32 s1, s7  }
0x57: {  	[tilespmem:s16], [sflag:$0x1] =	stream.strided.gather [hbm4b:s7+s8], $0x800, s10, s8, $0x38;
	[tilespmem:$0x12200] =	vst v63  }
0x58: {  	v49 =	vsel vm12, $0x0, v34;
	v48, _, _ =	vpop (xrf0);
	s9 =	sand.u32 $0xFFFFF80, s6  }
0x59: {  	s18 =	rddreg [dreg:$0x8];
	(xrf0) =	vadd.scan.msk.s32 $0xffff, v49;
	s9 =	sadd.s32 s1, s9;
	s7 =	spop (v2sf);
	(v2sf) =	vpush v48, $0xF  }
0x5a: {  	v50, _, _ =	vpop (xrf0);
	[tilespmem:s18], [sflag:$0x1] =	stream.strided.gather [hbm4b:s9+s8], $0x800, s10, s8, $0x38;
	[tilespmem:$0x12200] =	vst v63  }
0x5b: {  	v51 =	vsel vm13, $0x0, v34;
	s14 =	sand.u32 $0xFFFFF80, s7;
	s9 =	spop (v2sf);
	(v2sf) =	vpush v50, $0xF  }
0x5c: {  	s19 =	rddreg [dreg:$0x9];
	(xrf0) =	vadd.scan.msk.s32 $0xffff, v51;
	s14 =	sadd.s32 s1, s14;
	s15 =	sand.u32 $0xFFFFF80, s9  }
0x5d: {  	[tilespmem:s19], [sflag:$0x1] =	stream.strided.gather [hbm4b:s14+s8], $0x800, s10, s8, $0x38;
	[tilespmem:$0x12200] =	vst v63  }
0x5e: {  	s20 =	rddreg [dreg:$0xa];
	s15 =	sadd.s32 s1, s15  }
0x5f: {  	v52, _, _ =	vpop (xrf0);
	[tilespmem:s20], [sflag:$0x1] =	stream.strided.gather [hbm4b:s15+s8], $0x800, s10, s8, $0x38;
	[tilespmem:$0x12200] =	vst v63  }
0x60: {  	v53 =	vsel vm14, $0x0, v34;
	s14 =	spop (v2sf);
	(v2sf) =	vpush v52, $0xF  }
0x61: {  	v34 =	vsel vm15, $0x0, v34;
	(xrf0) =	vadd.scan.msk.s32 $0xffff, v53;
	s16 =	sand.u32 $0xFFFFF80, s14  }
0x62: {  	s21 =	rddreg [dreg:$0xb];
	v54, _, _ =	vpop (xrf0);
	(xrf0) =	vadd.scan.msk.s32 $0xffff, v34;
	s16 =	sadd.s32 s1, s16  }
0x63: {  	[tilespmem:s21], [sflag:$0x1] =	stream.strided.gather [hbm4b:s16+s8], $0x800, s10, s8, $0x38;
	[tilespmem:$0x12200] =	vst v63  }
0x64: {  	s16 =	spop (v2sf);
	(v2sf) =	vpush v54, $0xF;
	_ =	sdelay $0x2  }
0x65: {  	v56 =	vnsel vm0, $0x0, v33;
	v55, _, _ =	vpop (xrf0);
	s19 =	sand.u32 $0xFFFFF80, s16  }
0x66: {  	s22 =	rddreg [dreg:$0xc];
	(xrf0) =	vadd.scan.msk.s32 $0xffff, v56;
	s19 =	sadd.s32 s1, s19;
	s15 =	spop (v2sf);
	(v2sf) =	vpush v55, $0xF  }
0x67: {  	v57, _, _ =	vpop (xrf0);
	[tilespmem:s22], [sflag:$0x1] =	stream.strided.gather [hbm4b:s19+s8], $0x800, s10, s8, $0x38;
	[tilespmem:$0x12200] =	vst v63  }
0x68: {  	v58 =	vsel vm1, $0x0, v33;
	s19 =	spop (v2sf);
	(v2sf) =	vpush v57, $0xF  }
0x69: {  	(xrf0) =	vadd.scan.msk.s32 $0xffff, v58  }
0x6a: {  	s20 =	sand.u32 $0xFFFFF80, s15  }
0x6b: {  	s23 =	rddreg [dreg:$0xd];
	s20 =	sadd.s32 s1, s20  }
0x6c: {  	v59, _, _ =	vpop (xrf0);
	[tilespmem:s23], [sflag:$0x1] =	stream.strided.gather [hbm4b:s20+s8], $0x800, s10, s8, $0x38;
	[tilespmem:$0x12200] =	vst v63  }
0x6d: {  	v60 =	vsel vm2, $0x0, v33;
	s20 =	spop (v2sf);
	(v2sf) =	vpush v59, $0xF  }
0x6e: {  	v62 =	vsel vm3, $0x0, v33;
	(xrf0) =	vadd.scan.msk.s32 $0xffff, v60;
	s21 =	sand.u32 $0xFFFFF80, s19  }
0x6f: {  	s24 =	rddreg [dreg:$0xe];
	v61, _, _ =	vpop (xrf0);
	(xrf0) =	vadd.scan.msk.s32 $0xffff, v62;
	s21 =	sadd.s32 s1, s21  }
0x70: {  	[tilespmem:s24], [sflag:$0x1] =	stream.strided.gather [hbm4b:s21+s8], $0x800, s10, s8, $0x38;
	[tilespmem:$0x12200] =	vst v63  }
0x71: {  	s22 =	sand.u32 $0xFFFFF80, s20;
	s21 =	spop (v2sf);
	(v2sf) =	vpush v61, $0xF  }
0x72: {  	s25 =	rddreg [dreg:$0xf];
	s22 =	sadd.s32 s1, s22  }
0x73: {  	[tilespmem:s25], [sflag:$0x1] =	stream.strided.gather [hbm4b:s22+s8], $0x800, s10, s8, $0x38;
	[tilespmem:$0x12200] =	vst v63  }
0x74: {  	v36 =	vsel vm4, $0x0, v33;
	v63, _, _ =	vpop (xrf0);
	s23 =	sand.u32 $0xFFFFF80, s21  }
0x75: {  	s26 =	rddreg [dreg:$0x10];
	(xrf0) =	vadd.scan.msk.s32 $0xffff, v36;
	s23 =	sadd.s32 s1, s23;
	s22 =	spop (v2sf);
	(v2sf) =	vpush v63, $0xF  }
0x76: {  	v37, _, _ =	vpop (xrf0);
	[tilespmem:s26], [sflag:$0x1] =	stream.strided.gather [hbm4b:s23+s8], $0x800, s10, s8, $0x38;
	[tilespmem:$0x12200] =	vst v63  }
0x77: {  	v38 =	vsel vm5, $0x0, v33;
	s23 =	spop (v2sf);
	(v2sf) =	vpush v37, $0xF  }
0x78: {  	(xrf0) =	vadd.scan.msk.s32 $0xffff, v38  }
0x79: {  	s24 =	sand.u32 $0xFFFFF80, s22  }
0x7a: {  	s28 =	rddreg [dreg:$0x11];
	s24 =	sadd.s32 s1, s24  }
0x7b: {  	v39, _, _ =	vpop (xrf0);
	[tilespmem:s28], [sflag:$0x1] =	stream.strided.gather [hbm4b:s24+s8], $0x800, s10, s8, $0x38;
	[tilespmem:$0x12200] =	vst v63  }
0x7c: {  	v40 =	vsel vm6, $0x0, v33;
	s24 =	spop (v2sf);
	(v2sf) =	vpush v39, $0xF  }
0x7d: {  	v42 =	vsel vm7, $0x0, v33;
	(xrf0) =	vadd.scan.msk.s32 $0xffff, v40;
	s25 =	sand.u32 $0xFFFFF80, s23  }
0x7e: {  	s29 =	rddreg [dreg:$0x12];
	v41, _, _ =	vpop (xrf0);
	(xrf0) =	vadd.scan.msk.s32 $0xffff, v42;
	s25 =	sadd.s32 s1, s25  }
0x7f: {  	[tilespmem:s29], [sflag:$0x1] =	stream.strided.gather [hbm4b:s25+s8], $0x800, s10, s8, $0x38;
	[tilespmem:$0x12200] =	vst v63  }
0x80: {  	s26 =	sand.u32 $0xFFFFF80, s24;
	s25 =	spop (v2sf);
	(v2sf) =	vpush v41, $0xF  }
0x81: {  	s30 =	rddreg [dreg:$0x13];
	s26 =	sadd.s32 s1, s26  }
0x82: {  	[tilespmem:s30], [sflag:$0x1] =	stream.strided.gather [hbm4b:s26+s8], $0x800, s10, s8, $0x38;
	[tilespmem:$0x12200] =	vst v63  }
0x83: {  	v44 =	vsel vm8, $0x0, v33;
	v43, _, _ =	vpop (xrf0);
	s28 =	sand.u32 $0xFFFFF80, s25  }
0x84: {  	s31 =	rddreg [dreg:$0x14];
	(xrf0) =	vadd.scan.msk.s32 $0xffff, v44;
	s28 =	sadd.s32 s1, s28;
	s26 =	spop (v2sf);
	(v2sf) =	vpush v43, $0xF  }
0x85: {  	v45, _, _ =	vpop (xrf0);
	[tilespmem:s31], [sflag:$0x1] =	stream.strided.gather [hbm4b:s28+s8], $0x800, s10, s8, $0x38;
	[tilespmem:$0x12200] =	vst v63  }
0x86: {  	[smem:$0x7F6] =	sst s0;
	v46 =	vsel vm9, $0x0, v33;
	s29 =	sand.u32 $0xFFFFF80, s26;
	s28 =	spop (v2sf);
	(v2sf) =	vpush v45, $0xF  }
0x87: {  	s0 =	rddreg [dreg:$0x15];
	(xrf0) =	vadd.scan.msk.s32 $0xffff, v46;
	s29 =	sadd.s32 s1, s29;
	s30 =	sand.u32 $0xFFFFF80, s28  }
0x88: {  	[tilespmem:s0], [sflag:$0x1] =	stream.strided.gather [hbm4b:s29+s8], $0x800, s10, s8, $0x38;
	[tilespmem:$0x12200] =	vst v63  }
0x89: {  	s18 =	rddreg [dreg:$0x16];
	s30 =	sadd.s32 s1, s30  }
0x8a: {  	v47, _, _ =	vpop (xrf0);
	[tilespmem:s18], [sflag:$0x1] =	stream.strided.gather [hbm4b:s30+s8], $0x800, s10, s8, $0x38;
	[tilespmem:$0x12200] =	vst v63  }
0x8b: {  	v48 =	vsel vm10, $0x0, v33;
	s30 =	spop (v2sf);
	(v2sf) =	vpush v47, $0xF  }
0x8c: {  	v50 =	vsel vm11, $0x0, v33;
	(xrf0) =	vadd.scan.msk.s32 $0xffff, v48;
	s31 =	rddreg [dreg:$0x17];
	s18 =	sand.u32 $0xFFFFF80, s30  }
0x8d: {  	v49, _, _ =	vpop (xrf0);
	(xrf0) =	vadd.scan.msk.s32 $0xffff, v50;
	[smem:$0x7ED] =	sst s30;
	s30 =	sadd.s32 s1, s18  }
0x8e: {  	[tilespmem:s31], [sflag:$0x1] =	stream.strided.gather [hbm4b:s30+s8], $0x800, s10, s8, $0x38;
	[tilespmem:$0x12200] =	vst v63  }
0x8f: {  	s30 =	spop (v2sf);
	(v2sf) =	vpush v49, $0xF  }
0x90: {  	s18 =	sand.u32 $0xFFFFF80, s30  }
0x91: {  	s31 =	rddreg [dreg:$0x18];
	s0 =	sadd.s32 s1, s18  }
0x92: {  	v52 =	vsel vm12, $0x0, v33;
	v51, _, _ =	vpop (xrf0);
	[tilespmem:s31], [sflag:$0x1] =	stream.strided.gather [hbm4b:s0+s8], $0x800, s10, s8, $0x38;
	[tilespmem:$0x12200] =	vst v63  }
0x93: {  	(xrf0) =	vadd.scan.msk.s32 $0xffff, v52;
	s29 =	spop (v2sf);
	(v2sf) =	vpush v51, $0xF  }
0x94: {  	v53, _, _ =	vpop (xrf0);
	s18 =	sand.u32 $0xFFFFF80, s29  }
0x95: {  	s31 =	rddreg [dreg:$0x19];
	s0 =	spop (v2sf);
	(v2sf) =	vpush v53, $0xF;
	s18 =	sadd.s32 s1, s18  }
0x96: {  	v54 =	vsel vm13, $0x0, v33;
	[tilespmem:s31], [sflag:$0x1] =	stream.strided.gather [hbm4b:s18+s8], $0x800, s10, s8, $0x38;
	[tilespmem:$0x12200] =	vst v63  }
0x97: {  	(xrf0) =	vadd.scan.msk.s32 $0xffff, v54;
	s18 =	sand.u32 $0xFFFFF80, s0  }
0x98: {  	s31 =	rddreg [dreg:$0x1a];
	s18 =	sadd.s32 s1, s18  }
0x99: {  	v55, _, _ =	vpop (xrf0);
	[tilespmem:s31], [sflag:$0x1] =	stream.strided.gather [hbm4b:s18+s8], $0x800, s10, s8, $0x38;
	[tilespmem:$0x12200] =	vst v63  }
0x9a: {  	v56 =	vsel vm14, $0x0, v33;
	[smem:$0x7EE] =	sst s0;
	s0 =	spop (v2sf);
	(v2sf) =	vpush v55, $0xF  }
0x9b: {  	(xrf0) =	vadd.scan.msk.s32 $0xffff, v56;
	s18 =	sand.u32 $0xFFFFF80, s0  }
0x9c: {  	s31 =	rddreg [dreg:$0x1b];
	s18 =	sadd.s32 s1, s18  }
0x9d: {  	v57, _, _ =	vpop (xrf0);
	[tilespmem:s31], [sflag:$0x1] =	stream.strided.gather [hbm4b:s18+s8], $0x800, s10, s8, $0x38;
	[tilespmem:$0x12200] =	vst v63  }
0x9e: {  	v33 =	vsel vm15, $0x0, v33;
	[smem:$0x7EF] =	sst s0;
	s0 =	spop (v2sf);
	(v2sf) =	vpush v57, $0xF  }
0x9f: {  	(xrf0) =	vadd.scan.msk.s32 $0xffff, v33;
	s18 =	sand.u32 $0xFFFFF80, s0  }
0xa0: {  	s31 =	rddreg [dreg:$0x1c];
	s18 =	sadd.s32 s1, s18  }
0xa1: {  	v58, _, _ =	vpop (xrf0);
	[tilespmem:s31], [sflag:$0x1] =	stream.strided.gather [hbm4b:s18+s8], $0x800, s10, s8, $0x38;
	[tilespmem:$0x12200] =	vst v63  }
0xa2: {  	[smem:$0x7F0] =	sst s0;
	s0 =	spop (v2sf);
	(v2sf) =	vpush v58, $0xF  }
0xa3: {  	s31 =	rddreg [dreg:$0x1d];
	s18 =	sand.u32 $0xFFFFF80, s0  }
0xa4: {  	[smem:$0x7F1] =	sst s0;
	s0 =	spop (v2sf);
	s18 =	sadd.s32 s1, s18  }
0xa5: {  	v59, _, _ =	vpop (xrf0);
	[tilespmem:s31], [sflag:$0x1] =	stream.strided.gather [hbm4b:s18+s8], $0x800, s10, s8, $0x38;
	[tilespmem:$0x12200] =	vst v63  }
0xa6: {  	(v2sf) =	vpush v59, $0xF;
	s18 =	sand.u32 $0xFFFFF80, s0  }
0xa7: {  	s31 =	rddreg [dreg:$0x1e];
	s18 =	sadd.s32 s1, s18  }
0xa8: {  	[tilespmem:s31], [sflag:$0x1] =	stream.strided.gather [hbm4b:s18+s8], $0x800, s10, s8, $0x38;
	[tilespmem:$0x12200] =	vst v63  }
0xa9: {  	[smem:$0x7F2] =	sst s0;
	s0 =	spop (v2sf)  }
0xaa: {  	s31 =	rddreg [dreg:$0x1f];
	s18 =	sand.u32 $0xFFFFF80, s0  }
0xab: {  	[smem:$0x7F3] =	sst s0;
	s18 =	sadd.s32 s1, s18  }
0xac: {  	[tilespmem:s31], [sflag:$0x1] =	stream.strided.gather [hbm4b:s18+s8], $0x800, s10, s8, $0x38;
	[tilespmem:$0x12200] =	vst v63  }
0xad: {  	s0 =	spop (v2sf);
	s31 =	sld [smem:$0x7FB]  }
0xae: {  	s18 =	sand.u32 $0xFFFFF80, s0  }
0xaf: {  	[smem:$0x7F4] =	sst s0;
	s18 =	sadd.s32 s1, s18  }
0xb0: {  	[tilespmem:s31], [sflag:$0x1] =	stream.strided.gather [hbm4b:s18+s8], $0x800, s10, s8, $0x38;
	[tilespmem:$0x12200] =	vst v63  }
0xb1: {  	s0 =	spop (v2sf);
	s31 =	sld [smem:$0x7FC]  }
0xb2: {  	s18 =	sand.u32 $0xFFFFF80, s0  }
0xb3: {  	[smem:$0x7F5] =	sst s0;
	s18 =	sadd.s32 s1, s18  }
0xb4: {  	[tilespmem:s31], [sflag:$0x1] =	stream.strided.gather [hbm4b:s18+s8], $0x800, s10, s8, $0x38;
	[tilespmem:$0x12200] =	vst v63  }
0xb5: {  	s0 =	sld [smem:$0x7FD];
	s31 =	spop (v2sf)  }
0xb6: {  	s18 =	sand.u32 $0xFFFFF80, s31  }
0xb7: {  	s18 =	sadd.s32 s1, s18  }
0xb8: {  	[tilespmem:s0], [sflag:$0x1] =	stream.strided.gather [hbm4b:s18+s8], $0x800, s10, s8, $0x38;
	[tilespmem:$0x12200] =	vst v63  }
0xb9: {  	_ =	swait.ge [sflag:s12], $0x800  }
0xba: {  	[sflag:s12] =	ssyncset.done $0x0  }
0xbb: {  	[sflag:s12] =	ssyncadd.s32 $0xFFFFF800  }
0xbc: {  	_ =	swait.ge [sflag:s12], $0x800  }
0xbd: {  	[sflag:s12] =	ssyncset.done $0x0  }
0xbe: {  	[sflag:s12] =	ssyncadd.s32 $0xFFFFF800  }
0xbf: {  	_ =	swait.ge [sflag:s12], $0x800  }
0xc0: {  	[sflag:s12] =	ssyncset.done $0x0  }
0xc1: {  	[sflag:s12] =	ssyncadd.s32 $0xFFFFF800  }
0xc2: {  	_ =	swait.ge [sflag:s12], $0x800  }
0xc3: {  	[sflag:s12] =	ssyncset.done $0x0  }
0xc4: {  	[sflag:s12] =	ssyncadd.s32 $0xFFFFF800  }
0xc5: {  	_ =	swait.ge [sflag:s12], $0x800  }
0xc6: {  	[sflag:s12] =	ssyncset.done $0x0  }
0xc7: {  	[sflag:s12] =	ssyncadd.s32 $0xFFFFF800  }
0xc8: {  	_ =	swait.ge [sflag:s12], $0x800  }
0xc9: {  	[sflag:s12] =	ssyncset.done $0x0  }
0xca: {  	[sflag:s12] =	ssyncadd.s32 $0xFFFFF800  }
0xcb: {  	_ =	swait.ge [sflag:s12], $0x800  }
0xcc: {  	[sflag:s12] =	ssyncset.done $0x0  }
0xcd: {  	[sflag:s12] =	ssyncadd.s32 $0xFFFFF800  }
0xce: {  	_ =	swait.ge [sflag:s12], $0x800  }
0xcf: {  	[sflag:s12] =	ssyncset.done $0x0  }
0xd0: {  	[sflag:s12] =	ssyncadd.s32 $0xFFFFF800  }
0xd1: {  	_ =	swait.ge [sflag:s12], $0x800  }
0xd2: {  	[sflag:s12] =	ssyncset.done $0x0  }
0xd3: {  	[sflag:s12] =	ssyncadd.s32 $0xFFFFF800  }
0xd4: {  	_ =	swait.ge [sflag:s12], $0x800  }
0xd5: {  	[sflag:s12] =	ssyncset.done $0x0  }
0xd6: {  	[sflag:s12] =	ssyncadd.s32 $0xFFFFF800  }
0xd7: {  	_ =	swait.ge [sflag:s12], $0x800  }
0xd8: {  	[sflag:s12] =	ssyncset.done $0x0  }
0xd9: {  	[sflag:s12] =	ssyncadd.s32 $0xFFFFF800  }
0xda: {  	_ =	swait.ge [sflag:s12], $0x800  }
0xdb: {  	[sflag:s12] =	ssyncset.done $0x0  }
0xdc: {  	[sflag:s12] =	ssyncadd.s32 $0xFFFFF800  }
0xdd: {  	_ =	swait.ge [sflag:s12], $0x800  }
0xde: {  	[sflag:s12] =	ssyncset.done $0x0  }
0xdf: {  	[sflag:s12] =	ssyncadd.s32 $0xFFFFF800  }
0xe0: {  	_ =	swait.ge [sflag:s12], $0x800  }
0xe1: {  	[sflag:s12] =	ssyncset.done $0x0  }
0xe2: {  	[sflag:s12] =	ssyncadd.s32 $0xFFFFF800  }
0xe3: {  	_ =	swait.ge [sflag:s12], $0x800  }
0xe4: {  	[sflag:s12] =	ssyncset.done $0x0  }
0xe5: {  	[sflag:s12] =	ssyncadd.s32 $0xFFFFF800  }
0xe6: {  	_ =	swait.ge [sflag:s12], $0x800  }
0xe7: {  	[sflag:s12] =	ssyncset.done $0x0  }
0xe8: {  	[sflag:s12] =	ssyncadd.s32 $0xFFFFF800  }
0xe9: {  	_ =	swait.ge [sflag:s12], $0x800  }
0xea: {  	[sflag:s12] =	ssyncset.done $0x0  }
0xeb: {  	[sflag:s12] =	ssyncadd.s32 $0xFFFFF800  }
0xec: {  	_ =	swait.ge [sflag:s12], $0x800  }
0xed: {  	[sflag:s12] =	ssyncset.done $0x0  }
0xee: {  	[sflag:s12] =	ssyncadd.s32 $0xFFFFF800  }
0xef: {  	_ =	swait.ge [sflag:s12], $0x800  }
0xf0: {  	[sflag:s12] =	ssyncset.done $0x0  }
0xf1: {  	[sflag:s12] =	ssyncadd.s32 $0xFFFFF800  }
0xf2: {  	_ =	swait.ge [sflag:s12], $0x800  }
0xf3: {  	[sflag:s12] =	ssyncset.done $0x0  }
0xf4: {  	[sflag:s12] =	ssyncadd.s32 $0xFFFFF800  }
0xf5: {  	_ =	swait.ge [sflag:s12], $0x800  }
0xf6: {  	[sflag:s12] =	ssyncset.done $0x0  }
0xf7: {  	[sflag:s12] =	ssyncadd.s32 $0xFFFFF800  }
0xf8: {  	_ =	swait.ge [sflag:s12], $0x800  }
0xf9: {  	[sflag:s12] =	ssyncset.done $0x0  }
0xfa: {  	[sflag:s12] =	ssyncadd.s32 $0xFFFFF800  }
0xfb: {  	_ =	swait.ge [sflag:s12], $0x800  }
0xfc: {  	[sflag:s12] =	ssyncset.done $0x0  }
0xfd: {  	[sflag:s12] =	ssyncadd.s32 $0xFFFFF800  }
0xfe: {  	_ =	swait.ge [sflag:s12], $0x800  }
0xff: {  	[sflag:s12] =	ssyncset.done $0x0  }
0x100: {  	[sflag:s12] =	ssyncadd.s32 $0xFFFFF800  }
0x101: {  	_ =	swait.ge [sflag:s12], $0x800  }
0x102: {  	[sflag:s12] =	ssyncset.done $0x0  }
0x103: {  	[sflag:s12] =	ssyncadd.s32 $0xFFFFF800  }
0x104: {  	_ =	swait.ge [sflag:s12], $0x800  }
0x105: {  	[sflag:s12] =	ssyncset.done $0x0  }
0x106: {  	[sflag:s12] =	ssyncadd.s32 $0xFFFFF800  }
0x107: {  	_ =	swait.ge [sflag:s12], $0x800  }
0x108: {  	[sflag:s12] =	ssyncset.done $0x0  }
0x109: {  	[sflag:s12] =	ssyncadd.s32 $0xFFFFF800  }
0x10a: {  	_ =	swait.ge [sflag:s12], $0x800  }
0x10b: {  	[sflag:s12] =	ssyncset.done $0x0  }
0x10c: {  	[sflag:s12] =	ssyncadd.s32 $0xFFFFF800  }
0x10d: {  	_ =	swait.ge [sflag:s12], $0x800  }
0x10e: {  	[sflag:s12] =	ssyncset.done $0x0  }
0x10f: {  	[sflag:s12] =	ssyncadd.s32 $0xFFFFF800  }
0x110: {  	_ =	swait.ge [sflag:s12], $0x800  }
0x111: {  	[sflag:s12] =	ssyncset.done $0x0  }
0x112: {  	[sflag:s12] =	ssyncadd.s32 $0xFFFFF800  }
0x113: {  	_ =	swait.ge [sflag:s12], $0x800  }
0x114: {  	s18 =	sld [smem:$0x7EC];
	_ =	sdelay $0x2  }
0x115: {  	s0 =	sand.u32 $0x7F, s18  }
0x116: {  	[sflag:s12] =	ssyncset.done $0x0;
	s18 =	sadd.s32 $0xFFFFFFE1, s17;
	v60 =	vor.u32 s0, v0  }
0x117: {  	[sflag:s12] =	ssyncadd.s32 $0xFFFFF800;
	v61 =	vmov s18  }
0x118: {  	_ =	swait.ge [sflag:s12], $0x800;
	v62 =	vshll.u32 v61, $0x3  }
0x119: {  	[sflag:s12] =	ssyncset.done $0x0;
	v34 =	vand.u32 $0x60, v61;
	v35 =	vand.u32 $0xC00, v62  }
0x11a: {  	[sflag:s12] =	ssyncadd.s32 $0xFFFFF800;
	v34 =	vor.u32 v35, v34  }
0x11b: {  	s18 =	sand.u32 $0x7F, s2;
	v34 =	vor.u32 v1, v34;
	v33 =	vld.idx.msk [tilespmem:v60+s11+$0x0], $0xffff  }
0x11c: {  	s2 =	sadd.s32 $0xFFFFFFE2, s17;
	v63 =	vor.u32 s18, v2  }
0x11d: {  	v36 =	vmov s2  }
0x11e: {  	v37 =	vshll.u32 v36, $0x3  }
0x11f: {  	v36 =	vand.u32 $0x61, v36;
	v37 =	vand.u32 $0xC00, v37  }
0x120: {  	v40 =	vor.u32 v37, v36;
	[tilespmem:v34+s13+$0x0] =	vst.idx.msk $0xffff, v33  }
0x121: {  	s3 =	sand.u32 $0x7F, s3;
	v33 =	vor.u32 v1, v40;
	v34 =	vld.idx.msk [tilespmem:v63+s11+$0x0], $0xffff  }
0x122: {  	v41 =	vor.u32 s3, v3;
	s18 =	sadd.s32 $0xFFFFFFE3, s17  }
0x123: {  	v42 =	vmov s18  }
0x124: {  	v43 =	vshll.u32 v42, $0x3  }
0x125: {  	v36 =	vand.u32 $0x62, v42;
	v37 =	vand.u32 $0xC00, v43  }
0x126: {  	v44 =	vor.u32 v37, v36;
	[tilespmem:v33+s13+$0x0] =	vst.idx.msk $0xffff, v34  }
0x127: {  	s2 =	sand.u32 $0x7F, s4;
	v33 =	vor.u32 v1, v44;
	v34 =	vld.idx.msk [tilespmem:v41+s11+$0x0], $0xffff  }
0x128: {  	s3 =	sadd.s32 $0xFFFFFFE4, s17;
	v45 =	vor.u32 s2, v4  }
0x129: {  	v46 =	vmov s3  }
0x12a: {  	v47 =	vshll.u32 v46, $0x3  }
0x12b: {  	v36 =	vand.u32 $0x63, v46;
	v37 =	vand.u32 $0xC00, v47  }
0x12c: {  	v48 =	vor.u32 v37, v36;
	[tilespmem:v33+s13+$0x0] =	vst.idx.msk $0xffff, v34  }
0x12d: {  	s4 =	sand.u32 $0x7F, s5;
	v33 =	vor.u32 v1, v48;
	v34 =	vld.idx.msk [tilespmem:v45+s11+$0x0], $0xffff  }
0x12e: {  	s5 =	sadd.s32 $0xFFFFFFE5, s17;
	v49 =	vor.u32 s4, v5  }
0x12f: {  	v50 =	vmov s5  }
0x130: {  	v51 =	vshll.u32 v50, $0x3  }
0x131: {  	v36 =	vand.u32 $0x64, v50;
	v37 =	vand.u32 $0xC00, v51  }
0x132: {  	v52 =	vor.u32 v37, v36;
	[tilespmem:v33+s13+$0x0] =	vst.idx.msk $0xffff, v34  }
0x133: {  	s18 =	sand.u32 $0x7F, s6;
	v33 =	vor.u32 v1, v52;
	v34 =	vld.idx.msk [tilespmem:v49+s11+$0x0], $0xffff  }
0x134: {  	s2 =	sadd.s32 $0xFFFFFFE6, s17;
	v53 =	vor.u32 s18, v6  }
0x135: {  	v54 =	vmov s2  }
0x136: {  	v55 =	vshll.u32 v54, $0x3  }
0x137: {  	v36 =	vand.u32 $0x65, v54;
	v37 =	vand.u32 $0xC00, v55  }
0x138: {  	v56 =	vor.u32 v37, v36;
	[tilespmem:v33+s13+$0x0] =	vst.idx.msk $0xffff, v34  }
0x139: {  	s3 =	sand.u32 $0x7F, s7;
	v33 =	vor.u32 v1, v56;
	v34 =	vld.idx.msk [tilespmem:v53+s11+$0x0], $0xffff  }
0x13a: {  	v57 =	vor.u32 s3, v7;
	s4 =	sadd.s32 $0xFFFFFFE7, s17  }
0x13b: {  	v58 =	vmov s4  }
0x13c: {  	v59 =	vshll.u32 v58, $0x3  }
0x13d: {  	v36 =	vand.u32 $0x66, v58;
	v37 =	vand.u32 $0xC00, v59  }
0x13e: {  	v60 =	vor.u32 v37, v36;
	[tilespmem:v33+s13+$0x0] =	vst.idx.msk $0xffff, v34  }
0x13f: {  	s5 =	sand.u32 $0x7F, s9;
	v33 =	vor.u32 v1, v60;
	v34 =	vld.idx.msk [tilespmem:v57+s11+$0x0], $0xffff  }
0x140: {  	s6 =	sadd.s32 $0xFFFFFFE8, s17;
	v61 =	vor.u32 s5, v8  }
0x141: {  	v62 =	vmov s6  }
0x142: {  	v63 =	vshll.u32 v62, $0x3  }
0x143: {  	v36 =	vand.u32 $0x67, v62;
	v37 =	vand.u32 $0xC00, v63  }
0x144: {  	v40 =	vor.u32 v37, v36;
	[tilespmem:v33+s13+$0x0] =	vst.idx.msk $0xffff, v34  }
0x145: {  	s7 =	sand.u32 $0x7F, s14;
	v33 =	vor.u32 v1, v40;
	v34 =	vld.idx.msk [tilespmem:v61+s11+$0x0], $0xffff  }
0x146: {  	s9 =	sadd.s32 $0xFFFFFFE9, s17;
	v41 =	vor.u32 s7, v9  }
0x147: {  	v42 =	vmov s9  }
0x148: {  	v43 =	vshll.u32 v42, $0x3  }
0x149: {  	v36 =	vand.u32 $0x68, v42;
	v37 =	vand.u32 $0xC00, v43  }
0x14a: {  	v44 =	vor.u32 v37, v36;
	[tilespmem:v33+s13+$0x0] =	vst.idx.msk $0xffff, v34  }
0x14b: {  	s14 =	sand.u32 $0x7F, s16;
	v33 =	vor.u32 v1, v44;
	v34 =	vld.idx.msk [tilespmem:v41+s11+$0x0], $0xffff  }
0x14c: {  	s16 =	sadd.s32 $0xFFFFFFEA, s17;
	v45 =	vor.u32 s14, v10  }
0x14d: {  	v46 =	vmov s16  }
0x14e: {  	v47 =	vshll.u32 v46, $0x3  }
0x14f: {  	v36 =	vand.u32 $0x69, v46;
	v37 =	vand.u32 $0xC00, v47  }
0x150: {  	v48 =	vor.u32 v37, v36;
	[tilespmem:v33+s13+$0x0] =	vst.idx.msk $0xffff, v34  }
0x151: {  	s18 =	sand.u32 $0x7F, s15;
	v33 =	vor.u32 v1, v48;
	v34 =	vld.idx.msk [tilespmem:v45+s11+$0x0], $0xffff  }
0x152: {  	s2 =	sadd.s32 $0xFFFFFFEB, s17;
	v49 =	vor.u32 s18, v11  }
0x153: {  	v50 =	vmov s2  }
0x154: {  	v51 =	vshll.u32 v50, $0x3  }
0x155: {  	v36 =	vand.u32 $0x6A, v50;
	v37 =	vand.u32 $0xC00, v51  }
0x156: {  	v52 =	vor.u32 v37, v36;
	[tilespmem:v33+s13+$0x0] =	vst.idx.msk $0xffff, v34  }
0x157: {  	s3 =	sand.u32 $0x7F, s19;
	v33 =	vor.u32 v1, v52;
	v34 =	vld.idx.msk [tilespmem:v49+s11+$0x0], $0xffff  }
0x158: {  	s4 =	sadd.s32 $0xFFFFFFEC, s17;
	v53 =	vor.u32 s3, v12  }
0x159: {  	v54 =	vmov s4  }
0x15a: {  	v55 =	vshll.u32 v54, $0x3  }
0x15b: {  	v36 =	vand.u32 $0x6B, v54;
	v37 =	vand.u32 $0xC00, v55  }
0x15c: {  	v56 =	vor.u32 v37, v36;
	[tilespmem:v33+s13+$0x0] =	vst.idx.msk $0xffff, v34  }
0x15d: {  	s5 =	sand.u32 $0x7F, s20;
	v33 =	vor.u32 v1, v56;
	v34 =	vld.idx.msk [tilespmem:v53+s11+$0x0], $0xffff  }
0x15e: {  	s6 =	sadd.s32 $0xFFFFFFED, s17;
	v57 =	vor.u32 s5, v13  }
0x15f: {  	v58 =	vmov s6  }
0x160: {  	v59 =	vshll.u32 v58, $0x3  }
0x161: {  	v36 =	vand.u32 $0x6C, v58;
	v37 =	vand.u32 $0xC00, v59  }
0x162: {  	v60 =	vor.u32 v37, v36;
	[tilespmem:v33+s13+$0x0] =	vst.idx.msk $0xffff, v34  }
0x163: {  	s7 =	sand.u32 $0x7F, s21;
	v33 =	vor.u32 v1, v60;
	v34 =	vld.idx.msk [tilespmem:v57+s11+$0x0], $0xffff  }
0x164: {  	s9 =	sadd.s32 $0xFFFFFFEE, s17;
	v61 =	vor.u32 s7, v14  }
0x165: {  	v62 =	vmov s9  }
0x166: {  	v63 =	vshll.u32 v62, $0x3  }
0x167: {  	v36 =	vand.u32 $0x6D, v62;
	v37 =	vand.u32 $0xC00, v63  }
0x168: {  	v40 =	vor.u32 v37, v36;
	[tilespmem:v33+s13+$0x0] =	vst.idx.msk $0xffff, v34  }
0x169: {  	s14 =	sand.u32 $0x7F, s22;
	v33 =	vor.u32 v1, v40;
	v34 =	vld.idx.msk [tilespmem:v61+s11+$0x0], $0xffff  }
0x16a: {  	s15 =	sadd.s32 $0xFFFFFFEF, s17;
	v41 =	vor.u32 s14, v15  }
0x16b: {  	v42 =	vmov s15  }
0x16c: {  	v43 =	vshll.u32 v42, $0x3  }
0x16d: {  	v36 =	vand.u32 $0x6E, v42;
	v37 =	vand.u32 $0xC00, v43  }
0x16e: {  	v44 =	vor.u32 v37, v36;
	[tilespmem:v33+s13+$0x0] =	vst.idx.msk $0xffff, v34  }
0x16f: {  	s16 =	sand.u32 $0x7F, s23;
	v33 =	vor.u32 v1, v44;
	v34 =	vld.idx.msk [tilespmem:v41+s11+$0x0], $0xffff  }
0x170: {  	s18 =	sadd.s32 $0xFFFFFFF0, s17;
	v45 =	vor.u32 s16, v16  }
0x171: {  	v46 =	vmov s18  }
0x172: {  	v47 =	vshll.u32 v46, $0x3  }
0x173: {  	v36 =	vand.u32 $0x6F, v46;
	v37 =	vand.u32 $0xC00, v47  }
0x174: {  	v48 =	vor.u32 v37, v36;
	[tilespmem:v33+s13+$0x0] =	vst.idx.msk $0xffff, v34  }
0x175: {  	s19 =	sand.u32 $0x7F, s24;
	v33 =	vor.u32 v1, v48;
	v34 =	vld.idx.msk [tilespmem:v45+s11+$0x0], $0xffff  }
0x176: {  	s20 =	sadd.s32 $0xFFFFFFF1, s17;
	v49 =	vor.u32 s19, v17  }
0x177: {  	v50 =	vmov s20  }
0x178: {  	v51 =	vshll.u32 v50, $0x3  }
0x179: {  	v36 =	vand.u32 $0x70, v50;
	v37 =	vand.u32 $0xC00, v51  }
0x17a: {  	v52 =	vor.u32 v37, v36;
	[tilespmem:v33+s13+$0x0] =	vst.idx.msk $0xffff, v34  }
0x17b: {  	s21 =	sand.u32 $0x7F, s25;
	v33 =	vor.u32 v1, v52;
	v34 =	vld.idx.msk [tilespmem:v49+s11+$0x0], $0xffff  }
0x17c: {  	s22 =	sadd.s32 $0xFFFFFFF2, s17;
	v53 =	vor.u32 s21, v18  }
0x17d: {  	v54 =	vmov s22  }
0x17e: {  	v55 =	vshll.u32 v54, $0x3  }
0x17f: {  	v36 =	vand.u32 $0x71, v54;
	v37 =	vand.u32 $0xC00, v55  }
0x180: {  	v56 =	vor.u32 v37, v36;
	[tilespmem:v33+s13+$0x0] =	vst.idx.msk $0xffff, v34  }
0x181: {  	s23 =	sand.u32 $0x7F, s26;
	v33 =	vor.u32 v1, v56;
	v34 =	vld.idx.msk [tilespmem:v53+s11+$0x0], $0xffff  }
0x182: {  	s24 =	sadd.s32 $0xFFFFFFF3, s17;
	v57 =	vor.u32 s23, v19  }
0x183: {  	v58 =	vmov s24  }
0x184: {  	v59 =	vshll.u32 v58, $0x3  }
0x185: {  	v36 =	vand.u32 $0x72, v58;
	v37 =	vand.u32 $0xC00, v59  }
0x186: {  	v60 =	vor.u32 v37, v36;
	[tilespmem:v33+s13+$0x0] =	vst.idx.msk $0xffff, v34  }
0x187: {  	s25 =	sand.u32 $0x7F, s28;
	v33 =	vor.u32 v1, v60;
	v34 =	vld.idx.msk [tilespmem:v57+s11+$0x0], $0xffff  }
0x188: {  	s26 =	sadd.s32 $0xFFFFFFF4, s17;
	v61 =	vor.u32 s25, v20  }
0x189: {  	v62 =	vmov s26  }
0x18a: {  	s28 =	sld [smem:$0x7ED];
	v63 =	vshll.u32 v62, $0x3  }
0x18b: {  	v36 =	vand.u32 $0x73, v62;
	v37 =	vand.u32 $0xC00, v63  }
0x18c: {  	v40 =	vor.u32 v37, v36;
	[tilespmem:v33+s13+$0x0] =	vst.idx.msk $0xffff, v34  }
0x18d: {  	s0 =	sand.u32 $0x7F, s28;
	v33 =	vor.u32 v1, v40;
	v34 =	vld.idx.msk [tilespmem:v61+s11+$0x0], $0xffff  }
0x18e: {  	s2 =	sadd.s32 $0xFFFFFFF5, s17;
	v41 =	vor.u32 s0, v21  }
0x18f: {  	v42 =	vmov s2  }
0x190: {  	v43 =	vshll.u32 v42, $0x3  }
0x191: {  	v36 =	vand.u32 $0x74, v42;
	v37 =	vand.u32 $0xC00, v43  }
0x192: {  	v44 =	vor.u32 v37, v36;
	[tilespmem:v33+s13+$0x0] =	vst.idx.msk $0xffff, v34  }
0x193: {  	s3 =	sand.u32 $0x7F, s30;
	v33 =	vor.u32 v1, v44;
	v34 =	vld.idx.msk [tilespmem:v41+s11+$0x0], $0xffff  }
0x194: {  	s4 =	sadd.s32 $0xFFFFFFF6, s17;
	v45 =	vor.u32 s3, v22  }
0x195: {  	v46 =	vmov s4  }
0x196: {  	v47 =	vshll.u32 v46, $0x3  }
0x197: {  	v36 =	vand.u32 $0x75, v46;
	v37 =	vand.u32 $0xC00, v47  }
0x198: {  	v48 =	vor.u32 v37, v36;
	[tilespmem:v33+s13+$0x0] =	vst.idx.msk $0xffff, v34  }
0x199: {  	s5 =	sand.u32 $0x7F, s29;
	v33 =	vor.u32 v1, v48;
	v34 =	vld.idx.msk [tilespmem:v45+s11+$0x0], $0xffff  }
0x19a: {  	s6 =	sadd.s32 $0xFFFFFFF7, s17;
	v49 =	vor.u32 s5, v23  }
0x19b: {  	v50 =	vmov s6  }
0x19c: {  	s7 =	sld [smem:$0x7EE];
	v51 =	vshll.u32 v50, $0x3  }
0x19d: {  	v36 =	vand.u32 $0x76, v50;
	v37 =	vand.u32 $0xC00, v51  }
0x19e: {  	v52 =	vor.u32 v37, v36;
	[tilespmem:v33+s13+$0x0] =	vst.idx.msk $0xffff, v34  }
0x19f: {  	s0 =	sand.u32 $0x7F, s7;
	v33 =	vor.u32 v1, v52;
	v34 =	vld.idx.msk [tilespmem:v49+s11+$0x0], $0xffff  }
0x1a0: {  	s9 =	sadd.s32 $0xFFFFFFF8, s17;
	v53 =	vor.u32 s0, v24  }
0x1a1: {  	v54 =	vmov s9  }
0x1a2: {  	s14 =	sld [smem:$0x7EF];
	v55 =	vshll.u32 v54, $0x3  }
0x1a3: {  	v36 =	vand.u32 $0x77, v54;
	v37 =	vand.u32 $0xC00, v55  }
0x1a4: {  	v56 =	vor.u32 v37, v36;
	[tilespmem:v33+s13+$0x0] =	vst.idx.msk $0xffff, v34  }
0x1a5: {  	s0 =	sand.u32 $0x7F, s14;
	v33 =	vor.u32 v1, v56;
	v34 =	vld.idx.msk [tilespmem:v53+s11+$0x0], $0xffff  }
0x1a6: {  	s15 =	sadd.s32 $0xFFFFFFF9, s17;
	v57 =	vor.u32 s0, v25  }
0x1a7: {  	v58 =	vmov s15  }
0x1a8: {  	s16 =	sld [smem:$0x7F0];
	v59 =	vshll.u32 v58, $0x3  }
0x1a9: {  	v36 =	vand.u32 $0x78, v58;
	v37 =	vand.u32 $0xC00, v59  }
0x1aa: {  	v60 =	vor.u32 v37, v36;
	[tilespmem:v33+s13+$0x0] =	vst.idx.msk $0xffff, v34  }
0x1ab: {  	s0 =	sand.u32 $0x7F, s16;
	v33 =	vor.u32 v1, v60;
	v34 =	vld.idx.msk [tilespmem:v57+s11+$0x0], $0xffff  }
0x1ac: {  	s18 =	sadd.s32 $0xFFFFFFFA, s17;
	v61 =	vor.u32 s0, v26  }
0x1ad: {  	v62 =	vmov s18  }
0x1ae: {  	s19 =	sld [smem:$0x7F1];
	v63 =	vshll.u32 v62, $0x3  }
0x1af: {  	v36 =	vand.u32 $0x79, v62;
	v37 =	vand.u32 $0xC00, v63  }
0x1b0: {  	v39 =	vor.u32 v37, v36;
	[tilespmem:v33+s13+$0x0] =	vst.idx.msk $0xffff, v34  }
0x1b1: {  	s0 =	sand.u32 $0x7F, s19;
	v33 =	vor.u32 v1, v39;
	v34 =	vld.idx.msk [tilespmem:v61+s11+$0x0], $0xffff  }
0x1b2: {  	s20 =	sadd.s32 $0xFFFFFFFB, s17;
	v40 =	vor.u32 s0, v27  }
0x1b3: {  	v41 =	vmov s20  }
0x1b4: {  	s21 =	sld [smem:$0x7F2];
	v42 =	vshll.u32 v41, $0x3  }
0x1b5: {  	v36 =	vand.u32 $0x7A, v41;
	v37 =	vand.u32 $0xC00, v42  }
0x1b6: {  	v43 =	vor.u32 v37, v36;
	[tilespmem:v33+s13+$0x0] =	vst.idx.msk $0xffff, v34  }
0x1b7: {  	s0 =	sand.u32 $0x7F, s21;
	v33 =	vor.u32 v1, v43;
	v34 =	vld.idx.msk [tilespmem:v40+s11+$0x0], $0xffff  }
0x1b8: {  	s22 =	sadd.s32 $0xFFFFFFFC, s17;
	v44 =	vor.u32 s0, v28  }
0x1b9: {  	v45 =	vmov s22  }
0x1ba: {  	s23 =	sld [smem:$0x7F3];
	v46 =	vshll.u32 v45, $0x3  }
0x1bb: {  	v36 =	vand.u32 $0x7B, v45;
	v37 =	vand.u32 $0xC00, v46  }
0x1bc: {  	v47 =	vor.u32 v37, v36;
	[tilespmem:v33+s13+$0x0] =	vst.idx.msk $0xffff, v34  }
0x1bd: {  	s0 =	sand.u32 $0x7F, s23;
	v33 =	vor.u32 v1, v47;
	v34 =	vld.idx.msk [tilespmem:v44+s11+$0x0], $0xffff  }
0x1be: {  	s24 =	sadd.s32 $0xFFFFFFFD, s17;
	v48 =	vor.u32 s0, v29  }
0x1bf: {  	v49 =	vmov s24  }
0x1c0: {  	s25 =	sld [smem:$0x7F4];
	v50 =	vshll.u32 v49, $0x3  }
0x1c1: {  	v36 =	vand.u32 $0x7C, v49;
	v37 =	vand.u32 $0xC00, v50  }
0x1c2: {  	v51 =	vor.u32 v37, v36;
	[tilespmem:v33+s13+$0x0] =	vst.idx.msk $0xffff, v34  }
0x1c3: {  	s0 =	sand.u32 $0x7F, s25;
	v33 =	vor.u32 v1, v51;
	v34 =	vld.idx.msk [tilespmem:v48+s11+$0x0], $0xffff  }
0x1c4: {  	s26 =	sadd.s32 $0xFFFFFFFE, s17;
	v52 =	vor.u32 s0, v30  }
0x1c5: {  	v53 =	vmov s26  }
0x1c6: {  	s28 =	sld [smem:$0x7F5];
	v54 =	vshll.u32 v53, $0x3  }
0x1c7: {  	v36 =	vand.u32 $0x7D, v53;
	v37 =	vand.u32 $0xC00, v54  }
0x1c8: {  	v55 =	vor.u32 v37, v36;
	[tilespmem:v33+s13+$0x0] =	vst.idx.msk $0xffff, v34  }
0x1c9: {  	s0 =	sand.u32 $0x7F, s28;
	v33 =	vor.u32 v1, v55;
	v34 =	vld.idx.msk [tilespmem:v52+s11+$0x0], $0xffff  }
0x1ca: {  	s29 =	sadd.s32 $0xFFFFFFFF, s17;
	v56 =	vor.u32 s0, v31  }
0x1cb: {  	v57 =	vmov s29  }
0x1cc: {  	v58 =	vshll.u32 v57, $0x3  }
0x1cd: {  	v36 =	vand.u32 $0x7E, v57;
	v37 =	vand.u32 $0xC00, v58  }
0x1ce: {  	v59 =	vor.u32 v37, v36;
	[tilespmem:v33+s13+$0x0] =	vst.idx.msk $0xffff, v34  }
0x1cf: {  	s30 =	sand.u32 $0x7F, s31;
	v33 =	vor.u32 v1, v59;
	v34 =	vld.idx.msk [tilespmem:v56+s11+$0x0], $0xffff  }
0x1d0: {  	v60 =	vor.u32 s30, v32  }
0x1d1: {  	v61 =	vmov s17  }
0x1d2: {  	v62 =	vshll.u32 v61, $0x3  }
0x1d3: {  	v36 =	vand.u32 $0x7F, v61;
	v37 =	vand.u32 $0xC00, v62  }
0x1d4: {  	v63 =	vor.u32 v37, v36;
	[tilespmem:v33+s13+$0x0] =	vst.idx.msk $0xffff, v34  }
0x1d5: {  	p0 =	sne.s32 s17, $0x1FF;
	v33 =	vor.u32 v1, v63;
	v34 =	vld.idx.msk [tilespmem:v60+s11+$0x0], $0xffff  }
.Ltmp0:
0x1d6: {  	_ = 	snop;
	(pc) =	sbr.rel @p0 .LBB2_2-.Ltmp0, $2  }
0x1d7: {  	s31 =	sld [smem:$0x7F6];
	_ =	sdelay $0x2  }
0x1d8: {  	s0 =	sadd.s32 $0x20, s31;
	s17 =	sadd.s32 $0x20, s17;
	[tilespmem:v33+s13+$0x0] =	vst.idx.msk $0xffff, v34  }
0x1d9: {  	s0 =	sld [smem:$0x7F9];
	_ =	sdelay $0x1  }
0x1da: {  	s2 =	simm.s32 $0x1000;
	s3 =	simm.s32 $0x20000;
	s4 =	simm.s32 $0x2  }
0x1db: {  	[hbm4b:s0+s2] =	stream.strided.scatter [tilespmem:s13], [sflag:$0x2], $0x2000, s3, s2, $0x38;
	[tilespmem:$0x12200] =	vst v63  }
0x1dc: {  	_ =	swait.ge [sflag:s4], $0x2000  }
0x1dd: {  	s30 =	sld [smem:$0x7F7]  }
0x1de: {  	s31 =	sld [smem:$0x7FA];
	_ =	sdelay $0x1  }
0x1df: {  	s2 =	sadd.s32 $0x1, s30  }
0x1e0: {  	p0 =	sne.s32 s2, s31  }
.Ltmp1:
0x1e1: {  	_ = 	snop;
	(pc) =	sbr.rel @p0 .LBB2_1-.Ltmp1, $3  }
0x1e2: {  	_ =	sdelay $0x1  }
0x1e3: {  	[sflag:s4] =	ssyncset.done $0x0  }
0x1e4: {  	[sflag:s4] =	ssyncadd.s32 $0xFFFFE000  }
0x1e5: {  	_ =	sfence.sel $0x180000  }
0x1e6: {  	[bflag:$0x0] =	sbarrier.arrive $0xFFFF  }
0x1e7: {  	_ =	strace $0x90000047  }
0x1e8: {  	s0 =	stileid.u32;
	[bflag:$0x2] =	sbarrier.arrive $0xFFFF  }
0x1e9: {  	p0 =	sne.s32 s0, $0x0;
	s0 =	rddreg [dreg:$0x3]  }
0x1ea: {  	s0 =	sadd.s32 @!p0 $0x100000, s0  }
0x1eb: {  	[sflag:s0] =	ssyncadd.tile.s32 @!p0 $0x1;
	_ =	shalt  }
.Lfunc_end2:
_tile_overlayer_lowered:
.L_overlay_start_2:
0x1ec: {  	(tag) =	ssettag $0x2  }
0x1ed: {  	s0 =	rddreg [dreg:$0x0];
	s2 =	stileid.u32  }
0x1ee: {  	s1 =	rddreg [dreg:$0x1];
	p0 =	sne.s32 s2, $0x0  }
0x1ef: {  	s3 =	rddreg [dreg:$0x2];
	[bflag:$0x3] =	sbarrier.arrive $0xFFFF;
	s2 =	simm.s32 @!p0 $0x1C02  }
0x1f0: {  	[timem:s3], [sflag:s2] =	dma.local @!p0 [hbm:s0], s1  }
0x1f1: {  	s0 =	simm.s32 @!p0 $0x2  }
0x1f2: {  	_ =	swait.ge @!p0 [sflag:s0], s1  }
0x1f3: {  	s1 =	ssub.s32 @!p0 $0x0, s1;
	[sflag:s0] =	ssyncset.done @!p0 $0x0  }
0x1f4: {  	[sflag:s0] =	ssyncadd.s32 @!p0 s1  }
0x1f5: {  	[bflag:$0x3] =	sbarrier.arrive $0xFFFF  }
0x1f6: {  	_ =	shalt  }

</sc_bundles>
